<compile_context>
chip_gen: v7x
topology: tpu7x:2x2x1
jax: 0.10.2.dev20260603
libtpu: 0.0.44.dev20260713+nightly
codegen_flags: <defaults>
</compile_context>

<pallas_src>
import functools

import jax
import jax.numpy as jnp
from jax import lax
from jax.experimental import pallas as pl
from jax.experimental.pallas import tpu as pltpu
from jax.experimental.pallas import tpu_sc as plsc

N = 10000
E = 320000
D = 128
NC, NS = 2, 16
NW = NC * NS
EPW = 10240
EP = NW * EPW
NP = N + 8
RPT = 624
REM = NP - NS * RPT



def _tc1_body(x_ref, wl_ref, wr_ref, b_ref, p_ref, r_ref):
    x = x_ref[...]
    p_ref[...] = jnp.dot(x, wl_ref[...], preferred_element_type=jnp.float32)
    r_ref[...] = jnp.dot(x, wr_ref[...], preferred_element_type=jnp.float32) + b_ref[...]


def _tc2_body(agg_ref, cntp_ref, r1_ref, wl_ref, wr_ref, b_ref,
              p2_ref, r2_ref, cnt_ref):
    a = agg_ref[0, :N] + agg_ref[1, :N]
    cnt = jnp.maximum(
        jnp.sum(lax.transpose(cntp_ref[...], (1, 0)), axis=1, keepdims=True),
        1.0)
    h = jnp.maximum(a / cnt + r1_ref[...], 0.0)
    p2_ref[...] = jnp.dot(h, wl_ref[...], preferred_element_type=jnp.float32)
    r2_ref[...] = jnp.dot(h, wr_ref[...], preferred_element_type=jnp.float32) + b_ref[...]
    cnt_ref[...] = cnt


def _tc3_body(agg_ref, cnt_ref, r2_ref, w_ref, b_ref, out_ref):
    a = agg_ref[0, :N] + agg_ref[1, :N]
    h = jnp.maximum(a / cnt_ref[...] + r2_ref[...], 0.0)
    z = jnp.dot(h, w_ref[...], preferred_element_type=jnp.float32) + b_ref[...]
    out_ref[...] = jax.nn.sigmoid(z)



def _hist_step(slot, i, vpr, didx, buf, hist):
    r = i // vpr
    k = i % vpr
    idx = didx[slot, r, pl.ds(k * 16, 16)]
    buf[...] = idx
    io = lax.iota(jnp.int32, 16)
    one = jnp.ones((16,), jnp.int32)
    zero = jnp.zeros((16,), jnp.int32)
    later = idx != idx
    earlier = zero
    for r in range(1, 16):
        rot = plsc.load_gather(buf, [(io + r) & 15])
        e = idx == rot
        later = later | (e & (io < 16 - r))
        earlier = earlier + jnp.where(e & (io >= 16 - r), one, zero)
    cnt = (earlier + 1).astype(jnp.float32)
    plsc.addupdate_scatter(hist, [idx], cnt, mask=(~later) & (idx < N))


@functools.lru_cache(maxsize=None)
def _make_agg(with_cnt, K, RING, GSZ):
    NCH = EPW // K
    NG = NCH // GSZ
    mesh = plsc.VectorSubcoreMesh(core_axis_name="c", subcore_axis_name="s",
                                  num_cores=NC, num_subcores=NS)
    out_type = [jax.ShapeDtypeStruct((NC, NP, D), jnp.float32)]
    scratch = (
        [pltpu.VMEM((2, GSZ, K), jnp.int32),
         pltpu.VMEM((2, GSZ, K), jnp.int32)]
        + [pltpu.VMEM((K, D), jnp.float32) for _ in range(RING)]
        + [pltpu.VMEM_SHARED((NP, D), jnp.float32)]
        + [pltpu.SemaphoreType.DMA]
        + [pltpu.SemaphoreType.DMA for _ in range(RING)]
        + [pltpu.SemaphoreType.DMA for _ in range(RING)]
    )
    if with_cnt:
        out_type.append(jax.ShapeDtypeStruct((NW, N), jnp.float32))
        scratch += [
            pltpu.VMEM((N,), jnp.float32),
            pltpu.VMEM((16,), jnp.int32),
        ]

    @functools.partial(
        pl.kernel, out_type=out_type, mesh=mesh, scratch_types=scratch,
        compiler_params=pltpu.CompilerParams(needs_layout_passes=False))
    def agg(p_hbm, src_hbm, dst_hbm, zz_hbm, zc_hbm, *refs):
        if with_cnt:
            *refs, hist, buf = refs
        (out_hbm, *refs) = refs
        if with_cnt:
            (cnt_hbm, *refs) = refs
        sidx, didx = refs[0], refs[1]
        rows = tuple(refs[2:2 + RING])
        acc = refs[2 + RING]
        isem = refs[3 + RING]
        gsem = tuple(refs[4 + RING:4 + 2 * RING])
        ssem = tuple(refs[4 + 2 * RING:4 + 3 * RING])
        c = lax.axis_index("c")
        s = lax.axis_index("s")
        w = c * NS + s

        def idx_prefetch(g, slot):
            pltpu.async_copy(src_hbm.at[w, pl.ds(g * GSZ, GSZ)],
                             sidx.at[slot], isem)
            pltpu.async_copy(dst_hbm.at[w, pl.ds(g * GSZ, GSZ)],
                             didx.at[slot], isem)

        def idx_wait():
            pltpu.make_async_copy(src_hbm.at[w, pl.ds(0, GSZ)],
                                  sidx.at[0], isem).wait()
            pltpu.make_async_copy(dst_hbm.at[w, pl.ds(0, GSZ)],
                                  didx.at[0], isem).wait()

        def gather_start(gslot, r, q):
            pltpu.async_copy(p_hbm.at[sidx.at[gslot, r]], rows[q], gsem[q])

        def gather_wait(q):
            pltpu.make_async_copy(p_hbm.at[sidx.at[0, 0]], rows[q],
                                  gsem[q]).wait()

        def scatter_start(gslot, r, q):
            pltpu.async_copy(rows[q], acc.at[didx.at[gslot, r]], ssem[q],
                             add=True)

        def scatter_wait(q):
            pltpu.make_async_copy(rows[q], acc.at[didx.at[0, 0]],
                                  ssem[q]).wait()

        idx_prefetch(0, 0)
        pltpu.sync_copy(zz_hbm.at[pl.ds(s * RPT, RPT)], acc.at[pl.ds(s * RPT, RPT)])

        @pl.when(s == NS - 1)
        def _():
            pltpu.sync_copy(zz_hbm.at[pl.ds(NS * RPT, REM)],
                            acc.at[pl.ds(NS * RPT, REM)])

        if with_cnt:
            pltpu.sync_copy(zc_hbm, hist)

        idx_wait()
        for q in range(RING - 1):
            gather_start(0, q, q)
        plsc.subcore_barrier()

        LOOK = RING - 1

        def group_body(g, carry):
            gslot = g % 2

            for r in range(GSZ):
                j = g * GSZ + r
                q = r % RING

                gather_wait(q)
                scatter_start(gslot, r, q)

                if r == 1:
                    @pl.when(g < NG - 1)
                    def _():
                        idx_prefetch(g + 1, 1 - gslot)

                p = (r + LOOK) % RING
                if r < GSZ - LOOK:
                    @pl.when(j >= 1)
                    def _():
                        scatter_wait(p)

                    gather_start(gslot, r + LOOK, p)
                else:
                    @pl.when(g < NG - 1)
                    def _():
                        if r == GSZ - LOOK:
                            idx_wait()
                        scatter_wait(p)
                        gather_start(1 - gslot, r - (GSZ - LOOK), p)

            if with_cnt:
                def hbody(i, hcarry):
                    _hist_step(gslot, i, K // 16, didx, buf, hist)
                    return hcarry

                lax.fori_loop(0, GSZ * K // 16, hbody, 0)
            return carry

        lax.fori_loop(0, NG, group_body, 0)

        if with_cnt:
            pltpu.sync_copy(hist, cnt_hbm.at[w])
        for q in range(RING):
            scatter_wait(q)
        plsc.subcore_barrier()
        pltpu.sync_copy(acc.at[pl.ds(s * RPT, RPT)],
                        out_hbm.at[c, pl.ds(s * RPT, RPT)])

        @pl.when(s == NS - 1)
        def _():
            pltpu.sync_copy(acc.at[pl.ds(NS * RPT, REM)],
                            out_hbm.at[c, pl.ds(NS * RPT, REM)])

    return agg


def kernel(x, edge_index, W1_l, b1, W1_r, W2_l, b2, W2_r, W_lin, b_lin):
    ei = edge_index.astype(jnp.int32)
    pad = EP - E
    srcf = jnp.concatenate(
        [ei[0], jnp.arange(pad, dtype=jnp.int32) % N]).reshape(NW, EPW)
    dstf = jnp.concatenate(
        [ei[1], jnp.full((pad,), N, jnp.int32)]).reshape(NW, EPW)
    zz = jnp.zeros((NP, D), jnp.float32)
    zc = jnp.zeros((N,), jnp.float32)
    f32 = jnp.float32

    p1, r1 = pl.pallas_call(_tc1_body, out_shape=[
        jax.ShapeDtypeStruct((N, D), f32),
        jax.ShapeDtypeStruct((N, D), f32),
    ])(x, W1_l, W1_r, b1.reshape(1, D))

    K1a, R1a, G1a = 64, 4, 8
    aggp1, cntp = _make_agg(True, K1a, R1a, G1a)(
        p1, srcf.reshape(NW, EPW // K1a, K1a),
        dstf.reshape(NW, EPW // K1a, K1a), zz, zc)

    p2, r2, cnt = pl.pallas_call(_tc2_body, out_shape=[
        jax.ShapeDtypeStruct((N, D), f32),
        jax.ShapeDtypeStruct((N, D), f32),
        jax.ShapeDtypeStruct((N, 1), f32),
    ])(aggp1, cntp, r1, W2_l, W2_r, b2.reshape(1, D))

    K2a, R2a, G2a = 64, 4, 8
    aggp2, = _make_agg(False, K2a, R2a, G2a)(
        p2, srcf.reshape(NW, EPW // K2a, K2a),
        dstf.reshape(NW, EPW // K2a, K2a), zz, zc)

    out = pl.pallas_call(_tc3_body, out_shape=[
        jax.ShapeDtypeStruct((N, D), f32),
    ])(aggp2, cnt, r2, W_lin, b_lin.reshape(1, D))[0]

    return out

# --- scband reference (transcript-rebuilt; emitter-appended) ---
"""Pipeline reference for scband-gnn-linear-16904991277556 (READ-ONLY COPY).

The authoritative reference and input builder live on the scoring server;
editing this copy changes nothing except your own understanding.
"""

import jax, jax.numpy as jnp
import numpy as np

N_NODES = 10000
N_EDGES = 320000
D_FEAT = 128
H1 = 128
H2 = 128
OUT = 128

def setup_inputs(seed: int = 0) -> dict:
    key = jax.random.key(seed)
    ks = jax.random.split(key, 12)
    x = jax.random.normal(ks[0], (N_NODES, D_FEAT), dtype=jnp.float32)
    edge_index = jax.random.randint(ks[1], (2, N_EDGES), 0, N_NODES, dtype=jnp.int64)
    s1 = 1.0 / np.sqrt(D_FEAT)
    s2 = 1.0 / np.sqrt(H1)
    s3 = 1.0 / np.sqrt(H2)
    W1_l = jax.random.uniform(ks[2], (D_FEAT, H1), jnp.float32, -s1, s1)
    b1 = jax.random.uniform(ks[3], (H1,), jnp.float32, -s1, s1)
    W1_r = jax.random.uniform(ks[4], (D_FEAT, H1), jnp.float32, -s1, s1)
    W2_l = jax.random.uniform(ks[5], (H1, H2), jnp.float32, -s2, s2)
    b2 = jax.random.uniform(ks[6], (H2,), jnp.float32, -s2, s2)
    W2_r = jax.random.uniform(ks[7], (H1, H2), jnp.float32, -s2, s2)
    W_lin = jax.random.uniform(ks[8], (H2, OUT), jnp.float32, -s3, s3)
    b_lin = jax.random.uniform(ks[9], (OUT,), jnp.float32, -s3, s3)
    return {"x": x, "edge_index": edge_index, "W1_l": W1_l, "b1": b1, "W1_r": W1_r, "W2_l": W2_l, "b2": b2, "W2_r": W2_r, "W_lin": W_lin, "b_lin": b_lin}

def _sage_conv(x, src, dst, n_nodes, Wl, b, Wr):
    # PyG SAGEConv with mean aggregation:
    # out = lin_l(mean_{j in N(i)} x_j) + lin_r(x_i)
    msg = jnp.take(x, src, axis=0)
    agg = jax.ops.segment_sum(msg, dst, num_segments=n_nodes)
    cnt = jax.ops.segment_sum(jnp.ones((src.shape[0],), x.dtype), dst, num_segments=n_nodes)
    mean = agg / jnp.clip(cnt, 1.0, None)[:, None]
    return mean @ Wl + b + x @ Wr

def reference(x, edge_index, W1_l, b1, W1_r, W2_l, b2, W2_r, W_lin, b_lin):
    n_nodes = x.shape[0]
    src = edge_index[0]
    dst = edge_index[1]
    h = _sage_conv(x, src, dst, n_nodes, W1_l, b1, W1_r)
    h = jax.nn.relu(h)
    h = _sage_conv(h, src, dst, n_nodes, W2_l, b2, W2_r)
    h = jax.nn.relu(h)
    out = h @ W_lin + b_lin
    out = jax.nn.sigmoid(out)
    return out

if __name__ == "__main__":
    import jax
    _d = setup_inputs()
    print(jax.jit(kernel)(*tuple(_d.values())))

</pallas_src>

<mosaic_0001>
#map = affine_map<(d0, d1) -> (0, 0)>
#map1 = affine_map<(d0, d1) -> (0, 0, 0)>
#map2 = affine_map<(d0, d1) -> (0)>
module attributes {stable_mosaic.version = 14 : i64} {
  func.func @agg(%arg0: i32, %arg1: i32, %arg2: memref<10000x128xf32, #tpu.memory_space<hbm>>, %arg3: memref<32x160x64xi32, #tpu.memory_space<hbm>>, %arg4: memref<32x160x64xi32, #tpu.memory_space<hbm>>, %arg5: memref<10008x128xf32, #tpu.memory_space<hbm>>, %arg6: memref<10000xf32, #tpu.memory_space<hbm>>, %arg7: memref<2x10008x128xf32, #tpu.memory_space<hbm>>, %arg8: memref<2x8x64xi32, #tpu.memory_space<vmem>>, %arg9: memref<2x8x64xi32, #tpu.memory_space<vmem>>, %arg10: memref<64x128xf32, #tpu.memory_space<vmem>>, %arg11: memref<64x128xf32, #tpu.memory_space<vmem>>, %arg12: memref<64x128xf32, #tpu.memory_space<vmem>>, %arg13: memref<64x128xf32, #tpu.memory_space<vmem>>, %arg14: memref<10008x128xf32, #tpu.memory_space<vmem_shared>>, %arg15: memref<!tpu.dma_semaphore, #tpu.memory_space<semaphore_mem>>, %arg16: memref<!tpu.dma_semaphore, #tpu.memory_space<semaphore_mem>>, %arg17: memref<!tpu.dma_semaphore, #tpu.memory_space<semaphore_mem>>, %arg18: memref<!tpu.dma_semaphore, #tpu.memory_space<semaphore_mem>>, %arg19: memref<!tpu.dma_semaphore, #tpu.memory_space<semaphore_mem>>, %arg20: memref<!tpu.dma_semaphore, #tpu.memory_space<semaphore_mem>>, %arg21: memref<!tpu.dma_semaphore, #tpu.memory_space<semaphore_mem>>, %arg22: memref<!tpu.dma_semaphore, #tpu.memory_space<semaphore_mem>>, %arg23: memref<!tpu.dma_semaphore, #tpu.memory_space<semaphore_mem>>) attributes {dimension_semantics = [#tpu.dimension_semantics<core_parallel>, #tpu.dimension_semantics<subcore_parallel>], iteration_bounds = array<i64: 2, 16>, scalar_prefetch = 0 : i64, scratch_operands = 16 : i64, tpu.core_type = #tpu.core_type<sc_vector_subcore>, window_params = [{transform_indices = #map}, {transform_indices = #map1}, {transform_indices = #map1}, {transform_indices = #map}, {transform_indices = #map2}, {transform_indices = #map1}]} {
    %mul3A = arith.constant 16 : i32
    %mul3A_0 = arith.muli %arg0, %mul3A : i32
    %add3A = arith.addi %mul3A_0, %arg1 : i32
    %dma_start3A = arith.constant 0 : i32
    %dma_start3A_1 = arith.constant 0 : i32
    %dma_start3A_2 = arith.constant 0 : i32
    %dma_start3A_3 = tpu.memref_slice %arg8[%dma_start3A, %dma_start3A_1, %dma_start3A_2] : memref<2x8x64xi32, #tpu.memory_space<vmem>> -> memref<1x8x64xi32, #tpu.memory_space<vmem>>
    %dma_start3A_4 = tpu.memref_squeeze %dma_start3A_3 : memref<1x8x64xi32, #tpu.memory_space<vmem>> -> memref<8x64xi32, #tpu.memory_space<vmem>>
    %dma_start3A_5 = arith.constant 0 : i32
    %dma_start3A_6 = arith.constant 0 : i32
    %dma_start3A_7 = tpu.memref_slice %arg3[%add3A, %dma_start3A_5, %dma_start3A_6] : memref<32x160x64xi32, #tpu.memory_space<hbm>> -> memref<1x8x64xi32, #tpu.memory_space<hbm>>
    %dma_start3A_8 = tpu.memref_squeeze %dma_start3A_7 : memref<1x8x64xi32, #tpu.memory_space<hbm>> -> memref<8x64xi32, #tpu.memory_space<hbm>>
    %dma_start3A_9 = arith.constant 0 : i32
    %dma_start3A_10 = arith.constant 0 : i32
    %dma_start3A_11 = tpu.memref_slice %arg8[%dma_start3A, %dma_start3A_9, %dma_start3A_10] : memref<2x8x64xi32, #tpu.memory_space<vmem>> -> memref<1x8x64xi32, #tpu.memory_space<vmem>>
    %dma_start3A_12 = tpu.memref_squeeze %dma_start3A_11 : memref<1x8x64xi32, #tpu.memory_space<vmem>> -> memref<8x64xi32, #tpu.memory_space<vmem>>
    %dma_start3A_13 = arith.constant 0 : i32
    %dma_start3A_14 = arith.constant 0 : i32
    %dma_start3A_15 = tpu.memref_slice %arg3[%add3A, %dma_start3A_13, %dma_start3A_14] : memref<32x160x64xi32, #tpu.memory_space<hbm>> -> memref<1x8x64xi32, #tpu.memory_space<hbm>>
    %dma_start3A_16 = tpu.memref_squeeze %dma_start3A_15 : memref<1x8x64xi32, #tpu.memory_space<hbm>> -> memref<8x64xi32, #tpu.memory_space<hbm>>
    tpu.enqueue_dma source(%dma_start3A_16 : memref<8x64xi32, #tpu.memory_space<hbm>>) target(%dma_start3A_12 : memref<8x64xi32, #tpu.memory_space<vmem>>) target_semaphore(%arg15 : memref<!tpu.dma_semaphore, #tpu.memory_space<semaphore_mem>>)
    %dma_start3A_17 = arith.constant 0 : i32
    %dma_start3A_18 = arith.constant 0 : i32
    %dma_start3A_19 = arith.constant 0 : i32
    %dma_start3A_20 = tpu.memref_slice %arg9[%dma_start3A_17, %dma_start3A_18, %dma_start3A_19] : memref<2x8x64xi32, #tpu.memory_space<vmem>> -> memref<1x8x64xi32, #tpu.memory_space<vmem>>
    %dma_start3A_21 = tpu.memref_squeeze %dma_start3A_20 : memref<1x8x64xi32, #tpu.memory_space<vmem>> -> memref<8x64xi32, #tpu.memory_space<vmem>>
    %dma_start3A_22 = arith.constant 0 : i32
    %dma_start3A_23 = arith.constant 0 : i32
    %dma_start3A_24 = tpu.memref_slice %arg4[%add3A, %dma_start3A_22, %dma_start3A_23] : memref<32x160x64xi32, #tpu.memory_space<hbm>> -> memref<1x8x64xi32, #tpu.memory_space<hbm>>
    %dma_start3A_25 = tpu.memref_squeeze %dma_start3A_24 : memref<1x8x64xi32, #tpu.memory_space<hbm>> -> memref<8x64xi32, #tpu.memory_space<hbm>>
    %dma_start3A_26 = arith.constant 0 : i32
    %dma_start3A_27 = arith.constant 0 : i32
    %dma_start3A_28 = tpu.memref_slice %arg9[%dma_start3A_17, %dma_start3A_26, %dma_start3A_27] : memref<2x8x64xi32, #tpu.memory_space<vmem>> -> memref<1x8x64xi32, #tpu.memory_space<vmem>>
    %dma_start3A_29 = tpu.memref_squeeze %dma_start3A_28 : memref<1x8x64xi32, #tpu.memory_space<vmem>> -> memref<8x64xi32, #tpu.memory_space<vmem>>
    %dma_start3A_30 = arith.constant 0 : i32
    %dma_start3A_31 = arith.constant 0 : i32
    %dma_start3A_32 = tpu.memref_slice %arg4[%add3A, %dma_start3A_30, %dma_start3A_31] : memref<32x160x64xi32, #tpu.memory_space<hbm>> -> memref<1x8x64xi32, #tpu.memory_space<hbm>>
    %dma_start3A_33 = tpu.memref_squeeze %dma_start3A_32 : memref<1x8x64xi32, #tpu.memory_space<hbm>> -> memref<8x64xi32, #tpu.memory_space<hbm>>
    tpu.enqueue_dma source(%dma_start3A_33 : memref<8x64xi32, #tpu.memory_space<hbm>>) target(%dma_start3A_29 : memref<8x64xi32, #tpu.memory_space<vmem>>) target_semaphore(%arg15 : memref<!tpu.dma_semaphore, #tpu.memory_space<semaphore_mem>>)
    %mul3A_34 = arith.constant 624 : i32
    %mul3A_35 = arith.muli %arg1, %mul3A_34 : i32
    %mul3A_36 = arith.constant 624 : i32
    %mul3A_37 = arith.muli %arg1, %mul3A_36 : i32
    "tpu.region"() ({
      %run_scoped3A = tpu.sem_alloc : memref<!tpu.dma_semaphore, #tpu.memory_space<semaphore_mem>>
      %dma_start3A_144 = arith.constant 0 : i32
      %dma_start3A_145 = tpu.memref_slice %arg14[%mul3A_37, %dma_start3A_144] : memref<10008x128xf32, #tpu.memory_space<vmem_shared>> -> memref<624x128xf32, #tpu.memory_space<vmem_shared>>
      %dma_start3A_146 = arith.constant 0 : i32
      %dma_start3A_147 = tpu.memref_slice %arg5[%mul3A_35, %dma_start3A_146] : memref<10008x128xf32, #tpu.memory_space<hbm>> -> memref<624x128xf32, #tpu.memory_space<hbm>>
      tpu.enqueue_dma source(%dma_start3A_147 : memref<624x128xf32, #tpu.memory_space<hbm>>) target(%dma_start3A_145 : memref<624x128xf32, #tpu.memory_space<vmem_shared>>) target_semaphore(%run_scoped3A : memref<!tpu.dma_semaphore, #tpu.memory_space<semaphore_mem>>)
      %dma_wait3A_148 = arith.constant 0 : i32
      %dma_wait3A_149 = tpu.memref_slice %arg14[%mul3A_37, %dma_wait3A_148] : memref<10008x128xf32, #tpu.memory_space<vmem_shared>> -> memref<624x128xf32, #tpu.memory_space<vmem_shared>>
      %dma_wait3A_150 = arith.constant 0 : i32
      %dma_wait3A_151 = tpu.memref_slice %arg5[%mul3A_35, %dma_wait3A_150] : memref<10008x128xf32, #tpu.memory_space<hbm>> -> memref<624x128xf32, #tpu.memory_space<hbm>>
      tpu.wait_dma2 semaphore(%run_scoped3A : memref<!tpu.dma_semaphore, #tpu.memory_space<semaphore_mem>>) src(%dma_wait3A_151 : memref<624x128xf32, #tpu.memory_space<hbm>>) dst(%dma_wait3A_149 : memref<624x128xf32, #tpu.memory_space<vmem_shared>>)
      tpu.yield
    }) : () -> ()
    %eq3A = arith.constant 15 : i32
    %eq3A_38 = arith.cmpi eq, %arg1, %eq3A : i32
    %convert_element_type3A = arith.extui %eq3A_38 : i1 to i32
    %cond3A = arith.constant 0 : i32
    %cond3A_39 = arith.cmpi ne, %convert_element_type3A, %cond3A : i32
    scf.if %cond3A_39 {
      "tpu.region"() ({
        %run_scoped3A = tpu.sem_alloc : memref<!tpu.dma_semaphore, #tpu.memory_space<semaphore_mem>>
        %dma_start3A_144 = arith.constant 9984 : i32
        %dma_start3A_145 = arith.constant 0 : i32
        %dma_start3A_146 = tpu.memref_slice %arg14[%dma_start3A_144, %dma_start3A_145] : memref<10008x128xf32, #tpu.memory_space<vmem_shared>> -> memref<24x128xf32, #tpu.memory_space<vmem_shared>>
        %dma_start3A_147 = arith.constant 9984 : i32
        %dma_start3A_148 = arith.constant 0 : i32
        %dma_start3A_149 = tpu.memref_slice %arg5[%dma_start3A_147, %dma_start3A_148] : memref<10008x128xf32, #tpu.memory_space<hbm>> -> memref<24x128xf32, #tpu.memory_space<hbm>>
        tpu.enqueue_dma source(%dma_start3A_149 : memref<24x128xf32, #tpu.memory_space<hbm>>) target(%dma_start3A_146 : memref<24x128xf32, #tpu.memory_space<vmem_shared>>) target_semaphore(%run_scoped3A : memref<!tpu.dma_semaphore, #tpu.memory_space<semaphore_mem>>)
        %dma_wait3A_150 = arith.constant 9984 : i32
        %dma_wait3A_151 = arith.constant 0 : i32
        %dma_wait3A_152 = tpu.memref_slice %arg14[%dma_wait3A_150, %dma_wait3A_151] : memref<10008x128xf32, #tpu.memory_space<vmem_shared>> -> memref<24x128xf32, #tpu.memory_space<vmem_shared>>
        %dma_wait3A_153 = arith.constant 9984 : i32
        %dma_wait3A_154 = arith.constant 0 : i32
        %dma_wait3A_155 = tpu.memref_slice %arg5[%dma_wait3A_153, %dma_wait3A_154] : memref<10008x128xf32, #tpu.memory_space<hbm>> -> memref<24x128xf32, #tpu.memory_space<hbm>>
        tpu.wait_dma2 semaphore(%run_scoped3A : memref<!tpu.dma_semaphore, #tpu.memory_space<semaphore_mem>>) src(%dma_wait3A_155 : memref<24x128xf32, #tpu.memory_space<hbm>>) dst(%dma_wait3A_152 : memref<24x128xf32, #tpu.memory_space<vmem_shared>>)
        tpu.yield
      }) : () -> ()
    } else {
    }
    %dma_wait3A = arith.constant 0 : i32
    %dma_wait3A_40 = arith.constant 0 : i32
    %dma_wait3A_41 = arith.constant 0 : i32
    %dma_wait3A_42 = tpu.memref_slice %arg8[%dma_wait3A, %dma_wait3A_40, %dma_wait3A_41] : memref<2x8x64xi32, #tpu.memory_space<vmem>> -> memref<1x8x64xi32, #tpu.memory_space<vmem>>
    %dma_wait3A_43 = tpu.memref_squeeze %dma_wait3A_42 : memref<1x8x64xi32, #tpu.memory_space<vmem>> -> memref<8x64xi32, #tpu.memory_space<vmem>>
    %dma_wait3A_44 = arith.constant 0 : i32
    %dma_wait3A_45 = arith.constant 0 : i32
    %dma_wait3A_46 = tpu.memref_slice %arg3[%add3A, %dma_wait3A_44, %dma_wait3A_45] : memref<32x160x64xi32, #tpu.memory_space<hbm>> -> memref<1x8x64xi32, #tpu.memory_space<hbm>>
    %dma_wait3A_47 = tpu.memref_squeeze %dma_wait3A_46 : memref<1x8x64xi32, #tpu.memory_space<hbm>> -> memref<8x64xi32, #tpu.memory_space<hbm>>
    %dma_wait3A_48 = arith.constant 0 : i32
    %dma_wait3A_49 = arith.constant 0 : i32
    %dma_wait3A_50 = tpu.memref_slice %arg8[%dma_wait3A, %dma_wait3A_48, %dma_wait3A_49] : memref<2x8x64xi32, #tpu.memory_space<vmem>> -> memref<1x8x64xi32, #tpu.memory_space<vmem>>
    %dma_wait3A_51 = tpu.memref_squeeze %dma_wait3A_50 : memref<1x8x64xi32, #tpu.memory_space<vmem>> -> memref<8x64xi32, #tpu.memory_space<vmem>>
    %dma_wait3A_52 = arith.constant 0 : i32
    %dma_wait3A_53 = arith.constant 0 : i32
    %dma_wait3A_54 = tpu.memref_slice %arg3[%add3A, %dma_wait3A_52, %dma_wait3A_53] : memref<32x160x64xi32, #tpu.memory_space<hbm>> -> memref<1x8x64xi32, #tpu.memory_space<hbm>>
    %dma_wait3A_55 = tpu.memref_squeeze %dma_wait3A_54 : memref<1x8x64xi32, #tpu.memory_space<hbm>> -> memref<8x64xi32, #tpu.memory_space<hbm>>
    tpu.wait_dma2 semaphore(%arg15 : memref<!tpu.dma_semaphore, #tpu.memory_space<semaphore_mem>>) src(%dma_wait3A_55 : memref<8x64xi32, #tpu.memory_space<hbm>>) dst(%dma_wait3A_51 : memref<8x64xi32, #tpu.memory_space<vmem>>)
    %dma_wait3A_56 = arith.constant 0 : i32
    %dma_wait3A_57 = arith.constant 0 : i32
    %dma_wait3A_58 = arith.constant 0 : i32
    %dma_wait3A_59 = tpu.memref_slice %arg9[%dma_wait3A_56, %dma_wait3A_57, %dma_wait3A_58] : memref<2x8x64xi32, #tpu.memory_space<vmem>> -> memref<1x8x64xi32, #tpu.memory_space<vmem>>
    %dma_wait3A_60 = tpu.memref_squeeze %dma_wait3A_59 : memref<1x8x64xi32, #tpu.memory_space<vmem>> -> memref<8x64xi32, #tpu.memory_space<vmem>>
    %dma_wait3A_61 = arith.constant 0 : i32
    %dma_wait3A_62 = arith.constant 0 : i32
    %dma_wait3A_63 = tpu.memref_slice %arg4[%add3A, %dma_wait3A_61, %dma_wait3A_62] : memref<32x160x64xi32, #tpu.memory_space<hbm>> -> memref<1x8x64xi32, #tpu.memory_space<hbm>>
    %dma_wait3A_64 = tpu.memref_squeeze %dma_wait3A_63 : memref<1x8x64xi32, #tpu.memory_space<hbm>> -> memref<8x64xi32, #tpu.memory_space<hbm>>
    %dma_wait3A_65 = arith.constant 0 : i32
    %dma_wait3A_66 = arith.constant 0 : i32
    %dma_wait3A_67 = tpu.memref_slice %arg9[%dma_wait3A_56, %dma_wait3A_65, %dma_wait3A_66] : memref<2x8x64xi32, #tpu.memory_space<vmem>> -> memref<1x8x64xi32, #tpu.memory_space<vmem>>
    %dma_wait3A_68 = tpu.memref_squeeze %dma_wait3A_67 : memref<1x8x64xi32, #tpu.memory_space<vmem>> -> memref<8x64xi32, #tpu.memory_space<vmem>>
    %dma_wait3A_69 = arith.constant 0 : i32
    %dma_wait3A_70 = arith.constant 0 : i32
    %dma_wait3A_71 = tpu.memref_slice %arg4[%add3A, %dma_wait3A_69, %dma_wait3A_70] : memref<32x160x64xi32, #tpu.memory_space<hbm>> -> memref<1x8x64xi32, #tpu.memory_space<hbm>>
    %dma_wait3A_72 = tpu.memref_squeeze %dma_wait3A_71 : memref<1x8x64xi32, #tpu.memory_space<hbm>> -> memref<8x64xi32, #tpu.memory_space<hbm>>
    tpu.wait_dma2 semaphore(%arg15 : memref<!tpu.dma_semaphore, #tpu.memory_space<semaphore_mem>>) src(%dma_wait3A_72 : memref<8x64xi32, #tpu.memory_space<hbm>>) dst(%dma_wait3A_68 : memref<8x64xi32, #tpu.memory_space<vmem>>)
    %dma_start3A_73 = arith.constant 0 : i32
    %dma_start3A_74 = arith.constant 0 : i32
    %dma_start3A_75 = arith.constant 0 : i32
    %dma_start3A_76 = tpu.memref_slice %arg8[%dma_start3A_73, %dma_start3A_74, %dma_start3A_75] : memref<2x8x64xi32, #tpu.memory_space<vmem>> -> memref<1x1x64xi32, #tpu.memory_space<vmem>>
    %dma_start3A_77 = tpu.memref_squeeze %dma_start3A_76 : memref<1x1x64xi32, #tpu.memory_space<vmem>> -> memref<64xi32, #tpu.memory_space<vmem>>
    %dma_start3A_78 = arith.constant 0 : i32
    %dma_start3A_79 = arith.constant 0 : i32
    %dma_start3A_80 = tpu.memref_slice %arg2[%dma_start3A_78, %dma_start3A_79] : memref<10000x128xf32, #tpu.memory_space<hbm>> -> memref<10000x128xf32, #tpu.memory_space<hbm>>
    tpu.enqueue_indirect_dma source(%dma_start3A_80 : memref<10000x128xf32, #tpu.memory_space<hbm>>) target(%arg10 : memref<64x128xf32, #tpu.memory_space<vmem>>) offsets(%dma_start3A_77 : memref<64xi32, #tpu.memory_space<vmem>>) semaphore(%arg16 : memref<!tpu.dma_semaphore, #tpu.memory_space<semaphore_mem>>)
    %dma_start3A_81 = arith.constant 0 : i32
    %dma_start3A_82 = arith.constant 1 : i32
    %dma_start3A_83 = arith.constant 0 : i32
    %dma_start3A_84 = tpu.memref_slice %arg8[%dma_start3A_81, %dma_start3A_82, %dma_start3A_83] : memref<2x8x64xi32, #tpu.memory_space<vmem>> -> memref<1x1x64xi32, #tpu.memory_space<vmem>>
    %dma_start3A_85 = tpu.memref_squeeze %dma_start3A_84 : memref<1x1x64xi32, #tpu.memory_space<vmem>> -> memref<64xi32, #tpu.memory_space<vmem>>
    %dma_start3A_86 = arith.constant 0 : i32
    %dma_start3A_87 = arith.constant 0 : i32
    %dma_start3A_88 = tpu.memref_slice %arg2[%dma_start3A_86, %dma_start3A_87] : memref<10000x128xf32, #tpu.memory_space<hbm>> -> memref<10000x128xf32, #tpu.memory_space<hbm>>
    tpu.enqueue_indirect_dma source(%dma_start3A_88 : memref<10000x128xf32, #tpu.memory_space<hbm>>) target(%arg11 : memref<64x128xf32, #tpu.memory_space<vmem>>) offsets(%dma_start3A_85 : memref<64xi32, #tpu.memory_space<vmem>>) semaphore(%arg17 : memref<!tpu.dma_semaphore, #tpu.memory_space<semaphore_mem>>)
    %dma_start3A_89 = arith.constant 0 : i32
    %dma_start3A_90 = arith.constant 2 : i32
    %dma_start3A_91 = arith.constant 0 : i32
    %dma_start3A_92 = tpu.memref_slice %arg8[%dma_start3A_89, %dma_start3A_90, %dma_start3A_91] : memref<2x8x64xi32, #tpu.memory_space<vmem>> -> memref<1x1x64xi32, #tpu.memory_space<vmem>>
    %dma_start3A_93 = tpu.memref_squeeze %dma_start3A_92 : memref<1x1x64xi32, #tpu.memory_space<vmem>> -> memref<64xi32, #tpu.memory_space<vmem>>
    %dma_start3A_94 = arith.constant 0 : i32
    %dma_start3A_95 = arith.constant 0 : i32
    %dma_start3A_96 = tpu.memref_slice %arg2[%dma_start3A_94, %dma_start3A_95] : memref<10000x128xf32, #tpu.memory_space<hbm>> -> memref<10000x128xf32, #tpu.memory_space<hbm>>
    tpu.enqueue_indirect_dma source(%dma_start3A_96 : memref<10000x128xf32, #tpu.memory_space<hbm>>) target(%arg12 : memref<64x128xf32, #tpu.memory_space<vmem>>) offsets(%dma_start3A_93 : memref<64xi32, #tpu.memory_space<vmem>>) semaphore(%arg18 : memref<!tpu.dma_semaphore, #tpu.memory_space<semaphore_mem>>)
    %barrier3A = arith.constant 0 : index
    tpu.barrier barrier_id(%barrier3A)
    %scan3A = arith.constant 0 : i32
    %scan3A_97 = arith.constant 0 : i32
    %scan3A_98 = arith.constant 20 : i32
    %scan3A_99 = arith.addi %scan3A_97, %scan3A_98 : i32
    %scan3A_100 = arith.constant 1 : i32
    scf.for %scan3A_144 = %scan3A_97 to %scan3A_99 step %scan3A_100  : i32 {
      %jit3A = arith.constant 2 : i32
      %eq3A_145 = arith.constant 0 : i32
      %eq3A_146 = arith.cmpi eq, %jit3A, %eq3A_145 : i32
      %jit3A_147 = arith.constant 1 : i32
      %select_n3A = arith.select %eq3A_146, %jit3A_147, %jit3A : i32
      %rem3A = arith.remsi %scan3A_144, %select_n3A : i32
      %ne3A = arith.constant 0 : i32
      %ne3A_148 = arith.cmpi ne, %rem3A, %ne3A : i32
      %lt3A = arith.constant 0 : i32
      %lt3A_149 = arith.cmpi slt, %rem3A, %lt3A : i32
      %lt3A_150 = arith.constant 0 : i32
      %lt3A_151 = arith.cmpi slt, %select_n3A, %lt3A_150 : i32
      %ne3A_152 = arith.xori %lt3A_149, %lt3A_151 : i1
      %and3A = arith.andi %ne3A_152, %ne3A_148 : i1
      %add3A_153 = arith.addi %rem3A, %select_n3A : i32
      %select_n3A_154 = arith.select %and3A, %add3A_153, %rem3A : i32
      %mul3A_155 = arith.constant 8 : i32
      %mul3A_156 = arith.muli %scan3A_144, %mul3A_155 : i32
      %add3A_157 = arith.constant 0 : i32
      %add3A_158 = arith.addi %mul3A_156, %add3A_157 : i32
      %dma_wait3A_159 = arith.constant 0 : i32
      %dma_wait3A_160 = arith.constant 0 : i32
      %dma_wait3A_161 = arith.constant 0 : i32
      %dma_wait3A_162 = tpu.memref_slice %arg8[%dma_wait3A_159, %dma_wait3A_160, %dma_wait3A_161] : memref<2x8x64xi32, #tpu.memory_space<vmem>> -> memref<1x1x64xi32, #tpu.memory_space<vmem>>
      %dma_wait3A_163 = tpu.memref_squeeze %dma_wait3A_162 : memref<1x1x64xi32, #tpu.memory_space<vmem>> -> memref<64xi32, #tpu.memory_space<vmem>>
      %dma_wait3A_164 = arith.constant 0 : i32
      %dma_wait3A_165 = arith.constant 0 : i32
      %dma_wait3A_166 = tpu.memref_slice %arg2[%dma_wait3A_164, %dma_wait3A_165] : memref<10000x128xf32, #tpu.memory_space<hbm>> -> memref<10000x128xf32, #tpu.memory_space<hbm>>
      tpu.wait_indirect_dma semaphore(%arg16 : memref<!tpu.dma_semaphore, #tpu.memory_space<semaphore_mem>>) src(%dma_wait3A_166 : memref<10000x128xf32, #tpu.memory_space<hbm>>) dst(%arg10 : memref<64x128xf32, #tpu.memory_space<vmem>>)
      %dma_start3A_167 = arith.constant 0 : i32
      %dma_start3A_168 = arith.constant 0 : i32
      %dma_start3A_169 = tpu.memref_slice %arg9[%select_n3A_154, %dma_start3A_167, %dma_start3A_168] : memref<2x8x64xi32, #tpu.memory_space<vmem>> -> memref<1x1x64xi32, #tpu.memory_space<vmem>>
      %dma_start3A_170 = tpu.memref_squeeze %dma_start3A_169 : memref<1x1x64xi32, #tpu.memory_space<vmem>> -> memref<64xi32, #tpu.memory_space<vmem>>
      %dma_start3A_171 = arith.constant 0 : i32
      %dma_start3A_172 = arith.constant 0 : i32
      %dma_start3A_173 = tpu.memref_slice %arg14[%dma_start3A_171, %dma_start3A_172] : memref<10008x128xf32, #tpu.memory_space<vmem_shared>> -> memref<10008x128xf32, #tpu.memory_space<vmem_shared>>
      tpu.enqueue_indirect_dma source(%arg10 : memref<64x128xf32, #tpu.memory_space<vmem>>) target(%dma_start3A_173 : memref<10008x128xf32, #tpu.memory_space<vmem_shared>>) offsets(%dma_start3A_170 : memref<64xi32, #tpu.memory_space<vmem>>) semaphore(%arg20 : memref<!tpu.dma_semaphore, #tpu.memory_space<semaphore_mem>>) {add = true}
      %ge3A = arith.constant 1 : i32
      %ge3A_174 = arith.cmpi sge, %add3A_158, %ge3A : i32
      %convert_element_type3A_175 = arith.extui %ge3A_174 : i1 to i32
      %cond3A_176 = arith.constant 0 : i32
      %cond3A_177 = arith.cmpi ne, %convert_element_type3A_175, %cond3A_176 : i32
      scf.if %cond3A_177 {
        %dma_wait3A_386 = arith.constant 0 : i32
        %dma_wait3A_387 = arith.constant 0 : i32
        %dma_wait3A_388 = arith.constant 0 : i32
        %dma_wait3A_389 = tpu.memref_slice %arg9[%dma_wait3A_386, %dma_wait3A_387, %dma_wait3A_388] : memref<2x8x64xi32, #tpu.memory_space<vmem>> -> memref<1x1x64xi32, #tpu.memory_space<vmem>>
        %dma_wait3A_390 = tpu.memref_squeeze %dma_wait3A_389 : memref<1x1x64xi32, #tpu.memory_space<vmem>> -> memref<64xi32, #tpu.memory_space<vmem>>
        %dma_wait3A_391 = arith.constant 0 : i32
        %dma_wait3A_392 = arith.constant 0 : i32
        %dma_wait3A_393 = tpu.memref_slice %arg14[%dma_wait3A_391, %dma_wait3A_392] : memref<10008x128xf32, #tpu.memory_space<vmem_shared>> -> memref<10008x128xf32, #tpu.memory_space<vmem_shared>>
        tpu.wait_indirect_dma semaphore(%arg23 : memref<!tpu.dma_semaphore, #tpu.memory_space<semaphore_mem>>) src(%arg13 : memref<64x128xf32, #tpu.memory_space<vmem>>) dst(%dma_wait3A_393 : memref<10008x128xf32, #tpu.memory_space<vmem_shared>>)
      } else {
      }
      %dma_start3A_178 = arith.constant 3 : i32
      %dma_start3A_179 = arith.constant 0 : i32
      %dma_start3A_180 = tpu.memref_slice %arg8[%select_n3A_154, %dma_start3A_178, %dma_start3A_179] : memref<2x8x64xi32, #tpu.memory_space<vmem>> -> memref<1x1x64xi32, #tpu.memory_space<vmem>>
      %dma_start3A_181 = tpu.memref_squeeze %dma_start3A_180 : memref<1x1x64xi32, #tpu.memory_space<vmem>> -> memref<64xi32, #tpu.memory_space<vmem>>
      %dma_start3A_182 = arith.constant 0 : i32
      %dma_start3A_183 = arith.constant 0 : i32
      %dma_start3A_184 = tpu.memref_slice %arg2[%dma_start3A_182, %dma_start3A_183] : memref<10000x128xf32, #tpu.memory_space<hbm>> -> memref<10000x128xf32, #tpu.memory_space<hbm>>
      tpu.enqueue_indirect_dma source(%dma_start3A_184 : memref<10000x128xf32, #tpu.memory_space<hbm>>) target(%arg13 : memref<64x128xf32, #tpu.memory_space<vmem>>) offsets(%dma_start3A_181 : memref<64xi32, #tpu.memory_space<vmem>>) semaphore(%arg19 : memref<!tpu.dma_semaphore, #tpu.memory_space<semaphore_mem>>)
      %mul3A_185 = arith.constant 8 : i32
      %mul3A_186 = arith.muli %scan3A_144, %mul3A_185 : i32
      %add3A_187 = arith.constant 1 : i32
      %add3A_188 = arith.addi %mul3A_186, %add3A_187 : i32
      %dma_wait3A_189 = arith.constant 0 : i32
      %dma_wait3A_190 = arith.constant 0 : i32
      %dma_wait3A_191 = arith.constant 0 : i32
      %dma_wait3A_192 = tpu.memref_slice %arg8[%dma_wait3A_189, %dma_wait3A_190, %dma_wait3A_191] : memref<2x8x64xi32, #tpu.memory_space<vmem>> -> memref<1x1x64xi32, #tpu.memory_space<vmem>>
      %dma_wait3A_193 = tpu.memref_squeeze %dma_wait3A_192 : memref<1x1x64xi32, #tpu.memory_space<vmem>> -> memref<64xi32, #tpu.memory_space<vmem>>
      %dma_wait3A_194 = arith.constant 0 : i32
      %dma_wait3A_195 = arith.constant 0 : i32
      %dma_wait3A_196 = tpu.memref_slice %arg2[%dma_wait3A_194, %dma_wait3A_195] : memref<10000x128xf32, #tpu.memory_space<hbm>> -> memref<10000x128xf32, #tpu.memory_space<hbm>>
      tpu.wait_indirect_dma semaphore(%arg17 : memref<!tpu.dma_semaphore, #tpu.memory_space<semaphore_mem>>) src(%dma_wait3A_196 : memref<10000x128xf32, #tpu.memory_space<hbm>>) dst(%arg11 : memref<64x128xf32, #tpu.memory_space<vmem>>)
      %dma_start3A_197 = arith.constant 1 : i32
      %dma_start3A_198 = arith.constant 0 : i32
      %dma_start3A_199 = tpu.memref_slice %arg9[%select_n3A_154, %dma_start3A_197, %dma_start3A_198] : memref<2x8x64xi32, #tpu.memory_space<vmem>> -> memref<1x1x64xi32, #tpu.memory_space<vmem>>
      %dma_start3A_200 = tpu.memref_squeeze %dma_start3A_199 : memref<1x1x64xi32, #tpu.memory_space<vmem>> -> memref<64xi32, #tpu.memory_space<vmem>>
      %dma_start3A_201 = arith.constant 0 : i32
      %dma_start3A_202 = arith.constant 0 : i32
      %dma_start3A_203 = tpu.memref_slice %arg14[%dma_start3A_201, %dma_start3A_202] : memref<10008x128xf32, #tpu.memory_space<vmem_shared>> -> memref<10008x128xf32, #tpu.memory_space<vmem_shared>>
      tpu.enqueue_indirect_dma source(%arg11 : memref<64x128xf32, #tpu.memory_space<vmem>>) target(%dma_start3A_203 : memref<10008x128xf32, #tpu.memory_space<vmem_shared>>) offsets(%dma_start3A_200 : memref<64xi32, #tpu.memory_space<vmem>>) semaphore(%arg21 : memref<!tpu.dma_semaphore, #tpu.memory_space<semaphore_mem>>) {add = true}
      %lt3A_204 = arith.constant 19 : i32
      %lt3A_205 = arith.cmpi slt, %scan3A_144, %lt3A_204 : i32
      %convert_element_type3A_206 = arith.extui %lt3A_205 : i1 to i32
      %cond3A_207 = arith.constant 0 : i32
      %cond3A_208 = arith.cmpi ne, %convert_element_type3A_206, %cond3A_207 : i32
      scf.if %cond3A_208 {
        %add3A_386 = arith.constant 1 : i32
        %add3A_387 = arith.addi %scan3A_144, %add3A_386 : i32
        %sub3A = arith.constant 1 : i32
        %sub3A_388 = arith.subi %sub3A, %select_n3A_154 : i32
        %mul3A_389 = arith.constant 8 : i32
        %mul3A_390 = arith.muli %add3A_387, %mul3A_389 : i32
        %dma_start3A_391 = arith.constant 0 : i32
        %dma_start3A_392 = arith.constant 0 : i32
        %dma_start3A_393 = tpu.memref_slice %arg8[%sub3A_388, %dma_start3A_391, %dma_start3A_392] : memref<2x8x64xi32, #tpu.memory_space<vmem>> -> memref<1x8x64xi32, #tpu.memory_space<vmem>>
        %dma_start3A_394 = tpu.memref_squeeze %dma_start3A_393 : memref<1x8x64xi32, #tpu.memory_space<vmem>> -> memref<8x64xi32, #tpu.memory_space<vmem>>
        %dma_start3A_395 = arith.constant 0 : i32
        %dma_start3A_396 = tpu.memref_slice %arg3[%add3A, %mul3A_390, %dma_start3A_395] : memref<32x160x64xi32, #tpu.memory_space<hbm>> -> memref<1x8x64xi32, #tpu.memory_space<hbm>>
        %dma_start3A_397 = tpu.memref_squeeze %dma_start3A_396 : memref<1x8x64xi32, #tpu.memory_space<hbm>> -> memref<8x64xi32, #tpu.memory_space<hbm>>
        %dma_start3A_398 = arith.constant 0 : i32
        %dma_start3A_399 = arith.constant 0 : i32
        %dma_start3A_400 = tpu.memref_slice %arg8[%sub3A_388, %dma_start3A_398, %dma_start3A_399] : memref<2x8x64xi32, #tpu.memory_space<vmem>> -> memref<1x8x64xi32, #tpu.memory_space<vmem>>
        %dma_start3A_401 = tpu.memref_squeeze %dma_start3A_400 : memref<1x8x64xi32, #tpu.memory_space<vmem>> -> memref<8x64xi32, #tpu.memory_space<vmem>>
        %dma_start3A_402 = arith.constant 0 : i32
        %dma_start3A_403 = tpu.memref_slice %arg3[%add3A, %mul3A_390, %dma_start3A_402] : memref<32x160x64xi32, #tpu.memory_space<hbm>> -> memref<1x8x64xi32, #tpu.memory_space<hbm>>
        %dma_start3A_404 = tpu.memref_squeeze %dma_start3A_403 : memref<1x8x64xi32, #tpu.memory_space<hbm>> -> memref<8x64xi32, #tpu.memory_space<hbm>>
        tpu.enqueue_dma source(%dma_start3A_404 : memref<8x64xi32, #tpu.memory_space<hbm>>) target(%dma_start3A_401 : memref<8x64xi32, #tpu.memory_space<vmem>>) target_semaphore(%arg15 : memref<!tpu.dma_semaphore, #tpu.memory_space<semaphore_mem>>)
        %mul3A_405 = arith.constant 8 : i32
        %mul3A_406 = arith.muli %add3A_387, %mul3A_405 : i32
        %dma_start3A_407 = arith.constant 0 : i32
        %dma_start3A_408 = arith.constant 0 : i32
        %dma_start3A_409 = tpu.memref_slice %arg9[%sub3A_388, %dma_start3A_407, %dma_start3A_408] : memref<2x8x64xi32, #tpu.memory_space<vmem>> -> memref<1x8x64xi32, #tpu.memory_space<vmem>>
        %dma_start3A_410 = tpu.memref_squeeze %dma_start3A_409 : memref<1x8x64xi32, #tpu.memory_space<vmem>> -> memref<8x64xi32, #tpu.memory_space<vmem>>
        %dma_start3A_411 = arith.constant 0 : i32
        %dma_start3A_412 = tpu.memref_slice %arg4[%add3A, %mul3A_406, %dma_start3A_411] : memref<32x160x64xi32, #tpu.memory_space<hbm>> -> memref<1x8x64xi32, #tpu.memory_space<hbm>>
        %dma_start3A_413 = tpu.memref_squeeze %dma_start3A_412 : memref<1x8x64xi32, #tpu.memory_space<hbm>> -> memref<8x64xi32, #tpu.memory_space<hbm>>
        %dma_start3A_414 = arith.constant 0 : i32
        %dma_start3A_415 = arith.constant 0 : i32
        %dma_start3A_416 = tpu.memref_slice %arg9[%sub3A_388, %dma_start3A_414, %dma_start3A_415] : memref<2x8x64xi32, #tpu.memory_space<vmem>> -> memref<1x8x64xi32, #tpu.memory_space<vmem>>
        %dma_start3A_417 = tpu.memref_squeeze %dma_start3A_416 : memref<1x8x64xi32, #tpu.memory_space<vmem>> -> memref<8x64xi32, #tpu.memory_space<vmem>>
        %dma_start3A_418 = arith.constant 0 : i32
        %dma_start3A_419 = tpu.memref_slice %arg4[%add3A, %mul3A_406, %dma_start3A_418] : memref<32x160x64xi32, #tpu.memory_space<hbm>> -> memref<1x8x64xi32, #tpu.memory_space<hbm>>
        %dma_start3A_420 = tpu.memref_squeeze %dma_start3A_419 : memref<1x8x64xi32, #tpu.memory_space<hbm>> -> memref<8x64xi32, #tpu.memory_space<hbm>>
        tpu.enqueue_dma source(%dma_start3A_420 : memref<8x64xi32, #tpu.memory_space<hbm>>) target(%dma_start3A_417 : memref<8x64xi32, #tpu.memory_space<vmem>>) target_semaphore(%arg15 : memref<!tpu.dma_semaphore, #tpu.memory_space<semaphore_mem>>)
      } else {
      }
      %ge3A_209 = arith.constant 1 : i32
      %ge3A_210 = arith.cmpi sge, %add3A_188, %ge3A_209 : i32
      %convert_element_type3A_211 = arith.extui %ge3A_210 : i1 to i32
      %cond3A_212 = arith.constant 0 : i32
      %cond3A_213 = arith.cmpi ne, %convert_element_type3A_211, %cond3A_212 : i32
      scf.if %cond3A_213 {
        %dma_wait3A_386 = arith.constant 0 : i32
        %dma_wait3A_387 = arith.constant 0 : i32
        %dma_wait3A_388 = arith.constant 0 : i32
        %dma_wait3A_389 = tpu.memref_slice %arg9[%dma_wait3A_386, %dma_wait3A_387, %dma_wait3A_388] : memref<2x8x64xi32, #tpu.memory_space<vmem>> -> memref<1x1x64xi32, #tpu.memory_space<vmem>>
        %dma_wait3A_390 = tpu.memref_squeeze %dma_wait3A_389 : memref<1x1x64xi32, #tpu.memory_space<vmem>> -> memref<64xi32, #tpu.memory_space<vmem>>
        %dma_wait3A_391 = arith.constant 0 : i32
        %dma_wait3A_392 = arith.constant 0 : i32
        %dma_wait3A_393 = tpu.memref_slice %arg14[%dma_wait3A_391, %dma_wait3A_392] : memref<10008x128xf32, #tpu.memory_space<vmem_shared>> -> memref<10008x128xf32, #tpu.memory_space<vmem_shared>>
        tpu.wait_indirect_dma semaphore(%arg20 : memref<!tpu.dma_semaphore, #tpu.memory_space<semaphore_mem>>) src(%arg10 : memref<64x128xf32, #tpu.memory_space<vmem>>) dst(%dma_wait3A_393 : memref<10008x128xf32, #tpu.memory_space<vmem_shared>>)
      } else {
      }
      %dma_start3A_214 = arith.constant 4 : i32
      %dma_start3A_215 = arith.constant 0 : i32
      %dma_start3A_216 = tpu.memref_slice %arg8[%select_n3A_154, %dma_start3A_214, %dma_start3A_215] : memref<2x8x64xi32, #tpu.memory_space<vmem>> -> memref<1x1x64xi32, #tpu.memory_space<vmem>>
      %dma_start3A_217 = tpu.memref_squeeze %dma_start3A_216 : memref<1x1x64xi32, #tpu.memory_space<vmem>> -> memref<64xi32, #tpu.memory_space<vmem>>
      %dma_start3A_218 = arith.constant 0 : i32
      %dma_start3A_219 = arith.constant 0 : i32
      %dma_start3A_220 = tpu.memref_slice %arg2[%dma_start3A_218, %dma_start3A_219] : memref<10000x128xf32, #tpu.memory_space<hbm>> -> memref<10000x128xf32, #tpu.memory_space<hbm>>
      tpu.enqueue_indirect_dma source(%dma_start3A_220 : memref<10000x128xf32, #tpu.memory_space<hbm>>) target(%arg10 : memref<64x128xf32, #tpu.memory_space<vmem>>) offsets(%dma_start3A_217 : memref<64xi32, #tpu.memory_space<vmem>>) semaphore(%arg16 : memref<!tpu.dma_semaphore, #tpu.memory_space<semaphore_mem>>)
      %mul3A_221 = arith.constant 8 : i32
      %mul3A_222 = arith.muli %scan3A_144, %mul3A_221 : i32
      %add3A_223 = arith.constant 2 : i32
      %add3A_224 = arith.addi %mul3A_222, %add3A_223 : i32
      %dma_wait3A_225 = arith.constant 0 : i32
      %dma_wait3A_226 = arith.constant 0 : i32
      %dma_wait3A_227 = arith.constant 0 : i32
      %dma_wait3A_228 = tpu.memref_slice %arg8[%dma_wait3A_225, %dma_wait3A_226, %dma_wait3A_227] : memref<2x8x64xi32, #tpu.memory_space<vmem>> -> memref<1x1x64xi32, #tpu.memory_space<vmem>>
      %dma_wait3A_229 = tpu.memref_squeeze %dma_wait3A_228 : memref<1x1x64xi32, #tpu.memory_space<vmem>> -> memref<64xi32, #tpu.memory_space<vmem>>
      %dma_wait3A_230 = arith.constant 0 : i32
      %dma_wait3A_231 = arith.constant 0 : i32
      %dma_wait3A_232 = tpu.memref_slice %arg2[%dma_wait3A_230, %dma_wait3A_231] : memref<10000x128xf32, #tpu.memory_space<hbm>> -> memref<10000x128xf32, #tpu.memory_space<hbm>>
      tpu.wait_indirect_dma semaphore(%arg18 : memref<!tpu.dma_semaphore, #tpu.memory_space<semaphore_mem>>) src(%dma_wait3A_232 : memref<10000x128xf32, #tpu.memory_space<hbm>>) dst(%arg12 : memref<64x128xf32, #tpu.memory_space<vmem>>)
      %dma_start3A_233 = arith.constant 2 : i32
      %dma_start3A_234 = arith.constant 0 : i32
      %dma_start3A_235 = tpu.memref_slice %arg9[%select_n3A_154, %dma_start3A_233, %dma_start3A_234] : memref<2x8x64xi32, #tpu.memory_space<vmem>> -> memref<1x1x64xi32, #tpu.memory_space<vmem>>
      %dma_start3A_236 = tpu.memref_squeeze %dma_start3A_235 : memref<1x1x64xi32, #tpu.memory_space<vmem>> -> memref<64xi32, #tpu.memory_space<vmem>>
      %dma_start3A_237 = arith.constant 0 : i32
      %dma_start3A_238 = arith.constant 0 : i32
      %dma_start3A_239 = tpu.memref_slice %arg14[%dma_start3A_237, %dma_start3A_238] : memref<10008x128xf32, #tpu.memory_space<vmem_shared>> -> memref<10008x128xf32, #tpu.memory_space<vmem_shared>>
      tpu.enqueue_indirect_dma source(%arg12 : memref<64x128xf32, #tpu.memory_space<vmem>>) target(%dma_start3A_239 : memref<10008x128xf32, #tpu.memory_space<vmem_shared>>) offsets(%dma_start3A_236 : memref<64xi32, #tpu.memory_space<vmem>>) semaphore(%arg22 : memref<!tpu.dma_semaphore, #tpu.memory_space<semaphore_mem>>) {add = true}
      %ge3A_240 = arith.constant 1 : i32
      %ge3A_241 = arith.cmpi sge, %add3A_224, %ge3A_240 : i32
      %convert_element_type3A_242 = arith.extui %ge3A_241 : i1 to i32
      %cond3A_243 = arith.constant 0 : i32
      %cond3A_244 = arith.cmpi ne, %convert_element_type3A_242, %cond3A_243 : i32
      scf.if %cond3A_244 {
        %dma_wait3A_386 = arith.constant 0 : i32
        %dma_wait3A_387 = arith.constant 0 : i32
        %dma_wait3A_388 = arith.constant 0 : i32
        %dma_wait3A_389 = tpu.memref_slice %arg9[%dma_wait3A_386, %dma_wait3A_387, %dma_wait3A_388] : memref<2x8x64xi32, #tpu.memory_space<vmem>> -> memref<1x1x64xi32, #tpu.memory_space<vmem>>
        %dma_wait3A_390 = tpu.memref_squeeze %dma_wait3A_389 : memref<1x1x64xi32, #tpu.memory_space<vmem>> -> memref<64xi32, #tpu.memory_space<vmem>>
        %dma_wait3A_391 = arith.constant 0 : i32
        %dma_wait3A_392 = arith.constant 0 : i32
        %dma_wait3A_393 = tpu.memref_slice %arg14[%dma_wait3A_391, %dma_wait3A_392] : memref<10008x128xf32, #tpu.memory_space<vmem_shared>> -> memref<10008x128xf32, #tpu.memory_space<vmem_shared>>
        tpu.wait_indirect_dma semaphore(%arg21 : memref<!tpu.dma_semaphore, #tpu.memory_space<semaphore_mem>>) src(%arg11 : memref<64x128xf32, #tpu.memory_space<vmem>>) dst(%dma_wait3A_393 : memref<10008x128xf32, #tpu.memory_space<vmem_shared>>)
      } else {
      }
      %dma_start3A_245 = arith.constant 5 : i32
      %dma_start3A_246 = arith.constant 0 : i32
      %dma_start3A_247 = tpu.memref_slice %arg8[%select_n3A_154, %dma_start3A_245, %dma_start3A_246] : memref<2x8x64xi32, #tpu.memory_space<vmem>> -> memref<1x1x64xi32, #tpu.memory_space<vmem>>
      %dma_start3A_248 = tpu.memref_squeeze %dma_start3A_247 : memref<1x1x64xi32, #tpu.memory_space<vmem>> -> memref<64xi32, #tpu.memory_space<vmem>>
      %dma_start3A_249 = arith.constant 0 : i32
      %dma_start3A_250 = arith.constant 0 : i32
      %dma_start3A_251 = tpu.memref_slice %arg2[%dma_start3A_249, %dma_start3A_250] : memref<10000x128xf32, #tpu.memory_space<hbm>> -> memref<10000x128xf32, #tpu.memory_space<hbm>>
      tpu.enqueue_indirect_dma source(%dma_start3A_251 : memref<10000x128xf32, #tpu.memory_space<hbm>>) target(%arg11 : memref<64x128xf32, #tpu.memory_space<vmem>>) offsets(%dma_start3A_248 : memref<64xi32, #tpu.memory_space<vmem>>) semaphore(%arg17 : memref<!tpu.dma_semaphore, #tpu.memory_space<semaphore_mem>>)
      %mul3A_252 = arith.constant 8 : i32
      %mul3A_253 = arith.muli %scan3A_144, %mul3A_252 : i32
      %add3A_254 = arith.constant 3 : i32
      %add3A_255 = arith.addi %mul3A_253, %add3A_254 : i32
      %dma_wait3A_256 = arith.constant 0 : i32
      %dma_wait3A_257 = arith.constant 0 : i32
      %dma_wait3A_258 = arith.constant 0 : i32
      %dma_wait3A_259 = tpu.memref_slice %arg8[%dma_wait3A_256, %dma_wait3A_257, %dma_wait3A_258] : memref<2x8x64xi32, #tpu.memory_space<vmem>> -> memref<1x1x64xi32, #tpu.memory_space<vmem>>
      %dma_wait3A_260 = tpu.memref_squeeze %dma_wait3A_259 : memref<1x1x64xi32, #tpu.memory_space<vmem>> -> memref<64xi32, #tpu.memory_space<vmem>>
      %dma_wait3A_261 = arith.constant 0 : i32
      %dma_wait3A_262 = arith.constant 0 : i32
      %dma_wait3A_263 = tpu.memref_slice %arg2[%dma_wait3A_261, %dma_wait3A_262] : memref<10000x128xf32, #tpu.memory_space<hbm>> -> memref<10000x128xf32, #tpu.memory_space<hbm>>
      tpu.wait_indirect_dma semaphore(%arg19 : memref<!tpu.dma_semaphore, #tpu.memory_space<semaphore_mem>>) src(%dma_wait3A_263 : memref<10000x128xf32, #tpu.memory_space<hbm>>) dst(%arg13 : memref<64x128xf32, #tpu.memory_space<vmem>>)
      %dma_start3A_264 = arith.constant 3 : i32
      %dma_start3A_265 = arith.constant 0 : i32
      %dma_start3A_266 = tpu.memref_slice %arg9[%select_n3A_154, %dma_start3A_264, %dma_start3A_265] : memref<2x8x64xi32, #tpu.memory_space<vmem>> -> memref<1x1x64xi32, #tpu.memory_space<vmem>>
      %dma_start3A_267 = tpu.memref_squeeze %dma_start3A_266 : memref<1x1x64xi32, #tpu.memory_space<vmem>> -> memref<64xi32, #tpu.memory_space<vmem>>
      %dma_start3A_268 = arith.constant 0 : i32
      %dma_start3A_269 = arith.constant 0 : i32
      %dma_start3A_270 = tpu.memref_slice %arg14[%dma_start3A_268, %dma_start3A_269] : memref<10008x128xf32, #tpu.memory_space<vmem_shared>> -> memref<10008x128xf32, #tpu.memory_space<vmem_shared>>
      tpu.enqueue_indirect_dma source(%arg13 : memref<64x128xf32, #tpu.memory_space<vmem>>) target(%dma_start3A_270 : memref<10008x128xf32, #tpu.memory_space<vmem_shared>>) offsets(%dma_start3A_267 : memref<64xi32, #tpu.memory_space<vmem>>) semaphore(%arg23 : memref<!tpu.dma_semaphore, #tpu.memory_space<semaphore_mem>>) {add = true}
      %ge3A_271 = arith.constant 1 : i32
      %ge3A_272 = arith.cmpi sge, %add3A_255, %ge3A_271 : i32
      %convert_element_type3A_273 = arith.extui %ge3A_272 : i1 to i32
      %cond3A_274 = arith.constant 0 : i32
      %cond3A_275 = arith.cmpi ne, %convert_element_type3A_273, %cond3A_274 : i32
      scf.if %cond3A_275 {
        %dma_wait3A_386 = arith.constant 0 : i32
        %dma_wait3A_387 = arith.constant 0 : i32
        %dma_wait3A_388 = arith.constant 0 : i32
        %dma_wait3A_389 = tpu.memref_slice %arg9[%dma_wait3A_386, %dma_wait3A_387, %dma_wait3A_388] : memref<2x8x64xi32, #tpu.memory_space<vmem>> -> memref<1x1x64xi32, #tpu.memory_space<vmem>>
        %dma_wait3A_390 = tpu.memref_squeeze %dma_wait3A_389 : memref<1x1x64xi32, #tpu.memory_space<vmem>> -> memref<64xi32, #tpu.memory_space<vmem>>
        %dma_wait3A_391 = arith.constant 0 : i32
        %dma_wait3A_392 = arith.constant 0 : i32
        %dma_wait3A_393 = tpu.memref_slice %arg14[%dma_wait3A_391, %dma_wait3A_392] : memref<10008x128xf32, #tpu.memory_space<vmem_shared>> -> memref<10008x128xf32, #tpu.memory_space<vmem_shared>>
        tpu.wait_indirect_dma semaphore(%arg22 : memref<!tpu.dma_semaphore, #tpu.memory_space<semaphore_mem>>) src(%arg12 : memref<64x128xf32, #tpu.memory_space<vmem>>) dst(%dma_wait3A_393 : memref<10008x128xf32, #tpu.memory_space<vmem_shared>>)
      } else {
      }
      %dma_start3A_276 = arith.constant 6 : i32
      %dma_start3A_277 = arith.constant 0 : i32
      %dma_start3A_278 = tpu.memref_slice %arg8[%select_n3A_154, %dma_start3A_276, %dma_start3A_277] : memref<2x8x64xi32, #tpu.memory_space<vmem>> -> memref<1x1x64xi32, #tpu.memory_space<vmem>>
      %dma_start3A_279 = tpu.memref_squeeze %dma_start3A_278 : memref<1x1x64xi32, #tpu.memory_space<vmem>> -> memref<64xi32, #tpu.memory_space<vmem>>
      %dma_start3A_280 = arith.constant 0 : i32
      %dma_start3A_281 = arith.constant 0 : i32
      %dma_start3A_282 = tpu.memref_slice %arg2[%dma_start3A_280, %dma_start3A_281] : memref<10000x128xf32, #tpu.memory_space<hbm>> -> memref<10000x128xf32, #tpu.memory_space<hbm>>
      tpu.enqueue_indirect_dma source(%dma_start3A_282 : memref<10000x128xf32, #tpu.memory_space<hbm>>) target(%arg12 : memref<64x128xf32, #tpu.memory_space<vmem>>) offsets(%dma_start3A_279 : memref<64xi32, #tpu.memory_space<vmem>>) semaphore(%arg18 : memref<!tpu.dma_semaphore, #tpu.memory_space<semaphore_mem>>)
      %mul3A_283 = arith.constant 8 : i32
      %mul3A_284 = arith.muli %scan3A_144, %mul3A_283 : i32
      %add3A_285 = arith.constant 4 : i32
      %add3A_286 = arith.addi %mul3A_284, %add3A_285 : i32
      %dma_wait3A_287 = arith.constant 0 : i32
      %dma_wait3A_288 = arith.constant 0 : i32
      %dma_wait3A_289 = arith.constant 0 : i32
      %dma_wait3A_290 = tpu.memref_slice %arg8[%dma_wait3A_287, %dma_wait3A_288, %dma_wait3A_289] : memref<2x8x64xi32, #tpu.memory_space<vmem>> -> memref<1x1x64xi32, #tpu.memory_space<vmem>>
      %dma_wait3A_291 = tpu.memref_squeeze %dma_wait3A_290 : memref<1x1x64xi32, #tpu.memory_space<vmem>> -> memref<64xi32, #tpu.memory_space<vmem>>
      %dma_wait3A_292 = arith.constant 0 : i32
      %dma_wait3A_293 = arith.constant 0 : i32
      %dma_wait3A_294 = tpu.memref_slice %arg2[%dma_wait3A_292, %dma_wait3A_293] : memref<10000x128xf32, #tpu.memory_space<hbm>> -> memref<10000x128xf32, #tpu.memory_space<hbm>>
      tpu.wait_indirect_dma semaphore(%arg16 : memref<!tpu.dma_semaphore, #tpu.memory_space<semaphore_mem>>) src(%dma_wait3A_294 : memref<10000x128xf32, #tpu.memory_space<hbm>>) dst(%arg10 : memref<64x128xf32, #tpu.memory_space<vmem>>)
      %dma_start3A_295 = arith.constant 4 : i32
      %dma_start3A_296 = arith.constant 0 : i32
      %dma_start3A_297 = tpu.memref_slice %arg9[%select_n3A_154, %dma_start3A_295, %dma_start3A_296] : memref<2x8x64xi32, #tpu.memory_space<vmem>> -> memref<1x1x64xi32, #tpu.memory_space<vmem>>
      %dma_start3A_298 = tpu.memref_squeeze %dma_start3A_297 : memref<1x1x64xi32, #tpu.memory_space<vmem>> -> memref<64xi32, #tpu.memory_space<vmem>>
      %dma_start3A_299 = arith.constant 0 : i32
      %dma_start3A_300 = arith.constant 0 : i32
      %dma_start3A_301 = tpu.memref_slice %arg14[%dma_start3A_299, %dma_start3A_300] : memref<10008x128xf32, #tpu.memory_space<vmem_shared>> -> memref<10008x128xf32, #tpu.memory_space<vmem_shared>>
      tpu.enqueue_indirect_dma source(%arg10 : memref<64x128xf32, #tpu.memory_space<vmem>>) target(%dma_start3A_301 : memref<10008x128xf32, #tpu.memory_space<vmem_shared>>) offsets(%dma_start3A_298 : memref<64xi32, #tpu.memory_space<vmem>>) semaphore(%arg20 : memref<!tpu.dma_semaphore, #tpu.memory_space<semaphore_mem>>) {add = true}
      %ge3A_302 = arith.constant 1 : i32
      %ge3A_303 = arith.cmpi sge, %add3A_286, %ge3A_302 : i32
      %convert_element_type3A_304 = arith.extui %ge3A_303 : i1 to i32
      %cond3A_305 = arith.constant 0 : i32
      %cond3A_306 = arith.cmpi ne, %convert_element_type3A_304, %cond3A_305 : i32
      scf.if %cond3A_306 {
        %dma_wait3A_386 = arith.constant 0 : i32
        %dma_wait3A_387 = arith.constant 0 : i32
        %dma_wait3A_388 = arith.constant 0 : i32
        %dma_wait3A_389 = tpu.memref_slice %arg9[%dma_wait3A_386, %dma_wait3A_387, %dma_wait3A_388] : memref<2x8x64xi32, #tpu.memory_space<vmem>> -> memref<1x1x64xi32, #tpu.memory_space<vmem>>
        %dma_wait3A_390 = tpu.memref_squeeze %dma_wait3A_389 : memref<1x1x64xi32, #tpu.memory_space<vmem>> -> memref<64xi32, #tpu.memory_space<vmem>>
        %dma_wait3A_391 = arith.constant 0 : i32
        %dma_wait3A_392 = arith.constant 0 : i32
        %dma_wait3A_393 = tpu.memref_slice %arg14[%dma_wait3A_391, %dma_wait3A_392] : memref<10008x128xf32, #tpu.memory_space<vmem_shared>> -> memref<10008x128xf32, #tpu.memory_space<vmem_shared>>
        tpu.wait_indirect_dma semaphore(%arg23 : memref<!tpu.dma_semaphore, #tpu.memory_space<semaphore_mem>>) src(%arg13 : memref<64x128xf32, #tpu.memory_space<vmem>>) dst(%dma_wait3A_393 : memref<10008x128xf32, #tpu.memory_space<vmem_shared>>)
      } else {
      }
      %dma_start3A_307 = arith.constant 7 : i32
      %dma_start3A_308 = arith.constant 0 : i32
      %dma_start3A_309 = tpu.memref_slice %arg8[%select_n3A_154, %dma_start3A_307, %dma_start3A_308] : memref<2x8x64xi32, #tpu.memory_space<vmem>> -> memref<1x1x64xi32, #tpu.memory_space<vmem>>
      %dma_start3A_310 = tpu.memref_squeeze %dma_start3A_309 : memref<1x1x64xi32, #tpu.memory_space<vmem>> -> memref<64xi32, #tpu.memory_space<vmem>>
      %dma_start3A_311 = arith.constant 0 : i32
      %dma_start3A_312 = arith.constant 0 : i32
      %dma_start3A_313 = tpu.memref_slice %arg2[%dma_start3A_311, %dma_start3A_312] : memref<10000x128xf32, #tpu.memory_space<hbm>> -> memref<10000x128xf32, #tpu.memory_space<hbm>>
      tpu.enqueue_indirect_dma source(%dma_start3A_313 : memref<10000x128xf32, #tpu.memory_space<hbm>>) target(%arg13 : memref<64x128xf32, #tpu.memory_space<vmem>>) offsets(%dma_start3A_310 : memref<64xi32, #tpu.memory_space<vmem>>) semaphore(%arg19 : memref<!tpu.dma_semaphore, #tpu.memory_space<semaphore_mem>>)
      %mul3A_314 = arith.constant 8 : i32
      %mul3A_315 = arith.muli %scan3A_144, %mul3A_314 : i32
      %add3A_316 = arith.constant 5 : i32
      %add3A_317 = arith.addi %mul3A_315, %add3A_316 : i32
      %dma_wait3A_318 = arith.constant 0 : i32
      %dma_wait3A_319 = arith.constant 0 : i32
      %dma_wait3A_320 = arith.constant 0 : i32
      %dma_wait3A_321 = tpu.memref_slice %arg8[%dma_wait3A_318, %dma_wait3A_319, %dma_wait3A_320] : memref<2x8x64xi32, #tpu.memory_space<vmem>> -> memref<1x1x64xi32, #tpu.memory_space<vmem>>
      %dma_wait3A_322 = tpu.memref_squeeze %dma_wait3A_321 : memref<1x1x64xi32, #tpu.memory_space<vmem>> -> memref<64xi32, #tpu.memory_space<vmem>>
      %dma_wait3A_323 = arith.constant 0 : i32
      %dma_wait3A_324 = arith.constant 0 : i32
      %dma_wait3A_325 = tpu.memref_slice %arg2[%dma_wait3A_323, %dma_wait3A_324] : memref<10000x128xf32, #tpu.memory_space<hbm>> -> memref<10000x128xf32, #tpu.memory_space<hbm>>
      tpu.wait_indirect_dma semaphore(%arg17 : memref<!tpu.dma_semaphore, #tpu.memory_space<semaphore_mem>>) src(%dma_wait3A_325 : memref<10000x128xf32, #tpu.memory_space<hbm>>) dst(%arg11 : memref<64x128xf32, #tpu.memory_space<vmem>>)
      %dma_start3A_326 = arith.constant 5 : i32
      %dma_start3A_327 = arith.constant 0 : i32
      %dma_start3A_328 = tpu.memref_slice %arg9[%select_n3A_154, %dma_start3A_326, %dma_start3A_327] : memref<2x8x64xi32, #tpu.memory_space<vmem>> -> memref<1x1x64xi32, #tpu.memory_space<vmem>>
      %dma_start3A_329 = tpu.memref_squeeze %dma_start3A_328 : memref<1x1x64xi32, #tpu.memory_space<vmem>> -> memref<64xi32, #tpu.memory_space<vmem>>
      %dma_start3A_330 = arith.constant 0 : i32
      %dma_start3A_331 = arith.constant 0 : i32
      %dma_start3A_332 = tpu.memref_slice %arg14[%dma_start3A_330, %dma_start3A_331] : memref<10008x128xf32, #tpu.memory_space<vmem_shared>> -> memref<10008x128xf32, #tpu.memory_space<vmem_shared>>
      tpu.enqueue_indirect_dma source(%arg11 : memref<64x128xf32, #tpu.memory_space<vmem>>) target(%dma_start3A_332 : memref<10008x128xf32, #tpu.memory_space<vmem_shared>>) offsets(%dma_start3A_329 : memref<64xi32, #tpu.memory_space<vmem>>) semaphore(%arg21 : memref<!tpu.dma_semaphore, #tpu.memory_space<semaphore_mem>>) {add = true}
      %lt3A_333 = arith.constant 19 : i32
      %lt3A_334 = arith.cmpi slt, %scan3A_144, %lt3A_333 : i32
      %convert_element_type3A_335 = arith.extui %lt3A_334 : i1 to i32
      %cond3A_336 = arith.constant 0 : i32
      %cond3A_337 = arith.cmpi ne, %convert_element_type3A_335, %cond3A_336 : i32
      scf.if %cond3A_337 {
        %dma_wait3A_386 = arith.constant 0 : i32
        %dma_wait3A_387 = arith.constant 0 : i32
        %dma_wait3A_388 = arith.constant 0 : i32
        %dma_wait3A_389 = tpu.memref_slice %arg8[%dma_wait3A_386, %dma_wait3A_387, %dma_wait3A_388] : memref<2x8x64xi32, #tpu.memory_space<vmem>> -> memref<1x8x64xi32, #tpu.memory_space<vmem>>
        %dma_wait3A_390 = tpu.memref_squeeze %dma_wait3A_389 : memref<1x8x64xi32, #tpu.memory_space<vmem>> -> memref<8x64xi32, #tpu.memory_space<vmem>>
        %dma_wait3A_391 = arith.constant 0 : i32
        %dma_wait3A_392 = arith.constant 0 : i32
        %dma_wait3A_393 = tpu.memref_slice %arg3[%add3A, %dma_wait3A_391, %dma_wait3A_392] : memref<32x160x64xi32, #tpu.memory_space<hbm>> -> memref<1x8x64xi32, #tpu.memory_space<hbm>>
        %dma_wait3A_394 = tpu.memref_squeeze %dma_wait3A_393 : memref<1x8x64xi32, #tpu.memory_space<hbm>> -> memref<8x64xi32, #tpu.memory_space<hbm>>
        %dma_wait3A_395 = arith.constant 0 : i32
        %dma_wait3A_396 = arith.constant 0 : i32
        %dma_wait3A_397 = tpu.memref_slice %arg8[%dma_wait3A_386, %dma_wait3A_395, %dma_wait3A_396] : memref<2x8x64xi32, #tpu.memory_space<vmem>> -> memref<1x8x64xi32, #tpu.memory_space<vmem>>
        %dma_wait3A_398 = tpu.memref_squeeze %dma_wait3A_397 : memref<1x8x64xi32, #tpu.memory_space<vmem>> -> memref<8x64xi32, #tpu.memory_space<vmem>>
        %dma_wait3A_399 = arith.constant 0 : i32
        %dma_wait3A_400 = arith.constant 0 : i32
        %dma_wait3A_401 = tpu.memref_slice %arg3[%add3A, %dma_wait3A_399, %dma_wait3A_400] : memref<32x160x64xi32, #tpu.memory_space<hbm>> -> memref<1x8x64xi32, #tpu.memory_space<hbm>>
        %dma_wait3A_402 = tpu.memref_squeeze %dma_wait3A_401 : memref<1x8x64xi32, #tpu.memory_space<hbm>> -> memref<8x64xi32, #tpu.memory_space<hbm>>
        tpu.wait_dma2 semaphore(%arg15 : memref<!tpu.dma_semaphore, #tpu.memory_space<semaphore_mem>>) src(%dma_wait3A_402 : memref<8x64xi32, #tpu.memory_space<hbm>>) dst(%dma_wait3A_398 : memref<8x64xi32, #tpu.memory_space<vmem>>)
        %dma_wait3A_403 = arith.constant 0 : i32
        %dma_wait3A_404 = arith.constant 0 : i32
        %dma_wait3A_405 = arith.constant 0 : i32
        %dma_wait3A_406 = tpu.memref_slice %arg9[%dma_wait3A_403, %dma_wait3A_404, %dma_wait3A_405] : memref<2x8x64xi32, #tpu.memory_space<vmem>> -> memref<1x8x64xi32, #tpu.memory_space<vmem>>
        %dma_wait3A_407 = tpu.memref_squeeze %dma_wait3A_406 : memref<1x8x64xi32, #tpu.memory_space<vmem>> -> memref<8x64xi32, #tpu.memory_space<vmem>>
        %dma_wait3A_408 = arith.constant 0 : i32
        %dma_wait3A_409 = arith.constant 0 : i32
        %dma_wait3A_410 = tpu.memref_slice %arg4[%add3A, %dma_wait3A_408, %dma_wait3A_409] : memref<32x160x64xi32, #tpu.memory_space<hbm>> -> memref<1x8x64xi32, #tpu.memory_space<hbm>>
        %dma_wait3A_411 = tpu.memref_squeeze %dma_wait3A_410 : memref<1x8x64xi32, #tpu.memory_space<hbm>> -> memref<8x64xi32, #tpu.memory_space<hbm>>
        %dma_wait3A_412 = arith.constant 0 : i32
        %dma_wait3A_413 = arith.constant 0 : i32
        %dma_wait3A_414 = tpu.memref_slice %arg9[%dma_wait3A_403, %dma_wait3A_412, %dma_wait3A_413] : memref<2x8x64xi32, #tpu.memory_space<vmem>> -> memref<1x8x64xi32, #tpu.memory_space<vmem>>
        %dma_wait3A_415 = tpu.memref_squeeze %dma_wait3A_414 : memref<1x8x64xi32, #tpu.memory_space<vmem>> -> memref<8x64xi32, #tpu.memory_space<vmem>>
        %dma_wait3A_416 = arith.constant 0 : i32
        %dma_wait3A_417 = arith.constant 0 : i32
        %dma_wait3A_418 = tpu.memref_slice %arg4[%add3A, %dma_wait3A_416, %dma_wait3A_417] : memref<32x160x64xi32, #tpu.memory_space<hbm>> -> memref<1x8x64xi32, #tpu.memory_space<hbm>>
        %dma_wait3A_419 = tpu.memref_squeeze %dma_wait3A_418 : memref<1x8x64xi32, #tpu.memory_space<hbm>> -> memref<8x64xi32, #tpu.memory_space<hbm>>
        tpu.wait_dma2 semaphore(%arg15 : memref<!tpu.dma_semaphore, #tpu.memory_space<semaphore_mem>>) src(%dma_wait3A_419 : memref<8x64xi32, #tpu.memory_space<hbm>>) dst(%dma_wait3A_415 : memref<8x64xi32, #tpu.memory_space<vmem>>)
        %dma_wait3A_420 = arith.constant 0 : i32
        %dma_wait3A_421 = arith.constant 0 : i32
        %dma_wait3A_422 = arith.constant 0 : i32
        %dma_wait3A_423 = tpu.memref_slice %arg9[%dma_wait3A_420, %dma_wait3A_421, %dma_wait3A_422] : memref<2x8x64xi32, #tpu.memory_space<vmem>> -> memref<1x1x64xi32, #tpu.memory_space<vmem>>
        %dma_wait3A_424 = tpu.memref_squeeze %dma_wait3A_423 : memref<1x1x64xi32, #tpu.memory_space<vmem>> -> memref<64xi32, #tpu.memory_space<vmem>>
        %dma_wait3A_425 = arith.constant 0 : i32
        %dma_wait3A_426 = arith.constant 0 : i32
        %dma_wait3A_427 = tpu.memref_slice %arg14[%dma_wait3A_425, %dma_wait3A_426] : memref<10008x128xf32, #tpu.memory_space<vmem_shared>> -> memref<10008x128xf32, #tpu.memory_space<vmem_shared>>
        tpu.wait_indirect_dma semaphore(%arg20 : memref<!tpu.dma_semaphore, #tpu.memory_space<semaphore_mem>>) src(%arg10 : memref<64x128xf32, #tpu.memory_space<vmem>>) dst(%dma_wait3A_427 : memref<10008x128xf32, #tpu.memory_space<vmem_shared>>)
        %sub3A = arith.constant 1 : i32
        %sub3A_428 = arith.subi %sub3A, %select_n3A_154 : i32
        %dma_start3A_429 = arith.constant 0 : i32
        %dma_start3A_430 = arith.constant 0 : i32
        %dma_start3A_431 = tpu.memref_slice %arg8[%sub3A_428, %dma_start3A_429, %dma_start3A_430] : memref<2x8x64xi32, #tpu.memory_space<vmem>> -> memref<1x1x64xi32, #tpu.memory_space<vmem>>
        %dma_start3A_432 = tpu.memref_squeeze %dma_start3A_431 : memref<1x1x64xi32, #tpu.memory_space<vmem>> -> memref<64xi32, #tpu.memory_space<vmem>>
        %dma_start3A_433 = arith.constant 0 : i32
        %dma_start3A_434 = arith.constant 0 : i32
        %dma_start3A_435 = tpu.memref_slice %arg2[%dma_start3A_433, %dma_start3A_434] : memref<10000x128xf32, #tpu.memory_space<hbm>> -> memref<10000x128xf32, #tpu.memory_space<hbm>>
        tpu.enqueue_indirect_dma source(%dma_start3A_435 : memref<10000x128xf32, #tpu.memory_space<hbm>>) target(%arg10 : memref<64x128xf32, #tpu.memory_space<vmem>>) offsets(%dma_start3A_432 : memref<64xi32, #tpu.memory_space<vmem>>) semaphore(%arg16 : memref<!tpu.dma_semaphore, #tpu.memory_space<semaphore_mem>>)
      } else {
      }
      %mul3A_338 = arith.constant 8 : i32
      %mul3A_339 = arith.muli %scan3A_144, %mul3A_338 : i32
      %add3A_340 = arith.constant 6 : i32
      %add3A_341 = arith.addi %mul3A_339, %add3A_340 : i32
      %dma_wait3A_342 = arith.constant 0 : i32
      %dma_wait3A_343 = arith.constant 0 : i32
      %dma_wait3A_344 = arith.constant 0 : i32
      %dma_wait3A_345 = tpu.memref_slice %arg8[%dma_wait3A_342, %dma_wait3A_343, %dma_wait3A_344] : memref<2x8x64xi32, #tpu.memory_space<vmem>> -> memref<1x1x64xi32, #tpu.memory_space<vmem>>
      %dma_wait3A_346 = tpu.memref_squeeze %dma_wait3A_345 : memref<1x1x64xi32, #tpu.memory_space<vmem>> -> memref<64xi32, #tpu.memory_space<vmem>>
      %dma_wait3A_347 = arith.constant 0 : i32
      %dma_wait3A_348 = arith.constant 0 : i32
      %dma_wait3A_349 = tpu.memref_slice %arg2[%dma_wait3A_347, %dma_wait3A_348] : memref<10000x128xf32, #tpu.memory_space<hbm>> -> memref<10000x128xf32, #tpu.memory_space<hbm>>
      tpu.wait_indirect_dma semaphore(%arg18 : memref<!tpu.dma_semaphore, #tpu.memory_space<semaphore_mem>>) src(%dma_wait3A_349 : memref<10000x128xf32, #tpu.memory_space<hbm>>) dst(%arg12 : memref<64x128xf32, #tpu.memory_space<vmem>>)
      %dma_start3A_350 = arith.constant 6 : i32
      %dma_start3A_351 = arith.constant 0 : i32
      %dma_start3A_352 = tpu.memref_slice %arg9[%select_n3A_154, %dma_start3A_350, %dma_start3A_351] : memref<2x8x64xi32, #tpu.memory_space<vmem>> -> memref<1x1x64xi32, #tpu.memory_space<vmem>>
      %dma_start3A_353 = tpu.memref_squeeze %dma_start3A_352 : memref<1x1x64xi32, #tpu.memory_space<vmem>> -> memref<64xi32, #tpu.memory_space<vmem>>
      %dma_start3A_354 = arith.constant 0 : i32
      %dma_start3A_355 = arith.constant 0 : i32
      %dma_start3A_356 = tpu.memref_slice %arg14[%dma_start3A_354, %dma_start3A_355] : memref<10008x128xf32, #tpu.memory_space<vmem_shared>> -> memref<10008x128xf32, #tpu.memory_space<vmem_shared>>
      tpu.enqueue_indirect_dma source(%arg12 : memref<64x128xf32, #tpu.memory_space<vmem>>) target(%dma_start3A_356 : memref<10008x128xf32, #tpu.memory_space<vmem_shared>>) offsets(%dma_start3A_353 : memref<64xi32, #tpu.memory_space<vmem>>) semaphore(%arg22 : memref<!tpu.dma_semaphore, #tpu.memory_space<semaphore_mem>>) {add = true}
      %lt3A_357 = arith.constant 19 : i32
      %lt3A_358 = arith.cmpi slt, %scan3A_144, %lt3A_357 : i32
      %convert_element_type3A_359 = arith.extui %lt3A_358 : i1 to i32
      %cond3A_360 = arith.constant 0 : i32
      %cond3A_361 = arith.cmpi ne, %convert_element_type3A_359, %cond3A_360 : i32
      scf.if %cond3A_361 {
        %dma_wait3A_386 = arith.constant 0 : i32
        %dma_wait3A_387 = arith.constant 0 : i32
        %dma_wait3A_388 = arith.constant 0 : i32
        %dma_wait3A_389 = tpu.memref_slice %arg9[%dma_wait3A_386, %dma_wait3A_387, %dma_wait3A_388] : memref<2x8x64xi32, #tpu.memory_space<vmem>> -> memref<1x1x64xi32, #tpu.memory_space<vmem>>
        %dma_wait3A_390 = tpu.memref_squeeze %dma_wait3A_389 : memref<1x1x64xi32, #tpu.memory_space<vmem>> -> memref<64xi32, #tpu.memory_space<vmem>>
        %dma_wait3A_391 = arith.constant 0 : i32
        %dma_wait3A_392 = arith.constant 0 : i32
        %dma_wait3A_393 = tpu.memref_slice %arg14[%dma_wait3A_391, %dma_wait3A_392] : memref<10008x128xf32, #tpu.memory_space<vmem_shared>> -> memref<10008x128xf32, #tpu.memory_space<vmem_shared>>
        tpu.wait_indirect_dma semaphore(%arg21 : memref<!tpu.dma_semaphore, #tpu.memory_space<semaphore_mem>>) src(%arg11 : memref<64x128xf32, #tpu.memory_space<vmem>>) dst(%dma_wait3A_393 : memref<10008x128xf32, #tpu.memory_space<vmem_shared>>)
        %sub3A = arith.constant 1 : i32
        %sub3A_394 = arith.subi %sub3A, %select_n3A_154 : i32
        %dma_start3A_395 = arith.constant 1 : i32
        %dma_start3A_396 = arith.constant 0 : i32
        %dma_start3A_397 = tpu.memref_slice %arg8[%sub3A_394, %dma_start3A_395, %dma_start3A_396] : memref<2x8x64xi32, #tpu.memory_space<vmem>> -> memref<1x1x64xi32, #tpu.memory_space<vmem>>
        %dma_start3A_398 = tpu.memref_squeeze %dma_start3A_397 : memref<1x1x64xi32, #tpu.memory_space<vmem>> -> memref<64xi32, #tpu.memory_space<vmem>>
        %dma_start3A_399 = arith.constant 0 : i32
        %dma_start3A_400 = arith.constant 0 : i32
        %dma_start3A_401 = tpu.memref_slice %arg2[%dma_start3A_399, %dma_start3A_400] : memref<10000x128xf32, #tpu.memory_space<hbm>> -> memref<10000x128xf32, #tpu.memory_space<hbm>>
        tpu.enqueue_indirect_dma source(%dma_start3A_401 : memref<10000x128xf32, #tpu.memory_space<hbm>>) target(%arg11 : memref<64x128xf32, #tpu.memory_space<vmem>>) offsets(%dma_start3A_398 : memref<64xi32, #tpu.memory_space<vmem>>) semaphore(%arg17 : memref<!tpu.dma_semaphore, #tpu.memory_space<semaphore_mem>>)
      } else {
      }
      %mul3A_362 = arith.constant 8 : i32
      %mul3A_363 = arith.muli %scan3A_144, %mul3A_362 : i32
      %add3A_364 = arith.constant 7 : i32
      %add3A_365 = arith.addi %mul3A_363, %add3A_364 : i32
      %dma_wait3A_366 = arith.constant 0 : i32
      %dma_wait3A_367 = arith.constant 0 : i32
      %dma_wait3A_368 = arith.constant 0 : i32
      %dma_wait3A_369 = tpu.memref_slice %arg8[%dma_wait3A_366, %dma_wait3A_367, %dma_wait3A_368] : memref<2x8x64xi32, #tpu.memory_space<vmem>> -> memref<1x1x64xi32, #tpu.memory_space<vmem>>
      %dma_wait3A_370 = tpu.memref_squeeze %dma_wait3A_369 : memref<1x1x64xi32, #tpu.memory_space<vmem>> -> memref<64xi32, #tpu.memory_space<vmem>>
      %dma_wait3A_371 = arith.constant 0 : i32
      %dma_wait3A_372 = arith.constant 0 : i32
      %dma_wait3A_373 = tpu.memref_slice %arg2[%dma_wait3A_371, %dma_wait3A_372] : memref<10000x128xf32, #tpu.memory_space<hbm>> -> memref<10000x128xf32, #tpu.memory_space<hbm>>
      tpu.wait_indirect_dma semaphore(%arg19 : memref<!tpu.dma_semaphore, #tpu.memory_space<semaphore_mem>>) src(%dma_wait3A_373 : memref<10000x128xf32, #tpu.memory_space<hbm>>) dst(%arg13 : memref<64x128xf32, #tpu.memory_space<vmem>>)
      %dma_start3A_374 = arith.constant 7 : i32
      %dma_start3A_375 = arith.constant 0 : i32
      %dma_start3A_376 = tpu.memref_slice %arg9[%select_n3A_154, %dma_start3A_374, %dma_start3A_375] : memref<2x8x64xi32, #tpu.memory_space<vmem>> -> memref<1x1x64xi32, #tpu.memory_space<vmem>>
      %dma_start3A_377 = tpu.memref_squeeze %dma_start3A_376 : memref<1x1x64xi32, #tpu.memory_space<vmem>> -> memref<64xi32, #tpu.memory_space<vmem>>
      %dma_start3A_378 = arith.constant 0 : i32
      %dma_start3A_379 = arith.constant 0 : i32
      %dma_start3A_380 = tpu.memref_slice %arg14[%dma_start3A_378, %dma_start3A_379] : memref<10008x128xf32, #tpu.memory_space<vmem_shared>> -> memref<10008x128xf32, #tpu.memory_space<vmem_shared>>
      tpu.enqueue_indirect_dma source(%arg13 : memref<64x128xf32, #tpu.memory_space<vmem>>) target(%dma_start3A_380 : memref<10008x128xf32, #tpu.memory_space<vmem_shared>>) offsets(%dma_start3A_377 : memref<64xi32, #tpu.memory_space<vmem>>) semaphore(%arg23 : memref<!tpu.dma_semaphore, #tpu.memory_space<semaphore_mem>>) {add = true}
      %lt3A_381 = arith.constant 19 : i32
      %lt3A_382 = arith.cmpi slt, %scan3A_144, %lt3A_381 : i32
      %convert_element_type3A_383 = arith.extui %lt3A_382 : i1 to i32
      %cond3A_384 = arith.constant 0 : i32
      %cond3A_385 = arith.cmpi ne, %convert_element_type3A_383, %cond3A_384 : i32
      scf.if %cond3A_385 {
        %dma_wait3A_386 = arith.constant 0 : i32
        %dma_wait3A_387 = arith.constant 0 : i32
        %dma_wait3A_388 = arith.constant 0 : i32
        %dma_wait3A_389 = tpu.memref_slice %arg9[%dma_wait3A_386, %dma_wait3A_387, %dma_wait3A_388] : memref<2x8x64xi32, #tpu.memory_space<vmem>> -> memref<1x1x64xi32, #tpu.memory_space<vmem>>
        %dma_wait3A_390 = tpu.memref_squeeze %dma_wait3A_389 : memref<1x1x64xi32, #tpu.memory_space<vmem>> -> memref<64xi32, #tpu.memory_space<vmem>>
        %dma_wait3A_391 = arith.constant 0 : i32
        %dma_wait3A_392 = arith.constant 0 : i32
        %dma_wait3A_393 = tpu.memref_slice %arg14[%dma_wait3A_391, %dma_wait3A_392] : memref<10008x128xf32, #tpu.memory_space<vmem_shared>> -> memref<10008x128xf32, #tpu.memory_space<vmem_shared>>
        tpu.wait_indirect_dma semaphore(%arg22 : memref<!tpu.dma_semaphore, #tpu.memory_space<semaphore_mem>>) src(%arg12 : memref<64x128xf32, #tpu.memory_space<vmem>>) dst(%dma_wait3A_393 : memref<10008x128xf32, #tpu.memory_space<vmem_shared>>)
        %sub3A = arith.constant 1 : i32
        %sub3A_394 = arith.subi %sub3A, %select_n3A_154 : i32
        %dma_start3A_395 = arith.constant 2 : i32
        %dma_start3A_396 = arith.constant 0 : i32
        %dma_start3A_397 = tpu.memref_slice %arg8[%sub3A_394, %dma_start3A_395, %dma_start3A_396] : memref<2x8x64xi32, #tpu.memory_space<vmem>> -> memref<1x1x64xi32, #tpu.memory_space<vmem>>
        %dma_start3A_398 = tpu.memref_squeeze %dma_start3A_397 : memref<1x1x64xi32, #tpu.memory_space<vmem>> -> memref<64xi32, #tpu.memory_space<vmem>>
        %dma_start3A_399 = arith.constant 0 : i32
        %dma_start3A_400 = arith.constant 0 : i32
        %dma_start3A_401 = tpu.memref_slice %arg2[%dma_start3A_399, %dma_start3A_400] : memref<10000x128xf32, #tpu.memory_space<hbm>> -> memref<10000x128xf32, #tpu.memory_space<hbm>>
        tpu.enqueue_indirect_dma source(%dma_start3A_401 : memref<10000x128xf32, #tpu.memory_space<hbm>>) target(%arg12 : memref<64x128xf32, #tpu.memory_space<vmem>>) offsets(%dma_start3A_398 : memref<64xi32, #tpu.memory_space<vmem>>) semaphore(%arg18 : memref<!tpu.dma_semaphore, #tpu.memory_space<semaphore_mem>>)
      } else {
      }
    }
    %scan3A_101 = arith.constant 20 : i32
    %dma_wait3A_102 = arith.constant 0 : i32
    %dma_wait3A_103 = arith.constant 0 : i32
    %dma_wait3A_104 = arith.constant 0 : i32
    %dma_wait3A_105 = tpu.memref_slice %arg9[%dma_wait3A_102, %dma_wait3A_103, %dma_wait3A_104] : memref<2x8x64xi32, #tpu.memory_space<vmem>> -> memref<1x1x64xi32, #tpu.memory_space<vmem>>
    %dma_wait3A_106 = tpu.memref_squeeze %dma_wait3A_105 : memref<1x1x64xi32, #tpu.memory_space<vmem>> -> memref<64xi32, #tpu.memory_space<vmem>>
    %dma_wait3A_107 = arith.constant 0 : i32
    %dma_wait3A_108 = arith.constant 0 : i32
    %dma_wait3A_109 = tpu.memref_slice %arg14[%dma_wait3A_107, %dma_wait3A_108] : memref<10008x128xf32, #tpu.memory_space<vmem_shared>> -> memref<10008x128xf32, #tpu.memory_space<vmem_shared>>
    tpu.wait_indirect_dma semaphore(%arg20 : memref<!tpu.dma_semaphore, #tpu.memory_space<semaphore_mem>>) src(%arg10 : memref<64x128xf32, #tpu.memory_space<vmem>>) dst(%dma_wait3A_109 : memref<10008x128xf32, #tpu.memory_space<vmem_shared>>)
    %dma_wait3A_110 = arith.constant 0 : i32
    %dma_wait3A_111 = arith.constant 0 : i32
    %dma_wait3A_112 = arith.constant 0 : i32
    %dma_wait3A_113 = tpu.memref_slice %arg9[%dma_wait3A_110, %dma_wait3A_111, %dma_wait3A_112] : memref<2x8x64xi32, #tpu.memory_space<vmem>> -> memref<1x1x64xi32, #tpu.memory_space<vmem>>
    %dma_wait3A_114 = tpu.memref_squeeze %dma_wait3A_113 : memref<1x1x64xi32, #tpu.memory_space<vmem>> -> memref<64xi32, #tpu.memory_space<vmem>>
    %dma_wait3A_115 = arith.constant 0 : i32
    %dma_wait3A_116 = arith.constant 0 : i32
    %dma_wait3A_117 = tpu.memref_slice %arg14[%dma_wait3A_115, %dma_wait3A_116] : memref<10008x128xf32, #tpu.memory_space<vmem_shared>> -> memref<10008x128xf32, #tpu.memory_space<vmem_shared>>
    tpu.wait_indirect_dma semaphore(%arg21 : memref<!tpu.dma_semaphore, #tpu.memory_space<semaphore_mem>>) src(%arg11 : memref<64x128xf32, #tpu.memory_space<vmem>>) dst(%dma_wait3A_117 : memref<10008x128xf32, #tpu.memory_space<vmem_shared>>)
    %dma_wait3A_118 = arith.constant 0 : i32
    %dma_wait3A_119 = arith.constant 0 : i32
    %dma_wait3A_120 = arith.constant 0 : i32
    %dma_wait3A_121 = tpu.memref_slice %arg9[%dma_wait3A_118, %dma_wait3A_119, %dma_wait3A_120] : memref<2x8x64xi32, #tpu.memory_space<vmem>> -> memref<1x1x64xi32, #tpu.memory_space<vmem>>
    %dma_wait3A_122 = tpu.memref_squeeze %dma_wait3A_121 : memref<1x1x64xi32, #tpu.memory_space<vmem>> -> memref<64xi32, #tpu.memory_space<vmem>>
    %dma_wait3A_123 = arith.constant 0 : i32
    %dma_wait3A_124 = arith.constant 0 : i32
    %dma_wait3A_125 = tpu.memref_slice %arg14[%dma_wait3A_123, %dma_wait3A_124] : memref<10008x128xf32, #tpu.memory_space<vmem_shared>> -> memref<10008x128xf32, #tpu.memory_space<vmem_shared>>
    tpu.wait_indirect_dma semaphore(%arg22 : memref<!tpu.dma_semaphore, #tpu.memory_space<semaphore_mem>>) src(%arg12 : memref<64x128xf32, #tpu.memory_space<vmem>>) dst(%dma_wait3A_125 : memref<10008x128xf32, #tpu.memory_space<vmem_shared>>)
    %dma_wait3A_126 = arith.constant 0 : i32
    %dma_wait3A_127 = arith.constant 0 : i32
    %dma_wait3A_128 = arith.constant 0 : i32
    %dma_wait3A_129 = tpu.memref_slice %arg9[%dma_wait3A_126, %dma_wait3A_127, %dma_wait3A_128] : memref<2x8x64xi32, #tpu.memory_space<vmem>> -> memref<1x1x64xi32, #tpu.memory_space<vmem>>
    %dma_wait3A_130 = tpu.memref_squeeze %dma_wait3A_129 : memref<1x1x64xi32, #tpu.memory_space<vmem>> -> memref<64xi32, #tpu.memory_space<vmem>>
    %dma_wait3A_131 = arith.constant 0 : i32
    %dma_wait3A_132 = arith.constant 0 : i32
    %dma_wait3A_133 = tpu.memref_slice %arg14[%dma_wait3A_131, %dma_wait3A_132] : memref<10008x128xf32, #tpu.memory_space<vmem_shared>> -> memref<10008x128xf32, #tpu.memory_space<vmem_shared>>
    tpu.wait_indirect_dma semaphore(%arg23 : memref<!tpu.dma_semaphore, #tpu.memory_space<semaphore_mem>>) src(%arg13 : memref<64x128xf32, #tpu.memory_space<vmem>>) dst(%dma_wait3A_133 : memref<10008x128xf32, #tpu.memory_space<vmem_shared>>)
    %barrier3A_134 = arith.constant 0 : index
    tpu.barrier barrier_id(%barrier3A_134)
    %mul3A_135 = arith.constant 624 : i32
    %mul3A_136 = arith.muli %arg1, %mul3A_135 : i32
    %mul3A_137 = arith.constant 624 : i32
    %mul3A_138 = arith.muli %arg1, %mul3A_137 : i32
    "tpu.region"() ({
      %run_scoped3A = tpu.sem_alloc : memref<!tpu.dma_semaphore, #tpu.memory_space<semaphore_mem>>
      %dma_start3A_144 = arith.constant 0 : i32
      %dma_start3A_145 = tpu.memref_slice %arg7[%arg0, %mul3A_138, %dma_start3A_144] : memref<2x10008x128xf32, #tpu.memory_space<hbm>> -> memref<1x624x128xf32, #tpu.memory_space<hbm>>
      %dma_start3A_146 = tpu.memref_squeeze %dma_start3A_145 : memref<1x624x128xf32, #tpu.memory_space<hbm>> -> memref<624x128xf32, #tpu.memory_space<hbm>>
      %dma_start3A_147 = arith.constant 0 : i32
      %dma_start3A_148 = tpu.memref_slice %arg14[%mul3A_136, %dma_start3A_147] : memref<10008x128xf32, #tpu.memory_space<vmem_shared>> -> memref<624x128xf32, #tpu.memory_space<vmem_shared>>
      tpu.enqueue_dma source(%dma_start3A_148 : memref<624x128xf32, #tpu.memory_space<vmem_shared>>) target(%dma_start3A_146 : memref<624x128xf32, #tpu.memory_space<hbm>>) target_semaphore(%run_scoped3A : memref<!tpu.dma_semaphore, #tpu.memory_space<semaphore_mem>>)
      %dma_wait3A_149 = arith.constant 0 : i32
      %dma_wait3A_150 = tpu.memref_slice %arg7[%arg0, %mul3A_138, %dma_wait3A_149] : memref<2x10008x128xf32, #tpu.memory_space<hbm>> -> memref<1x624x128xf32, #tpu.memory_space<hbm>>
      %dma_wait3A_151 = tpu.memref_squeeze %dma_wait3A_150 : memref<1x624x128xf32, #tpu.memory_space<hbm>> -> memref<624x128xf32, #tpu.memory_space<hbm>>
      %dma_wait3A_152 = arith.constant 0 : i32
      %dma_wait3A_153 = tpu.memref_slice %arg14[%mul3A_136, %dma_wait3A_152] : memref<10008x128xf32, #tpu.memory_space<vmem_shared>> -> memref<624x128xf32, #tpu.memory_space<vmem_shared>>
      tpu.wait_dma2 semaphore(%run_scoped3A : memref<!tpu.dma_semaphore, #tpu.memory_space<semaphore_mem>>) src(%dma_wait3A_153 : memref<624x128xf32, #tpu.memory_space<vmem_shared>>) dst(%dma_wait3A_151 : memref<624x128xf32, #tpu.memory_space<hbm>>)
      tpu.yield
    }) : () -> ()
    %eq3A_139 = arith.constant 15 : i32
    %eq3A_140 = arith.cmpi eq, %arg1, %eq3A_139 : i32
    %convert_element_type3A_141 = arith.extui %eq3A_140 : i1 to i32
    %cond3A_142 = arith.constant 0 : i32
    %cond3A_143 = arith.cmpi ne, %convert_element_type3A_141, %cond3A_142 : i32
    scf.if %cond3A_143 {
      "tpu.region"() ({
        %run_scoped3A = tpu.sem_alloc : memref<!tpu.dma_semaphore, #tpu.memory_space<semaphore_mem>>
        %dma_start3A_144 = arith.constant 9984 : i32
        %dma_start3A_145 = arith.constant 0 : i32
        %dma_start3A_146 = tpu.memref_slice %arg7[%arg0, %dma_start3A_144, %dma_start3A_145] : memref<2x10008x128xf32, #tpu.memory_space<hbm>> -> memref<1x24x128xf32, #tpu.memory_space<hbm>>
        %dma_start3A_147 = tpu.memref_squeeze %dma_start3A_146 : memref<1x24x128xf32, #tpu.memory_space<hbm>> -> memref<24x128xf32, #tpu.memory_space<hbm>>
        %dma_start3A_148 = arith.constant 9984 : i32
        %dma_start3A_149 = arith.constant 0 : i32
        %dma_start3A_150 = tpu.memref_slice %arg14[%dma_start3A_148, %dma_start3A_149] : memref<10008x128xf32, #tpu.memory_space<vmem_shared>> -> memref<24x128xf32, #tpu.memory_space<vmem_shared>>
        tpu.enqueue_dma source(%dma_start3A_150 : memref<24x128xf32, #tpu.memory_space<vmem_shared>>) target(%dma_start3A_147 : memref<24x128xf32, #tpu.memory_space<hbm>>) target_semaphore(%run_scoped3A : memref<!tpu.dma_semaphore, #tpu.memory_space<semaphore_mem>>)
        %dma_wait3A_151 = arith.constant 9984 : i32
        %dma_wait3A_152 = arith.constant 0 : i32
        %dma_wait3A_153 = tpu.memref_slice %arg7[%arg0, %dma_wait3A_151, %dma_wait3A_152] : memref<2x10008x128xf32, #tpu.memory_space<hbm>> -> memref<1x24x128xf32, #tpu.memory_space<hbm>>
        %dma_wait3A_154 = tpu.memref_squeeze %dma_wait3A_153 : memref<1x24x128xf32, #tpu.memory_space<hbm>> -> memref<24x128xf32, #tpu.memory_space<hbm>>
        %dma_wait3A_155 = arith.constant 9984 : i32
        %dma_wait3A_156 = arith.constant 0 : i32
        %dma_wait3A_157 = tpu.memref_slice %arg14[%dma_wait3A_155, %dma_wait3A_156] : memref<10008x128xf32, #tpu.memory_space<vmem_shared>> -> memref<24x128xf32, #tpu.memory_space<vmem_shared>>
        tpu.wait_dma2 semaphore(%run_scoped3A : memref<!tpu.dma_semaphore, #tpu.memory_space<semaphore_mem>>) src(%dma_wait3A_157 : memref<24x128xf32, #tpu.memory_space<vmem_shared>>) dst(%dma_wait3A_154 : memref<24x128xf32, #tpu.memory_space<hbm>>)
        tpu.yield
      }) : () -> ()
    } else {
    }
    return
  }
}

#map = affine_map<(d0, d1) -> (0, 0)>
#map1 = affine_map<(d0, d1) -> (0, 0, 0)>
#map2 = affine_map<(d0, d1) -> (0)>
module attributes {stable_mosaic.version = 14 : i64} {
  func.func @agg(%arg0: i32, %arg1: i32, %arg2: memref<10000x128xf32, #tpu.memory_space<hbm>>, %arg3: memref<32x160x64xi32, #tpu.memory_space<hbm>>, %arg4: memref<32x160x64xi32, #tpu.memory_space<hbm>>, %arg5: memref<10008x128xf32, #tpu.memory_space<hbm>>, %arg6: memref<10000xf32, #tpu.memory_space<hbm>>, %arg7: memref<2x10008x128xf32, #tpu.memory_space<hbm>>, %arg8: memref<32x10000xf32, #tpu.memory_space<hbm>>, %arg9: memref<2x8x64xi32, #tpu.memory_space<vmem>>, %arg10: memref<2x8x64xi32, #tpu.memory_space<vmem>>, %arg11: memref<64x128xf32, #tpu.memory_space<vmem>>, %arg12: memref<64x128xf32, #tpu.memory_space<vmem>>, %arg13: memref<64x128xf32, #tpu.memory_space<vmem>>, %arg14: memref<64x128xf32, #tpu.memory_space<vmem>>, %arg15: memref<10008x128xf32, #tpu.memory_space<vmem_shared>>, %arg16: memref<!tpu.dma_semaphore, #tpu.memory_space<semaphore_mem>>, %arg17: memref<!tpu.dma_semaphore, #tpu.memory_space<semaphore_mem>>, %arg18: memref<!tpu.dma_semaphore, #tpu.memory_space<semaphore_mem>>, %arg19: memref<!tpu.dma_semaphore, #tpu.memory_space<semaphore_mem>>, %arg20: memref<!tpu.dma_semaphore, #tpu.memory_space<semaphore_mem>>, %arg21: memref<!tpu.dma_semaphore, #tpu.memory_space<semaphore_mem>>, %arg22: memref<!tpu.dma_semaphore, #tpu.memory_space<semaphore_mem>>, %arg23: memref<!tpu.dma_semaphore, #tpu.memory_space<semaphore_mem>>, %arg24: memref<!tpu.dma_semaphore, #tpu.memory_space<semaphore_mem>>, %arg25: memref<10000xf32, #tpu.memory_space<vmem>>, %arg26: memref<16xi32, #tpu.memory_space<vmem>>) attributes {dimension_semantics = [#tpu.dimension_semantics<core_parallel>, #tpu.dimension_semantics<subcore_parallel>], iteration_bounds = array<i64: 2, 16>, scalar_prefetch = 0 : i64, scratch_operands = 18 : i64, tpu.core_type = #tpu.core_type<sc_vector_subcore>, window_params = [{transform_indices = #map}, {transform_indices = #map1}, {transform_indices = #map1}, {transform_indices = #map}, {transform_indices = #map2}, {transform_indices = #map1}, {transform_indices = #map}]} {
    %mul3A = arith.constant 16 : i32
    %mul3A_0 = arith.muli %arg0, %mul3A : i32
    %add3A = arith.addi %mul3A_0, %arg1 : i32
    %dma_start3A = arith.constant 0 : i32
    %dma_start3A_1 = arith.constant 0 : i32
    %dma_start3A_2 = arith.constant 0 : i32
    %dma_start3A_3 = tpu.memref_slice %arg9[%dma_start3A, %dma_start3A_1, %dma_start3A_2] : memref<2x8x64xi32, #tpu.memory_space<vmem>> -> memref<1x8x64xi32, #tpu.memory_space<vmem>>
    %dma_start3A_4 = tpu.memref_squeeze %dma_start3A_3 : memref<1x8x64xi32, #tpu.memory_space<vmem>> -> memref<8x64xi32, #tpu.memory_space<vmem>>
    %dma_start3A_5 = arith.constant 0 : i32
    %dma_start3A_6 = arith.constant 0 : i32
    %dma_start3A_7 = tpu.memref_slice %arg3[%add3A, %dma_start3A_5, %dma_start3A_6] : memref<32x160x64xi32, #tpu.memory_space<hbm>> -> memref<1x8x64xi32, #tpu.memory_space<hbm>>
    %dma_start3A_8 = tpu.memref_squeeze %dma_start3A_7 : memref<1x8x64xi32, #tpu.memory_space<hbm>> -> memref<8x64xi32, #tpu.memory_space<hbm>>
    %dma_start3A_9 = arith.constant 0 : i32
    %dma_start3A_10 = arith.constant 0 : i32
    %dma_start3A_11 = tpu.memref_slice %arg9[%dma_start3A, %dma_start3A_9, %dma_start3A_10] : memref<2x8x64xi32, #tpu.memory_space<vmem>> -> memref<1x8x64xi32, #tpu.memory_space<vmem>>
    %dma_start3A_12 = tpu.memref_squeeze %dma_start3A_11 : memref<1x8x64xi32, #tpu.memory_space<vmem>> -> memref<8x64xi32, #tpu.memory_space<vmem>>
    %dma_start3A_13 = arith.constant 0 : i32
    %dma_start3A_14 = arith.constant 0 : i32
    %dma_start3A_15 = tpu.memref_slice %arg3[%add3A, %dma_start3A_13, %dma_start3A_14] : memref<32x160x64xi32, #tpu.memory_space<hbm>> -> memref<1x8x64xi32, #tpu.memory_space<hbm>>
    %dma_start3A_16 = tpu.memref_squeeze %dma_start3A_15 : memref<1x8x64xi32, #tpu.memory_space<hbm>> -> memref<8x64xi32, #tpu.memory_space<hbm>>
    tpu.enqueue_dma source(%dma_start3A_16 : memref<8x64xi32, #tpu.memory_space<hbm>>) target(%dma_start3A_12 : memref<8x64xi32, #tpu.memory_space<vmem>>) target_semaphore(%arg16 : memref<!tpu.dma_semaphore, #tpu.memory_space<semaphore_mem>>)
    %dma_start3A_17 = arith.constant 0 : i32
    %dma_start3A_18 = arith.constant 0 : i32
    %dma_start3A_19 = arith.constant 0 : i32
    %dma_start3A_20 = tpu.memref_slice %arg10[%dma_start3A_17, %dma_start3A_18, %dma_start3A_19] : memref<2x8x64xi32, #tpu.memory_space<vmem>> -> memref<1x8x64xi32, #tpu.memory_space<vmem>>
    %dma_start3A_21 = tpu.memref_squeeze %dma_start3A_20 : memref<1x8x64xi32, #tpu.memory_space<vmem>> -> memref<8x64xi32, #tpu.memory_space<vmem>>
    %dma_start3A_22 = arith.constant 0 : i32
    %dma_start3A_23 = arith.constant 0 : i32
    %dma_start3A_24 = tpu.memref_slice %arg4[%add3A, %dma_start3A_22, %dma_start3A_23] : memref<32x160x64xi32, #tpu.memory_space<hbm>> -> memref<1x8x64xi32, #tpu.memory_space<hbm>>
    %dma_start3A_25 = tpu.memref_squeeze %dma_start3A_24 : memref<1x8x64xi32, #tpu.memory_space<hbm>> -> memref<8x64xi32, #tpu.memory_space<hbm>>
    %dma_start3A_26 = arith.constant 0 : i32
    %dma_start3A_27 = arith.constant 0 : i32
    %dma_start3A_28 = tpu.memref_slice %arg10[%dma_start3A_17, %dma_start3A_26, %dma_start3A_27] : memref<2x8x64xi32, #tpu.memory_space<vmem>> -> memref<1x8x64xi32, #tpu.memory_space<vmem>>
    %dma_start3A_29 = tpu.memref_squeeze %dma_start3A_28 : memref<1x8x64xi32, #tpu.memory_space<vmem>> -> memref<8x64xi32, #tpu.memory_space<vmem>>
    %dma_start3A_30 = arith.constant 0 : i32
    %dma_start3A_31 = arith.constant 0 : i32
    %dma_start3A_32 = tpu.memref_slice %arg4[%add3A, %dma_start3A_30, %dma_start3A_31] : memref<32x160x64xi32, #tpu.memory_space<hbm>> -> memref<1x8x64xi32, #tpu.memory_space<hbm>>
    %dma_start3A_33 = tpu.memref_squeeze %dma_start3A_32 : memref<1x8x64xi32, #tpu.memory_space<hbm>> -> memref<8x64xi32, #tpu.memory_space<hbm>>
    tpu.enqueue_dma source(%dma_start3A_33 : memref<8x64xi32, #tpu.memory_space<hbm>>) target(%dma_start3A_29 : memref<8x64xi32, #tpu.memory_space<vmem>>) target_semaphore(%arg16 : memref<!tpu.dma_semaphore, #tpu.memory_space<semaphore_mem>>)
    %mul3A_34 = arith.constant 624 : i32
    %mul3A_35 = arith.muli %arg1, %mul3A_34 : i32
    %mul3A_36 = arith.constant 624 : i32
    %mul3A_37 = arith.muli %arg1, %mul3A_36 : i32
    "tpu.region"() ({
      %run_scoped3A = tpu.sem_alloc : memref<!tpu.dma_semaphore, #tpu.memory_space<semaphore_mem>>
      %dma_start3A_144 = arith.constant 0 : i32
      %dma_start3A_145 = tpu.memref_slice %arg15[%mul3A_37, %dma_start3A_144] : memref<10008x128xf32, #tpu.memory_space<vmem_shared>> -> memref<624x128xf32, #tpu.memory_space<vmem_shared>>
      %dma_start3A_146 = arith.constant 0 : i32
      %dma_start3A_147 = tpu.memref_slice %arg5[%mul3A_35, %dma_start3A_146] : memref<10008x128xf32, #tpu.memory_space<hbm>> -> memref<624x128xf32, #tpu.memory_space<hbm>>
      tpu.enqueue_dma source(%dma_start3A_147 : memref<624x128xf32, #tpu.memory_space<hbm>>) target(%dma_start3A_145 : memref<624x128xf32, #tpu.memory_space<vmem_shared>>) target_semaphore(%run_scoped3A : memref<!tpu.dma_semaphore, #tpu.memory_space<semaphore_mem>>)
      %dma_wait3A_148 = arith.constant 0 : i32
      %dma_wait3A_149 = tpu.memref_slice %arg15[%mul3A_37, %dma_wait3A_148] : memref<10008x128xf32, #tpu.memory_space<vmem_shared>> -> memref<624x128xf32, #tpu.memory_space<vmem_shared>>
      %dma_wait3A_150 = arith.constant 0 : i32
      %dma_wait3A_151 = tpu.memref_slice %arg5[%mul3A_35, %dma_wait3A_150] : memref<10008x128xf32, #tpu.memory_space<hbm>> -> memref<624x128xf32, #tpu.memory_space<hbm>>
      tpu.wait_dma2 semaphore(%run_scoped3A : memref<!tpu.dma_semaphore, #tpu.memory_space<semaphore_mem>>) src(%dma_wait3A_151 : memref<624x128xf32, #tpu.memory_space<hbm>>) dst(%dma_wait3A_149 : memref<624x128xf32, #tpu.memory_space<vmem_shared>>)
      tpu.yield
    }) : () -> ()
    %eq3A = arith.constant 15 : i32
    %eq3A_38 = arith.cmpi eq, %arg1, %eq3A : i32
    %convert_element_type3A = arith.extui %eq3A_38 : i1 to i32
    %cond3A = arith.constant 0 : i32
    %cond3A_39 = arith.cmpi ne, %convert_element_type3A, %cond3A : i32
    scf.if %cond3A_39 {
      "tpu.region"() ({
        %run_scoped3A = tpu.sem_alloc : memref<!tpu.dma_semaphore, #tpu.memory_space<semaphore_mem>>
        %dma_start3A_144 = arith.constant 9984 : i32
        %dma_start3A_145 = arith.constant 0 : i32
        %dma_start3A_146 = tpu.memref_slice %arg15[%dma_start3A_144, %dma_start3A_145] : memref<10008x128xf32, #tpu.memory_space<vmem_shared>> -> memref<24x128xf32, #tpu.memory_space<vmem_shared>>
        %dma_start3A_147 = arith.constant 9984 : i32
        %dma_start3A_148 = arith.constant 0 : i32
        %dma_start3A_149 = tpu.memref_slice %arg5[%dma_start3A_147, %dma_start3A_148] : memref<10008x128xf32, #tpu.memory_space<hbm>> -> memref<24x128xf32, #tpu.memory_space<hbm>>
        tpu.enqueue_dma source(%dma_start3A_149 : memref<24x128xf32, #tpu.memory_space<hbm>>) target(%dma_start3A_146 : memref<24x128xf32, #tpu.memory_space<vmem_shared>>) target_semaphore(%run_scoped3A : memref<!tpu.dma_semaphore, #tpu.memory_space<semaphore_mem>>)
        %dma_wait3A_150 = arith.constant 9984 : i32
        %dma_wait3A_151 = arith.constant 0 : i32
        %dma_wait3A_152 = tpu.memref_slice %arg15[%dma_wait3A_150, %dma_wait3A_151] : memref<10008x128xf32, #tpu.memory_space<vmem_shared>> -> memref<24x128xf32, #tpu.memory_space<vmem_shared>>
        %dma_wait3A_153 = arith.constant 9984 : i32
        %dma_wait3A_154 = arith.constant 0 : i32
        %dma_wait3A_155 = tpu.memref_slice %arg5[%dma_wait3A_153, %dma_wait3A_154] : memref<10008x128xf32, #tpu.memory_space<hbm>> -> memref<24x128xf32, #tpu.memory_space<hbm>>
        tpu.wait_dma2 semaphore(%run_scoped3A : memref<!tpu.dma_semaphore, #tpu.memory_space<semaphore_mem>>) src(%dma_wait3A_155 : memref<24x128xf32, #tpu.memory_space<hbm>>) dst(%dma_wait3A_152 : memref<24x128xf32, #tpu.memory_space<vmem_shared>>)
        tpu.yield
      }) : () -> ()
    } else {
    }
    "tpu.region"() ({
      %run_scoped3A = tpu.sem_alloc : memref<!tpu.dma_semaphore, #tpu.memory_space<semaphore_mem>>
      tpu.enqueue_dma source(%arg6 : memref<10000xf32, #tpu.memory_space<hbm>>) target(%arg25 : memref<10000xf32, #tpu.memory_space<vmem>>) target_semaphore(%run_scoped3A : memref<!tpu.dma_semaphore, #tpu.memory_space<semaphore_mem>>)
      tpu.wait_dma2 semaphore(%run_scoped3A : memref<!tpu.dma_semaphore, #tpu.memory_space<semaphore_mem>>) src(%arg6 : memref<10000xf32, #tpu.memory_space<hbm>>) dst(%arg25 : memref<10000xf32, #tpu.memory_space<vmem>>)
      tpu.yield
    }) : () -> ()
    %dma_wait3A = arith.constant 0 : i32
    %dma_wait3A_40 = arith.constant 0 : i32
    %dma_wait3A_41 = arith.constant 0 : i32
    %dma_wait3A_42 = tpu.memref_slice %arg9[%dma_wait3A, %dma_wait3A_40, %dma_wait3A_41] : memref<2x8x64xi32, #tpu.memory_space<vmem>> -> memref<1x8x64xi32, #tpu.memory_space<vmem>>
    %dma_wait3A_43 = tpu.memref_squeeze %dma_wait3A_42 : memref<1x8x64xi32, #tpu.memory_space<vmem>> -> memref<8x64xi32, #tpu.memory_space<vmem>>
    %dma_wait3A_44 = arith.constant 0 : i32
    %dma_wait3A_45 = arith.constant 0 : i32
    %dma_wait3A_46 = tpu.memref_slice %arg3[%add3A, %dma_wait3A_44, %dma_wait3A_45] : memref<32x160x64xi32, #tpu.memory_space<hbm>> -> memref<1x8x64xi32, #tpu.memory_space<hbm>>
    %dma_wait3A_47 = tpu.memref_squeeze %dma_wait3A_46 : memref<1x8x64xi32, #tpu.memory_space<hbm>> -> memref<8x64xi32, #tpu.memory_space<hbm>>
    %dma_wait3A_48 = arith.constant 0 : i32
    %dma_wait3A_49 = arith.constant 0 : i32
    %dma_wait3A_50 = tpu.memref_slice %arg9[%dma_wait3A, %dma_wait3A_48, %dma_wait3A_49] : memref<2x8x64xi32, #tpu.memory_space<vmem>> -> memref<1x8x64xi32, #tpu.memory_space<vmem>>
    %dma_wait3A_51 = tpu.memref_squeeze %dma_wait3A_50 : memref<1x8x64xi32, #tpu.memory_space<vmem>> -> memref<8x64xi32, #tpu.memory_space<vmem>>
    %dma_wait3A_52 = arith.constant 0 : i32
    %dma_wait3A_53 = arith.constant 0 : i32
    %dma_wait3A_54 = tpu.memref_slice %arg3[%add3A, %dma_wait3A_52, %dma_wait3A_53] : memref<32x160x64xi32, #tpu.memory_space<hbm>> -> memref<1x8x64xi32, #tpu.memory_space<hbm>>
    %dma_wait3A_55 = tpu.memref_squeeze %dma_wait3A_54 : memref<1x8x64xi32, #tpu.memory_space<hbm>> -> memref<8x64xi32, #tpu.memory_space<hbm>>
    tpu.wait_dma2 semaphore(%arg16 : memref<!tpu.dma_semaphore, #tpu.memory_space<semaphore_mem>>) src(%dma_wait3A_55 : memref<8x64xi32, #tpu.memory_space<hbm>>) dst(%dma_wait3A_51 : memref<8x64xi32, #tpu.memory_space<vmem>>)
    %dma_wait3A_56 = arith.constant 0 : i32
    %dma_wait3A_57 = arith.constant 0 : i32
    %dma_wait3A_58 = arith.constant 0 : i32
    %dma_wait3A_59 = tpu.memref_slice %arg10[%dma_wait3A_56, %dma_wait3A_57, %dma_wait3A_58] : memref<2x8x64xi32, #tpu.memory_space<vmem>> -> memref<1x8x64xi32, #tpu.memory_space<vmem>>
    %dma_wait3A_60 = tpu.memref_squeeze %dma_wait3A_59 : memref<1x8x64xi32, #tpu.memory_space<vmem>> -> memref<8x64xi32, #tpu.memory_space<vmem>>
    %dma_wait3A_61 = arith.constant 0 : i32
    %dma_wait3A_62 = arith.constant 0 : i32
    %dma_wait3A_63 = tpu.memref_slice %arg4[%add3A, %dma_wait3A_61, %dma_wait3A_62] : memref<32x160x64xi32, #tpu.memory_space<hbm>> -> memref<1x8x64xi32, #tpu.memory_space<hbm>>
    %dma_wait3A_64 = tpu.memref_squeeze %dma_wait3A_63 : memref<1x8x64xi32, #tpu.memory_space<hbm>> -> memref<8x64xi32, #tpu.memory_space<hbm>>
    %dma_wait3A_65 = arith.constant 0 : i32
    %dma_wait3A_66 = arith.constant 0 : i32
    %dma_wait3A_67 = tpu.memref_slice %arg10[%dma_wait3A_56, %dma_wait3A_65, %dma_wait3A_66] : memref<2x8x64xi32, #tpu.memory_space<vmem>> -> memref<1x8x64xi32, #tpu.memory_space<vmem>>
    %dma_wait3A_68 = tpu.memref_squeeze %dma_wait3A_67 : memref<1x8x64xi32, #tpu.memory_space<vmem>> -> memref<8x64xi32, #tpu.memory_space<vmem>>
    %dma_wait3A_69 = arith.constant 0 : i32
    %dma_wait3A_70 = arith.constant 0 : i32
    %dma_wait3A_71 = tpu.memref_slice %arg4[%add3A, %dma_wait3A_69, %dma_wait3A_70] : memref<32x160x64xi32, #tpu.memory_space<hbm>> -> memref<1x8x64xi32, #tpu.memory_space<hbm>>
    %dma_wait3A_72 = tpu.memref_squeeze %dma_wait3A_71 : memref<1x8x64xi32, #tpu.memory_space<hbm>> -> memref<8x64xi32, #tpu.memory_space<hbm>>
    tpu.wait_dma2 semaphore(%arg16 : memref<!tpu.dma_semaphore, #tpu.memory_space<semaphore_mem>>) src(%dma_wait3A_72 : memref<8x64xi32, #tpu.memory_space<hbm>>) dst(%dma_wait3A_68 : memref<8x64xi32, #tpu.memory_space<vmem>>)
    %dma_start3A_73 = arith.constant 0 : i32
    %dma_start3A_74 = arith.constant 0 : i32
    %dma_start3A_75 = arith.constant 0 : i32
    %dma_start3A_76 = tpu.memref_slice %arg9[%dma_start3A_73, %dma_start3A_74, %dma_start3A_75] : memref<2x8x64xi32, #tpu.memory_space<vmem>> -> memref<1x1x64xi32, #tpu.memory_space<vmem>>
    %dma_start3A_77 = tpu.memref_squeeze %dma_start3A_76 : memref<1x1x64xi32, #tpu.memory_space<vmem>> -> memref<64xi32, #tpu.memory_space<vmem>>
    %dma_start3A_78 = arith.constant 0 : i32
    %dma_start3A_79 = arith.constant 0 : i32
    %dma_start3A_80 = tpu.memref_slice %arg2[%dma_start3A_78, %dma_start3A_79] : memref<10000x128xf32, #tpu.memory_space<hbm>> -> memref<10000x128xf32, #tpu.memory_space<hbm>>
    tpu.enqueue_indirect_dma source(%dma_start3A_80 : memref<10000x128xf32, #tpu.memory_space<hbm>>) target(%arg11 : memref<64x128xf32, #tpu.memory_space<vmem>>) offsets(%dma_start3A_77 : memref<64xi32, #tpu.memory_space<vmem>>) semaphore(%arg17 : memref<!tpu.dma_semaphore, #tpu.memory_space<semaphore_mem>>)
    %dma_start3A_81 = arith.constant 0 : i32
    %dma_start3A_82 = arith.constant 1 : i32
    %dma_start3A_83 = arith.constant 0 : i32
    %dma_start3A_84 = tpu.memref_slice %arg9[%dma_start3A_81, %dma_start3A_82, %dma_start3A_83] : memref<2x8x64xi32, #tpu.memory_space<vmem>> -> memref<1x1x64xi32, #tpu.memory_space<vmem>>
    %dma_start3A_85 = tpu.memref_squeeze %dma_start3A_84 : memref<1x1x64xi32, #tpu.memory_space<vmem>> -> memref<64xi32, #tpu.memory_space<vmem>>
    %dma_start3A_86 = arith.constant 0 : i32
    %dma_start3A_87 = arith.constant 0 : i32
    %dma_start3A_88 = tpu.memref_slice %arg2[%dma_start3A_86, %dma_start3A_87] : memref<10000x128xf32, #tpu.memory_space<hbm>> -> memref<10000x128xf32, #tpu.memory_space<hbm>>
    tpu.enqueue_indirect_dma source(%dma_start3A_88 : memref<10000x128xf32, #tpu.memory_space<hbm>>) target(%arg12 : memref<64x128xf32, #tpu.memory_space<vmem>>) offsets(%dma_start3A_85 : memref<64xi32, #tpu.memory_space<vmem>>) semaphore(%arg18 : memref<!tpu.dma_semaphore, #tpu.memory_space<semaphore_mem>>)
    %dma_start3A_89 = arith.constant 0 : i32
    %dma_start3A_90 = arith.constant 2 : i32
    %dma_start3A_91 = arith.constant 0 : i32
    %dma_start3A_92 = tpu.memref_slice %arg9[%dma_start3A_89, %dma_start3A_90, %dma_start3A_91] : memref<2x8x64xi32, #tpu.memory_space<vmem>> -> memref<1x1x64xi32, #tpu.memory_space<vmem>>
    %dma_start3A_93 = tpu.memref_squeeze %dma_start3A_92 : memref<1x1x64xi32, #tpu.memory_space<vmem>> -> memref<64xi32, #tpu.memory_space<vmem>>
    %dma_start3A_94 = arith.constant 0 : i32
    %dma_start3A_95 = arith.constant 0 : i32
    %dma_start3A_96 = tpu.memref_slice %arg2[%dma_start3A_94, %dma_start3A_95] : memref<10000x128xf32, #tpu.memory_space<hbm>> -> memref<10000x128xf32, #tpu.memory_space<hbm>>
    tpu.enqueue_indirect_dma source(%dma_start3A_96 : memref<10000x128xf32, #tpu.memory_space<hbm>>) target(%arg13 : memref<64x128xf32, #tpu.memory_space<vmem>>) offsets(%dma_start3A_93 : memref<64xi32, #tpu.memory_space<vmem>>) semaphore(%arg19 : memref<!tpu.dma_semaphore, #tpu.memory_space<semaphore_mem>>)
    %barrier3A = arith.constant 0 : index
    tpu.barrier barrier_id(%barrier3A)
    %scan3A = arith.constant 0 : i32
    %scan3A_97 = arith.constant 0 : i32
    %scan3A_98 = arith.constant 20 : i32
    %scan3A_99 = arith.addi %scan3A_97, %scan3A_98 : i32
    %scan3A_100 = arith.constant 1 : i32
    scf.for %scan3A_144 = %scan3A_97 to %scan3A_99 step %scan3A_100  : i32 {
      %jit3A = arith.constant 2 : i32
      %eq3A_145 = arith.constant 0 : i32
      %eq3A_146 = arith.cmpi eq, %jit3A, %eq3A_145 : i32
      %jit3A_147 = arith.constant 1 : i32
      %select_n3A = arith.select %eq3A_146, %jit3A_147, %jit3A : i32
      %rem3A = arith.remsi %scan3A_144, %select_n3A : i32
      %ne3A = arith.constant 0 : i32
      %ne3A_148 = arith.cmpi ne, %rem3A, %ne3A : i32
      %lt3A = arith.constant 0 : i32
      %lt3A_149 = arith.cmpi slt, %rem3A, %lt3A : i32
      %lt3A_150 = arith.constant 0 : i32
      %lt3A_151 = arith.cmpi slt, %select_n3A, %lt3A_150 : i32
      %ne3A_152 = arith.xori %lt3A_149, %lt3A_151 : i1
      %and3A = arith.andi %ne3A_152, %ne3A_148 : i1
      %add3A_153 = arith.addi %rem3A, %select_n3A : i32
      %select_n3A_154 = arith.select %and3A, %add3A_153, %rem3A : i32
      %mul3A_155 = arith.constant 8 : i32
      %mul3A_156 = arith.muli %scan3A_144, %mul3A_155 : i32
      %add3A_157 = arith.constant 0 : i32
      %add3A_158 = arith.addi %mul3A_156, %add3A_157 : i32
      %dma_wait3A_159 = arith.constant 0 : i32
      %dma_wait3A_160 = arith.constant 0 : i32
      %dma_wait3A_161 = arith.constant 0 : i32
      %dma_wait3A_162 = tpu.memref_slice %arg9[%dma_wait3A_159, %dma_wait3A_160, %dma_wait3A_161] : memref<2x8x64xi32, #tpu.memory_space<vmem>> -> memref<1x1x64xi32, #tpu.memory_space<vmem>>
      %dma_wait3A_163 = tpu.memref_squeeze %dma_wait3A_162 : memref<1x1x64xi32, #tpu.memory_space<vmem>> -> memref<64xi32, #tpu.memory_space<vmem>>
      %dma_wait3A_164 = arith.constant 0 : i32
      %dma_wait3A_165 = arith.constant 0 : i32
      %dma_wait3A_166 = tpu.memref_slice %arg2[%dma_wait3A_164, %dma_wait3A_165] : memref<10000x128xf32, #tpu.memory_space<hbm>> -> memref<10000x128xf32, #tpu.memory_space<hbm>>
      tpu.wait_indirect_dma semaphore(%arg17 : memref<!tpu.dma_semaphore, #tpu.memory_space<semaphore_mem>>) src(%dma_wait3A_166 : memref<10000x128xf32, #tpu.memory_space<hbm>>) dst(%arg11 : memref<64x128xf32, #tpu.memory_space<vmem>>)
      %dma_start3A_167 = arith.constant 0 : i32
      %dma_start3A_168 = arith.constant 0 : i32
      %dma_start3A_169 = tpu.memref_slice %arg10[%select_n3A_154, %dma_start3A_167, %dma_start3A_168] : memref<2x8x64xi32, #tpu.memory_space<vmem>> -> memref<1x1x64xi32, #tpu.memory_space<vmem>>
      %dma_start3A_170 = tpu.memref_squeeze %dma_start3A_169 : memref<1x1x64xi32, #tpu.memory_space<vmem>> -> memref<64xi32, #tpu.memory_space<vmem>>
      %dma_start3A_171 = arith.constant 0 : i32
      %dma_start3A_172 = arith.constant 0 : i32
      %dma_start3A_173 = tpu.memref_slice %arg15[%dma_start3A_171, %dma_start3A_172] : memref<10008x128xf32, #tpu.memory_space<vmem_shared>> -> memref<10008x128xf32, #tpu.memory_space<vmem_shared>>
      tpu.enqueue_indirect_dma source(%arg11 : memref<64x128xf32, #tpu.memory_space<vmem>>) target(%dma_start3A_173 : memref<10008x128xf32, #tpu.memory_space<vmem_shared>>) offsets(%dma_start3A_170 : memref<64xi32, #tpu.memory_space<vmem>>) semaphore(%arg21 : memref<!tpu.dma_semaphore, #tpu.memory_space<semaphore_mem>>) {add = true}
      %ge3A = arith.constant 1 : i32
      %ge3A_174 = arith.cmpi sge, %add3A_158, %ge3A : i32
      %convert_element_type3A_175 = arith.extui %ge3A_174 : i1 to i32
      %cond3A_176 = arith.constant 0 : i32
      %cond3A_177 = arith.cmpi ne, %convert_element_type3A_175, %cond3A_176 : i32
      scf.if %cond3A_177 {
        %dma_wait3A_392 = arith.constant 0 : i32
        %dma_wait3A_393 = arith.constant 0 : i32
        %dma_wait3A_394 = arith.constant 0 : i32
        %dma_wait3A_395 = tpu.memref_slice %arg10[%dma_wait3A_392, %dma_wait3A_393, %dma_wait3A_394] : memref<2x8x64xi32, #tpu.memory_space<vmem>> -> memref<1x1x64xi32, #tpu.memory_space<vmem>>
        %dma_wait3A_396 = tpu.memref_squeeze %dma_wait3A_395 : memref<1x1x64xi32, #tpu.memory_space<vmem>> -> memref<64xi32, #tpu.memory_space<vmem>>
        %dma_wait3A_397 = arith.constant 0 : i32
        %dma_wait3A_398 = arith.constant 0 : i32
        %dma_wait3A_399 = tpu.memref_slice %arg15[%dma_wait3A_397, %dma_wait3A_398] : memref<10008x128xf32, #tpu.memory_space<vmem_shared>> -> memref<10008x128xf32, #tpu.memory_space<vmem_shared>>
        tpu.wait_indirect_dma semaphore(%arg24 : memref<!tpu.dma_semaphore, #tpu.memory_space<semaphore_mem>>) src(%arg14 : memref<64x128xf32, #tpu.memory_space<vmem>>) dst(%dma_wait3A_399 : memref<10008x128xf32, #tpu.memory_space<vmem_shared>>)
      } else {
      }
      %dma_start3A_178 = arith.constant 3 : i32
      %dma_start3A_179 = arith.constant 0 : i32
      %dma_start3A_180 = tpu.memref_slice %arg9[%select_n3A_154, %dma_start3A_178, %dma_start3A_179] : memref<2x8x64xi32, #tpu.memory_space<vmem>> -> memref<1x1x64xi32, #tpu.memory_space<vmem>>
      %dma_start3A_181 = tpu.memref_squeeze %dma_start3A_180 : memref<1x1x64xi32, #tpu.memory_space<vmem>> -> memref<64xi32, #tpu.memory_space<vmem>>
      %dma_start3A_182 = arith.constant 0 : i32
      %dma_start3A_183 = arith.constant 0 : i32
      %dma_start3A_184 = tpu.memref_slice %arg2[%dma_start3A_182, %dma_start3A_183] : memref<10000x128xf32, #tpu.memory_space<hbm>> -> memref<10000x128xf32, #tpu.memory_space<hbm>>
      tpu.enqueue_indirect_dma source(%dma_start3A_184 : memref<10000x128xf32, #tpu.memory_space<hbm>>) target(%arg14 : memref<64x128xf32, #tpu.memory_space<vmem>>) offsets(%dma_start3A_181 : memref<64xi32, #tpu.memory_space<vmem>>) semaphore(%arg20 : memref<!tpu.dma_semaphore, #tpu.memory_space<semaphore_mem>>)
      %mul3A_185 = arith.constant 8 : i32
      %mul3A_186 = arith.muli %scan3A_144, %mul3A_185 : i32
      %add3A_187 = arith.constant 1 : i32
      %add3A_188 = arith.addi %mul3A_186, %add3A_187 : i32
      %dma_wait3A_189 = arith.constant 0 : i32
      %dma_wait3A_190 = arith.constant 0 : i32
      %dma_wait3A_191 = arith.constant 0 : i32
      %dma_wait3A_192 = tpu.memref_slice %arg9[%dma_wait3A_189, %dma_wait3A_190, %dma_wait3A_191] : memref<2x8x64xi32, #tpu.memory_space<vmem>> -> memref<1x1x64xi32, #tpu.memory_space<vmem>>
      %dma_wait3A_193 = tpu.memref_squeeze %dma_wait3A_192 : memref<1x1x64xi32, #tpu.memory_space<vmem>> -> memref<64xi32, #tpu.memory_space<vmem>>
      %dma_wait3A_194 = arith.constant 0 : i32
      %dma_wait3A_195 = arith.constant 0 : i32
      %dma_wait3A_196 = tpu.memref_slice %arg2[%dma_wait3A_194, %dma_wait3A_195] : memref<10000x128xf32, #tpu.memory_space<hbm>> -> memref<10000x128xf32, #tpu.memory_space<hbm>>
      tpu.wait_indirect_dma semaphore(%arg18 : memref<!tpu.dma_semaphore, #tpu.memory_space<semaphore_mem>>) src(%dma_wait3A_196 : memref<10000x128xf32, #tpu.memory_space<hbm>>) dst(%arg12 : memref<64x128xf32, #tpu.memory_space<vmem>>)
      %dma_start3A_197 = arith.constant 1 : i32
      %dma_start3A_198 = arith.constant 0 : i32
      %dma_start3A_199 = tpu.memref_slice %arg10[%select_n3A_154, %dma_start3A_197, %dma_start3A_198] : memref<2x8x64xi32, #tpu.memory_space<vmem>> -> memref<1x1x64xi32, #tpu.memory_space<vmem>>
      %dma_start3A_200 = tpu.memref_squeeze %dma_start3A_199 : memref<1x1x64xi32, #tpu.memory_space<vmem>> -> memref<64xi32, #tpu.memory_space<vmem>>
      %dma_start3A_201 = arith.constant 0 : i32
      %dma_start3A_202 = arith.constant 0 : i32
      %dma_start3A_203 = tpu.memref_slice %arg15[%dma_start3A_201, %dma_start3A_202] : memref<10008x128xf32, #tpu.memory_space<vmem_shared>> -> memref<10008x128xf32, #tpu.memory_space<vmem_shared>>
      tpu.enqueue_indirect_dma source(%arg12 : memref<64x128xf32, #tpu.memory_space<vmem>>) target(%dma_start3A_203 : memref<10008x128xf32, #tpu.memory_space<vmem_shared>>) offsets(%dma_start3A_200 : memref<64xi32, #tpu.memory_space<vmem>>) semaphore(%arg22 : memref<!tpu.dma_semaphore, #tpu.memory_space<semaphore_mem>>) {add = true}
      %lt3A_204 = arith.constant 19 : i32
      %lt3A_205 = arith.cmpi slt, %scan3A_144, %lt3A_204 : i32
      %convert_element_type3A_206 = arith.extui %lt3A_205 : i1 to i32
      %cond3A_207 = arith.constant 0 : i32
      %cond3A_208 = arith.cmpi ne, %convert_element_type3A_206, %cond3A_207 : i32
      scf.if %cond3A_208 {
        %add3A_392 = arith.constant 1 : i32
        %add3A_393 = arith.addi %scan3A_144, %add3A_392 : i32
        %sub3A = arith.constant 1 : i32
        %sub3A_394 = arith.subi %sub3A, %select_n3A_154 : i32
        %mul3A_395 = arith.constant 8 : i32
        %mul3A_396 = arith.muli %add3A_393, %mul3A_395 : i32
        %dma_start3A_397 = arith.constant 0 : i32
        %dma_start3A_398 = arith.constant 0 : i32
        %dma_start3A_399 = tpu.memref_slice %arg9[%sub3A_394, %dma_start3A_397, %dma_start3A_398] : memref<2x8x64xi32, #tpu.memory_space<vmem>> -> memref<1x8x64xi32, #tpu.memory_space<vmem>>
        %dma_start3A_400 = tpu.memref_squeeze %dma_start3A_399 : memref<1x8x64xi32, #tpu.memory_space<vmem>> -> memref<8x64xi32, #tpu.memory_space<vmem>>
        %dma_start3A_401 = arith.constant 0 : i32
        %dma_start3A_402 = tpu.memref_slice %arg3[%add3A, %mul3A_396, %dma_start3A_401] : memref<32x160x64xi32, #tpu.memory_space<hbm>> -> memref<1x8x64xi32, #tpu.memory_space<hbm>>
        %dma_start3A_403 = tpu.memref_squeeze %dma_start3A_402 : memref<1x8x64xi32, #tpu.memory_space<hbm>> -> memref<8x64xi32, #tpu.memory_space<hbm>>
        %dma_start3A_404 = arith.constant 0 : i32
        %dma_start3A_405 = arith.constant 0 : i32
        %dma_start3A_406 = tpu.memref_slice %arg9[%sub3A_394, %dma_start3A_404, %dma_start3A_405] : memref<2x8x64xi32, #tpu.memory_space<vmem>> -> memref<1x8x64xi32, #tpu.memory_space<vmem>>
        %dma_start3A_407 = tpu.memref_squeeze %dma_start3A_406 : memref<1x8x64xi32, #tpu.memory_space<vmem>> -> memref<8x64xi32, #tpu.memory_space<vmem>>
        %dma_start3A_408 = arith.constant 0 : i32
        %dma_start3A_409 = tpu.memref_slice %arg3[%add3A, %mul3A_396, %dma_start3A_408] : memref<32x160x64xi32, #tpu.memory_space<hbm>> -> memref<1x8x64xi32, #tpu.memory_space<hbm>>
        %dma_start3A_410 = tpu.memref_squeeze %dma_start3A_409 : memref<1x8x64xi32, #tpu.memory_space<hbm>> -> memref<8x64xi32, #tpu.memory_space<hbm>>
        tpu.enqueue_dma source(%dma_start3A_410 : memref<8x64xi32, #tpu.memory_space<hbm>>) target(%dma_start3A_407 : memref<8x64xi32, #tpu.memory_space<vmem>>) target_semaphore(%arg16 : memref<!tpu.dma_semaphore, #tpu.memory_space<semaphore_mem>>)
        %mul3A_411 = arith.constant 8 : i32
        %mul3A_412 = arith.muli %add3A_393, %mul3A_411 : i32
        %dma_start3A_413 = arith.constant 0 : i32
        %dma_start3A_414 = arith.constant 0 : i32
        %dma_start3A_415 = tpu.memref_slice %arg10[%sub3A_394, %dma_start3A_413, %dma_start3A_414] : memref<2x8x64xi32, #tpu.memory_space<vmem>> -> memref<1x8x64xi32, #tpu.memory_space<vmem>>
        %dma_start3A_416 = tpu.memref_squeeze %dma_start3A_415 : memref<1x8x64xi32, #tpu.memory_space<vmem>> -> memref<8x64xi32, #tpu.memory_space<vmem>>
        %dma_start3A_417 = arith.constant 0 : i32
        %dma_start3A_418 = tpu.memref_slice %arg4[%add3A, %mul3A_412, %dma_start3A_417] : memref<32x160x64xi32, #tpu.memory_space<hbm>> -> memref<1x8x64xi32, #tpu.memory_space<hbm>>
        %dma_start3A_419 = tpu.memref_squeeze %dma_start3A_418 : memref<1x8x64xi32, #tpu.memory_space<hbm>> -> memref<8x64xi32, #tpu.memory_space<hbm>>
        %dma_start3A_420 = arith.constant 0 : i32
        %dma_start3A_421 = arith.constant 0 : i32
        %dma_start3A_422 = tpu.memref_slice %arg10[%sub3A_394, %dma_start3A_420, %dma_start3A_421] : memref<2x8x64xi32, #tpu.memory_space<vmem>> -> memref<1x8x64xi32, #tpu.memory_space<vmem>>
        %dma_start3A_423 = tpu.memref_squeeze %dma_start3A_422 : memref<1x8x64xi32, #tpu.memory_space<vmem>> -> memref<8x64xi32, #tpu.memory_space<vmem>>
        %dma_start3A_424 = arith.constant 0 : i32
        %dma_start3A_425 = tpu.memref_slice %arg4[%add3A, %mul3A_412, %dma_start3A_424] : memref<32x160x64xi32, #tpu.memory_space<hbm>> -> memref<1x8x64xi32, #tpu.memory_space<hbm>>
        %dma_start3A_426 = tpu.memref_squeeze %dma_start3A_425 : memref<1x8x64xi32, #tpu.memory_space<hbm>> -> memref<8x64xi32, #tpu.memory_space<hbm>>
        tpu.enqueue_dma source(%dma_start3A_426 : memref<8x64xi32, #tpu.memory_space<hbm>>) target(%dma_start3A_423 : memref<8x64xi32, #tpu.memory_space<vmem>>) target_semaphore(%arg16 : memref<!tpu.dma_semaphore, #tpu.memory_space<semaphore_mem>>)
      } else {
      }
      %ge3A_209 = arith.constant 1 : i32
      %ge3A_210 = arith.cmpi sge, %add3A_188, %ge3A_209 : i32
      %convert_element_type3A_211 = arith.extui %ge3A_210 : i1 to i32
      %cond3A_212 = arith.constant 0 : i32
      %cond3A_213 = arith.cmpi ne, %convert_element_type3A_211, %cond3A_212 : i32
      scf.if %cond3A_213 {
        %dma_wait3A_392 = arith.constant 0 : i32
        %dma_wait3A_393 = arith.constant 0 : i32
        %dma_wait3A_394 = arith.constant 0 : i32
        %dma_wait3A_395 = tpu.memref_slice %arg10[%dma_wait3A_392, %dma_wait3A_393, %dma_wait3A_394] : memref<2x8x64xi32, #tpu.memory_space<vmem>> -> memref<1x1x64xi32, #tpu.memory_space<vmem>>
        %dma_wait3A_396 = tpu.memref_squeeze %dma_wait3A_395 : memref<1x1x64xi32, #tpu.memory_space<vmem>> -> memref<64xi32, #tpu.memory_space<vmem>>
        %dma_wait3A_397 = arith.constant 0 : i32
        %dma_wait3A_398 = arith.constant 0 : i32
        %dma_wait3A_399 = tpu.memref_slice %arg15[%dma_wait3A_397, %dma_wait3A_398] : memref<10008x128xf32, #tpu.memory_space<vmem_shared>> -> memref<10008x128xf32, #tpu.memory_space<vmem_shared>>
        tpu.wait_indirect_dma semaphore(%arg21 : memref<!tpu.dma_semaphore, #tpu.memory_space<semaphore_mem>>) src(%arg11 : memref<64x128xf32, #tpu.memory_space<vmem>>) dst(%dma_wait3A_399 : memref<10008x128xf32, #tpu.memory_space<vmem_shared>>)
      } else {
      }
      %dma_start3A_214 = arith.constant 4 : i32
      %dma_start3A_215 = arith.constant 0 : i32
      %dma_start3A_216 = tpu.memref_slice %arg9[%select_n3A_154, %dma_start3A_214, %dma_start3A_215] : memref<2x8x64xi32, #tpu.memory_space<vmem>> -> memref<1x1x64xi32, #tpu.memory_space<vmem>>
      %dma_start3A_217 = tpu.memref_squeeze %dma_start3A_216 : memref<1x1x64xi32, #tpu.memory_space<vmem>> -> memref<64xi32, #tpu.memory_space<vmem>>
      %dma_start3A_218 = arith.constant 0 : i32
      %dma_start3A_219 = arith.constant 0 : i32
      %dma_start3A_220 = tpu.memref_slice %arg2[%dma_start3A_218, %dma_start3A_219] : memref<10000x128xf32, #tpu.memory_space<hbm>> -> memref<10000x128xf32, #tpu.memory_space<hbm>>
      tpu.enqueue_indirect_dma source(%dma_start3A_220 : memref<10000x128xf32, #tpu.memory_space<hbm>>) target(%arg11 : memref<64x128xf32, #tpu.memory_space<vmem>>) offsets(%dma_start3A_217 : memref<64xi32, #tpu.memory_space<vmem>>) semaphore(%arg17 : memref<!tpu.dma_semaphore, #tpu.memory_space<semaphore_mem>>)
      %mul3A_221 = arith.constant 8 : i32
      %mul3A_222 = arith.muli %scan3A_144, %mul3A_221 : i32
      %add3A_223 = arith.constant 2 : i32
      %add3A_224 = arith.addi %mul3A_222, %add3A_223 : i32
      %dma_wait3A_225 = arith.constant 0 : i32
      %dma_wait3A_226 = arith.constant 0 : i32
      %dma_wait3A_227 = arith.constant 0 : i32
      %dma_wait3A_228 = tpu.memref_slice %arg9[%dma_wait3A_225, %dma_wait3A_226, %dma_wait3A_227] : memref<2x8x64xi32, #tpu.memory_space<vmem>> -> memref<1x1x64xi32, #tpu.memory_space<vmem>>
      %dma_wait3A_229 = tpu.memref_squeeze %dma_wait3A_228 : memref<1x1x64xi32, #tpu.memory_space<vmem>> -> memref<64xi32, #tpu.memory_space<vmem>>
      %dma_wait3A_230 = arith.constant 0 : i32
      %dma_wait3A_231 = arith.constant 0 : i32
      %dma_wait3A_232 = tpu.memref_slice %arg2[%dma_wait3A_230, %dma_wait3A_231] : memref<10000x128xf32, #tpu.memory_space<hbm>> -> memref<10000x128xf32, #tpu.memory_space<hbm>>
      tpu.wait_indirect_dma semaphore(%arg19 : memref<!tpu.dma_semaphore, #tpu.memory_space<semaphore_mem>>) src(%dma_wait3A_232 : memref<10000x128xf32, #tpu.memory_space<hbm>>) dst(%arg13 : memref<64x128xf32, #tpu.memory_space<vmem>>)
      %dma_start3A_233 = arith.constant 2 : i32
      %dma_start3A_234 = arith.constant 0 : i32
      %dma_start3A_235 = tpu.memref_slice %arg10[%select_n3A_154, %dma_start3A_233, %dma_start3A_234] : memref<2x8x64xi32, #tpu.memory_space<vmem>> -> memref<1x1x64xi32, #tpu.memory_space<vmem>>
      %dma_start3A_236 = tpu.memref_squeeze %dma_start3A_235 : memref<1x1x64xi32, #tpu.memory_space<vmem>> -> memref<64xi32, #tpu.memory_space<vmem>>
      %dma_start3A_237 = arith.constant 0 : i32
      %dma_start3A_238 = arith.constant 0 : i32
      %dma_start3A_239 = tpu.memref_slice %arg15[%dma_start3A_237, %dma_start3A_238] : memref<10008x128xf32, #tpu.memory_space<vmem_shared>> -> memref<10008x128xf32, #tpu.memory_space<vmem_shared>>
      tpu.enqueue_indirect_dma source(%arg13 : memref<64x128xf32, #tpu.memory_space<vmem>>) target(%dma_start3A_239 : memref<10008x128xf32, #tpu.memory_space<vmem_shared>>) offsets(%dma_start3A_236 : memref<64xi32, #tpu.memory_space<vmem>>) semaphore(%arg23 : memref<!tpu.dma_semaphore, #tpu.memory_space<semaphore_mem>>) {add = true}
      %ge3A_240 = arith.constant 1 : i32
      %ge3A_241 = arith.cmpi sge, %add3A_224, %ge3A_240 : i32
      %convert_element_type3A_242 = arith.extui %ge3A_241 : i1 to i32
      %cond3A_243 = arith.constant 0 : i32
      %cond3A_244 = arith.cmpi ne, %convert_element_type3A_242, %cond3A_243 : i32
      scf.if %cond3A_244 {
        %dma_wait3A_392 = arith.constant 0 : i32
        %dma_wait3A_393 = arith.constant 0 : i32
        %dma_wait3A_394 = arith.constant 0 : i32
        %dma_wait3A_395 = tpu.memref_slice %arg10[%dma_wait3A_392, %dma_wait3A_393, %dma_wait3A_394] : memref<2x8x64xi32, #tpu.memory_space<vmem>> -> memref<1x1x64xi32, #tpu.memory_space<vmem>>
        %dma_wait3A_396 = tpu.memref_squeeze %dma_wait3A_395 : memref<1x1x64xi32, #tpu.memory_space<vmem>> -> memref<64xi32, #tpu.memory_space<vmem>>
        %dma_wait3A_397 = arith.constant 0 : i32
        %dma_wait3A_398 = arith.constant 0 : i32
        %dma_wait3A_399 = tpu.memref_slice %arg15[%dma_wait3A_397, %dma_wait3A_398] : memref<10008x128xf32, #tpu.memory_space<vmem_shared>> -> memref<10008x128xf32, #tpu.memory_space<vmem_shared>>
        tpu.wait_indirect_dma semaphore(%arg22 : memref<!tpu.dma_semaphore, #tpu.memory_space<semaphore_mem>>) src(%arg12 : memref<64x128xf32, #tpu.memory_space<vmem>>) dst(%dma_wait3A_399 : memref<10008x128xf32, #tpu.memory_space<vmem_shared>>)
      } else {
      }
      %dma_start3A_245 = arith.constant 5 : i32
      %dma_start3A_246 = arith.constant 0 : i32
      %dma_start3A_247 = tpu.memref_slice %arg9[%select_n3A_154, %dma_start3A_245, %dma_start3A_246] : memref<2x8x64xi32, #tpu.memory_space<vmem>> -> memref<1x1x64xi32, #tpu.memory_space<vmem>>
      %dma_start3A_248 = tpu.memref_squeeze %dma_start3A_247 : memref<1x1x64xi32, #tpu.memory_space<vmem>> -> memref<64xi32, #tpu.memory_space<vmem>>
      %dma_start3A_249 = arith.constant 0 : i32
      %dma_start3A_250 = arith.constant 0 : i32
      %dma_start3A_251 = tpu.memref_slice %arg2[%dma_start3A_249, %dma_start3A_250] : memref<10000x128xf32, #tpu.memory_space<hbm>> -> memref<10000x128xf32, #tpu.memory_space<hbm>>
      tpu.enqueue_indirect_dma source(%dma_start3A_251 : memref<10000x128xf32, #tpu.memory_space<hbm>>) target(%arg12 : memref<64x128xf32, #tpu.memory_space<vmem>>) offsets(%dma_start3A_248 : memref<64xi32, #tpu.memory_space<vmem>>) semaphore(%arg18 : memref<!tpu.dma_semaphore, #tpu.memory_space<semaphore_mem>>)
      %mul3A_252 = arith.constant 8 : i32
      %mul3A_253 = arith.muli %scan3A_144, %mul3A_252 : i32
      %add3A_254 = arith.constant 3 : i32
      %add3A_255 = arith.addi %mul3A_253, %add3A_254 : i32
      %dma_wait3A_256 = arith.constant 0 : i32
      %dma_wait3A_257 = arith.constant 0 : i32
      %dma_wait3A_258 = arith.constant 0 : i32
      %dma_wait3A_259 = tpu.memref_slice %arg9[%dma_wait3A_256, %dma_wait3A_257, %dma_wait3A_258] : memref<2x8x64xi32, #tpu.memory_space<vmem>> -> memref<1x1x64xi32, #tpu.memory_space<vmem>>
      %dma_wait3A_260 = tpu.memref_squeeze %dma_wait3A_259 : memref<1x1x64xi32, #tpu.memory_space<vmem>> -> memref<64xi32, #tpu.memory_space<vmem>>
      %dma_wait3A_261 = arith.constant 0 : i32
      %dma_wait3A_262 = arith.constant 0 : i32
      %dma_wait3A_263 = tpu.memref_slice %arg2[%dma_wait3A_261, %dma_wait3A_262] : memref<10000x128xf32, #tpu.memory_space<hbm>> -> memref<10000x128xf32, #tpu.memory_space<hbm>>
      tpu.wait_indirect_dma semaphore(%arg20 : memref<!tpu.dma_semaphore, #tpu.memory_space<semaphore_mem>>) src(%dma_wait3A_263 : memref<10000x128xf32, #tpu.memory_space<hbm>>) dst(%arg14 : memref<64x128xf32, #tpu.memory_space<vmem>>)
      %dma_start3A_264 = arith.constant 3 : i32
      %dma_start3A_265 = arith.constant 0 : i32
      %dma_start3A_266 = tpu.memref_slice %arg10[%select_n3A_154, %dma_start3A_264, %dma_start3A_265] : memref<2x8x64xi32, #tpu.memory_space<vmem>> -> memref<1x1x64xi32, #tpu.memory_space<vmem>>
      %dma_start3A_267 = tpu.memref_squeeze %dma_start3A_266 : memref<1x1x64xi32, #tpu.memory_space<vmem>> -> memref<64xi32, #tpu.memory_space<vmem>>
      %dma_start3A_268 = arith.constant 0 : i32
      %dma_start3A_269 = arith.constant 0 : i32
      %dma_start3A_270 = tpu.memref_slice %arg15[%dma_start3A_268, %dma_start3A_269] : memref<10008x128xf32, #tpu.memory_space<vmem_shared>> -> memref<10008x128xf32, #tpu.memory_space<vmem_shared>>
      tpu.enqueue_indirect_dma source(%arg14 : memref<64x128xf32, #tpu.memory_space<vmem>>) target(%dma_start3A_270 : memref<10008x128xf32, #tpu.memory_space<vmem_shared>>) offsets(%dma_start3A_267 : memref<64xi32, #tpu.memory_space<vmem>>) semaphore(%arg24 : memref<!tpu.dma_semaphore, #tpu.memory_space<semaphore_mem>>) {add = true}
      %ge3A_271 = arith.constant 1 : i32
      %ge3A_272 = arith.cmpi sge, %add3A_255, %ge3A_271 : i32
      %convert_element_type3A_273 = arith.extui %ge3A_272 : i1 to i32
      %cond3A_274 = arith.constant 0 : i32
      %cond3A_275 = arith.cmpi ne, %convert_element_type3A_273, %cond3A_274 : i32
      scf.if %cond3A_275 {
        %dma_wait3A_392 = arith.constant 0 : i32
        %dma_wait3A_393 = arith.constant 0 : i32
        %dma_wait3A_394 = arith.constant 0 : i32
        %dma_wait3A_395 = tpu.memref_slice %arg10[%dma_wait3A_392, %dma_wait3A_393, %dma_wait3A_394] : memref<2x8x64xi32, #tpu.memory_space<vmem>> -> memref<1x1x64xi32, #tpu.memory_space<vmem>>
        %dma_wait3A_396 = tpu.memref_squeeze %dma_wait3A_395 : memref<1x1x64xi32, #tpu.memory_space<vmem>> -> memref<64xi32, #tpu.memory_space<vmem>>
        %dma_wait3A_397 = arith.constant 0 : i32
        %dma_wait3A_398 = arith.constant 0 : i32
        %dma_wait3A_399 = tpu.memref_slice %arg15[%dma_wait3A_397, %dma_wait3A_398] : memref<10008x128xf32, #tpu.memory_space<vmem_shared>> -> memref<10008x128xf32, #tpu.memory_space<vmem_shared>>
        tpu.wait_indirect_dma semaphore(%arg23 : memref<!tpu.dma_semaphore, #tpu.memory_space<semaphore_mem>>) src(%arg13 : memref<64x128xf32, #tpu.memory_space<vmem>>) dst(%dma_wait3A_399 : memref<10008x128xf32, #tpu.memory_space<vmem_shared>>)
      } else {
      }
      %dma_start3A_276 = arith.constant 6 : i32
      %dma_start3A_277 = arith.constant 0 : i32
      %dma_start3A_278 = tpu.memref_slice %arg9[%select_n3A_154, %dma_start3A_276, %dma_start3A_277] : memref<2x8x64xi32, #tpu.memory_space<vmem>> -> memref<1x1x64xi32, #tpu.memory_space<vmem>>
      %dma_start3A_279 = tpu.memref_squeeze %dma_start3A_278 : memref<1x1x64xi32, #tpu.memory_space<vmem>> -> memref<64xi32, #tpu.memory_space<vmem>>
      %dma_start3A_280 = arith.constant 0 : i32
      %dma_start3A_281 = arith.constant 0 : i32
      %dma_start3A_282 = tpu.memref_slice %arg2[%dma_start3A_280, %dma_start3A_281] : memref<10000x128xf32, #tpu.memory_space<hbm>> -> memref<10000x128xf32, #tpu.memory_space<hbm>>
      tpu.enqueue_indirect_dma source(%dma_start3A_282 : memref<10000x128xf32, #tpu.memory_space<hbm>>) target(%arg13 : memref<64x128xf32, #tpu.memory_space<vmem>>) offsets(%dma_start3A_279 : memref<64xi32, #tpu.memory_space<vmem>>) semaphore(%arg19 : memref<!tpu.dma_semaphore, #tpu.memory_space<semaphore_mem>>)
      %mul3A_283 = arith.constant 8 : i32
      %mul3A_284 = arith.muli %scan3A_144, %mul3A_283 : i32
      %add3A_285 = arith.constant 4 : i32
      %add3A_286 = arith.addi %mul3A_284, %add3A_285 : i32
      %dma_wait3A_287 = arith.constant 0 : i32
      %dma_wait3A_288 = arith.constant 0 : i32
      %dma_wait3A_289 = arith.constant 0 : i32
      %dma_wait3A_290 = tpu.memref_slice %arg9[%dma_wait3A_287, %dma_wait3A_288, %dma_wait3A_289] : memref<2x8x64xi32, #tpu.memory_space<vmem>> -> memref<1x1x64xi32, #tpu.memory_space<vmem>>
      %dma_wait3A_291 = tpu.memref_squeeze %dma_wait3A_290 : memref<1x1x64xi32, #tpu.memory_space<vmem>> -> memref<64xi32, #tpu.memory_space<vmem>>
      %dma_wait3A_292 = arith.constant 0 : i32
      %dma_wait3A_293 = arith.constant 0 : i32
      %dma_wait3A_294 = tpu.memref_slice %arg2[%dma_wait3A_292, %dma_wait3A_293] : memref<10000x128xf32, #tpu.memory_space<hbm>> -> memref<10000x128xf32, #tpu.memory_space<hbm>>
      tpu.wait_indirect_dma semaphore(%arg17 : memref<!tpu.dma_semaphore, #tpu.memory_space<semaphore_mem>>) src(%dma_wait3A_294 : memref<10000x128xf32, #tpu.memory_space<hbm>>) dst(%arg11 : memref<64x128xf32, #tpu.memory_space<vmem>>)
      %dma_start3A_295 = arith.constant 4 : i32
      %dma_start3A_296 = arith.constant 0 : i32
      %dma_start3A_297 = tpu.memref_slice %arg10[%select_n3A_154, %dma_start3A_295, %dma_start3A_296] : memref<2x8x64xi32, #tpu.memory_space<vmem>> -> memref<1x1x64xi32, #tpu.memory_space<vmem>>
      %dma_start3A_298 = tpu.memref_squeeze %dma_start3A_297 : memref<1x1x64xi32, #tpu.memory_space<vmem>> -> memref<64xi32, #tpu.memory_space<vmem>>
      %dma_start3A_299 = arith.constant 0 : i32
      %dma_start3A_300 = arith.constant 0 : i32
      %dma_start3A_301 = tpu.memref_slice %arg15[%dma_start3A_299, %dma_start3A_300] : memref<10008x128xf32, #tpu.memory_space<vmem_shared>> -> memref<10008x128xf32, #tpu.memory_space<vmem_shared>>
      tpu.enqueue_indirect_dma source(%arg11 : memref<64x128xf32, #tpu.memory_space<vmem>>) target(%dma_start3A_301 : memref<10008x128xf32, #tpu.memory_space<vmem_shared>>) offsets(%dma_start3A_298 : memref<64xi32, #tpu.memory_space<vmem>>) semaphore(%arg21 : memref<!tpu.dma_semaphore, #tpu.memory_space<semaphore_mem>>) {add = true}
      %ge3A_302 = arith.constant 1 : i32
      %ge3A_303 = arith.cmpi sge, %add3A_286, %ge3A_302 : i32
      %convert_element_type3A_304 = arith.extui %ge3A_303 : i1 to i32
      %cond3A_305 = arith.constant 0 : i32
      %cond3A_306 = arith.cmpi ne, %convert_element_type3A_304, %cond3A_305 : i32
      scf.if %cond3A_306 {
        %dma_wait3A_392 = arith.constant 0 : i32
        %dma_wait3A_393 = arith.constant 0 : i32
        %dma_wait3A_394 = arith.constant 0 : i32
        %dma_wait3A_395 = tpu.memref_slice %arg10[%dma_wait3A_392, %dma_wait3A_393, %dma_wait3A_394] : memref<2x8x64xi32, #tpu.memory_space<vmem>> -> memref<1x1x64xi32, #tpu.memory_space<vmem>>
        %dma_wait3A_396 = tpu.memref_squeeze %dma_wait3A_395 : memref<1x1x64xi32, #tpu.memory_space<vmem>> -> memref<64xi32, #tpu.memory_space<vmem>>
        %dma_wait3A_397 = arith.constant 0 : i32
        %dma_wait3A_398 = arith.constant 0 : i32
        %dma_wait3A_399 = tpu.memref_slice %arg15[%dma_wait3A_397, %dma_wait3A_398] : memref<10008x128xf32, #tpu.memory_space<vmem_shared>> -> memref<10008x128xf32, #tpu.memory_space<vmem_shared>>
        tpu.wait_indirect_dma semaphore(%arg24 : memref<!tpu.dma_semaphore, #tpu.memory_space<semaphore_mem>>) src(%arg14 : memref<64x128xf32, #tpu.memory_space<vmem>>) dst(%dma_wait3A_399 : memref<10008x128xf32, #tpu.memory_space<vmem_shared>>)
      } else {
      }
      %dma_start3A_307 = arith.constant 7 : i32
      %dma_start3A_308 = arith.constant 0 : i32
      %dma_start3A_309 = tpu.memref_slice %arg9[%select_n3A_154, %dma_start3A_307, %dma_start3A_308] : memref<2x8x64xi32, #tpu.memory_space<vmem>> -> memref<1x1x64xi32, #tpu.memory_space<vmem>>
      %dma_start3A_310 = tpu.memref_squeeze %dma_start3A_309 : memref<1x1x64xi32, #tpu.memory_space<vmem>> -> memref<64xi32, #tpu.memory_space<vmem>>
      %dma_start3A_311 = arith.constant 0 : i32
      %dma_start3A_312 = arith.constant 0 : i32
      %dma_start3A_313 = tpu.memref_slice %arg2[%dma_start3A_311, %dma_start3A_312] : memref<10000x128xf32, #tpu.memory_space<hbm>> -> memref<10000x128xf32, #tpu.memory_space<hbm>>
      tpu.enqueue_indirect_dma source(%dma_start3A_313 : memref<10000x128xf32, #tpu.memory_space<hbm>>) target(%arg14 : memref<64x128xf32, #tpu.memory_space<vmem>>) offsets(%dma_start3A_310 : memref<64xi32, #tpu.memory_space<vmem>>) semaphore(%arg20 : memref<!tpu.dma_semaphore, #tpu.memory_space<semaphore_mem>>)
      %mul3A_314 = arith.constant 8 : i32
      %mul3A_315 = arith.muli %scan3A_144, %mul3A_314 : i32
      %add3A_316 = arith.constant 5 : i32
      %add3A_317 = arith.addi %mul3A_315, %add3A_316 : i32
      %dma_wait3A_318 = arith.constant 0 : i32
      %dma_wait3A_319 = arith.constant 0 : i32
      %dma_wait3A_320 = arith.constant 0 : i32
      %dma_wait3A_321 = tpu.memref_slice %arg9[%dma_wait3A_318, %dma_wait3A_319, %dma_wait3A_320] : memref<2x8x64xi32, #tpu.memory_space<vmem>> -> memref<1x1x64xi32, #tpu.memory_space<vmem>>
      %dma_wait3A_322 = tpu.memref_squeeze %dma_wait3A_321 : memref<1x1x64xi32, #tpu.memory_space<vmem>> -> memref<64xi32, #tpu.memory_space<vmem>>
      %dma_wait3A_323 = arith.constant 0 : i32
      %dma_wait3A_324 = arith.constant 0 : i32
      %dma_wait3A_325 = tpu.memref_slice %arg2[%dma_wait3A_323, %dma_wait3A_324] : memref<10000x128xf32, #tpu.memory_space<hbm>> -> memref<10000x128xf32, #tpu.memory_space<hbm>>
      tpu.wait_indirect_dma semaphore(%arg18 : memref<!tpu.dma_semaphore, #tpu.memory_space<semaphore_mem>>) src(%dma_wait3A_325 : memref<10000x128xf32, #tpu.memory_space<hbm>>) dst(%arg12 : memref<64x128xf32, #tpu.memory_space<vmem>>)
      %dma_start3A_326 = arith.constant 5 : i32
      %dma_start3A_327 = arith.constant 0 : i32
      %dma_start3A_328 = tpu.memref_slice %arg10[%select_n3A_154, %dma_start3A_326, %dma_start3A_327] : memref<2x8x64xi32, #tpu.memory_space<vmem>> -> memref<1x1x64xi32, #tpu.memory_space<vmem>>
      %dma_start3A_329 = tpu.memref_squeeze %dma_start3A_328 : memref<1x1x64xi32, #tpu.memory_space<vmem>> -> memref<64xi32, #tpu.memory_space<vmem>>
      %dma_start3A_330 = arith.constant 0 : i32
      %dma_start3A_331 = arith.constant 0 : i32
      %dma_start3A_332 = tpu.memref_slice %arg15[%dma_start3A_330, %dma_start3A_331] : memref<10008x128xf32, #tpu.memory_space<vmem_shared>> -> memref<10008x128xf32, #tpu.memory_space<vmem_shared>>
      tpu.enqueue_indirect_dma source(%arg12 : memref<64x128xf32, #tpu.memory_space<vmem>>) target(%dma_start3A_332 : memref<10008x128xf32, #tpu.memory_space<vmem_shared>>) offsets(%dma_start3A_329 : memref<64xi32, #tpu.memory_space<vmem>>) semaphore(%arg22 : memref<!tpu.dma_semaphore, #tpu.memory_space<semaphore_mem>>) {add = true}
      %lt3A_333 = arith.constant 19 : i32
      %lt3A_334 = arith.cmpi slt, %scan3A_144, %lt3A_333 : i32
      %convert_element_type3A_335 = arith.extui %lt3A_334 : i1 to i32
      %cond3A_336 = arith.constant 0 : i32
      %cond3A_337 = arith.cmpi ne, %convert_element_type3A_335, %cond3A_336 : i32
      scf.if %cond3A_337 {
        %dma_wait3A_392 = arith.constant 0 : i32
        %dma_wait3A_393 = arith.constant 0 : i32
        %dma_wait3A_394 = arith.constant 0 : i32
        %dma_wait3A_395 = tpu.memref_slice %arg9[%dma_wait3A_392, %dma_wait3A_393, %dma_wait3A_394] : memref<2x8x64xi32, #tpu.memory_space<vmem>> -> memref<1x8x64xi32, #tpu.memory_space<vmem>>
        %dma_wait3A_396 = tpu.memref_squeeze %dma_wait3A_395 : memref<1x8x64xi32, #tpu.memory_space<vmem>> -> memref<8x64xi32, #tpu.memory_space<vmem>>
        %dma_wait3A_397 = arith.constant 0 : i32
        %dma_wait3A_398 = arith.constant 0 : i32
        %dma_wait3A_399 = tpu.memref_slice %arg3[%add3A, %dma_wait3A_397, %dma_wait3A_398] : memref<32x160x64xi32, #tpu.memory_space<hbm>> -> memref<1x8x64xi32, #tpu.memory_space<hbm>>
        %dma_wait3A_400 = tpu.memref_squeeze %dma_wait3A_399 : memref<1x8x64xi32, #tpu.memory_space<hbm>> -> memref<8x64xi32, #tpu.memory_space<hbm>>
        %dma_wait3A_401 = arith.constant 0 : i32
        %dma_wait3A_402 = arith.constant 0 : i32
        %dma_wait3A_403 = tpu.memref_slice %arg9[%dma_wait3A_392, %dma_wait3A_401, %dma_wait3A_402] : memref<2x8x64xi32, #tpu.memory_space<vmem>> -> memref<1x8x64xi32, #tpu.memory_space<vmem>>
        %dma_wait3A_404 = tpu.memref_squeeze %dma_wait3A_403 : memref<1x8x64xi32, #tpu.memory_space<vmem>> -> memref<8x64xi32, #tpu.memory_space<vmem>>
        %dma_wait3A_405 = arith.constant 0 : i32
        %dma_wait3A_406 = arith.constant 0 : i32
        %dma_wait3A_407 = tpu.memref_slice %arg3[%add3A, %dma_wait3A_405, %dma_wait3A_406] : memref<32x160x64xi32, #tpu.memory_space<hbm>> -> memref<1x8x64xi32, #tpu.memory_space<hbm>>
        %dma_wait3A_408 = tpu.memref_squeeze %dma_wait3A_407 : memref<1x8x64xi32, #tpu.memory_space<hbm>> -> memref<8x64xi32, #tpu.memory_space<hbm>>
        tpu.wait_dma2 semaphore(%arg16 : memref<!tpu.dma_semaphore, #tpu.memory_space<semaphore_mem>>) src(%dma_wait3A_408 : memref<8x64xi32, #tpu.memory_space<hbm>>) dst(%dma_wait3A_404 : memref<8x64xi32, #tpu.memory_space<vmem>>)
        %dma_wait3A_409 = arith.constant 0 : i32
        %dma_wait3A_410 = arith.constant 0 : i32
        %dma_wait3A_411 = arith.constant 0 : i32
        %dma_wait3A_412 = tpu.memref_slice %arg10[%dma_wait3A_409, %dma_wait3A_410, %dma_wait3A_411] : memref<2x8x64xi32, #tpu.memory_space<vmem>> -> memref<1x8x64xi32, #tpu.memory_space<vmem>>
        %dma_wait3A_413 = tpu.memref_squeeze %dma_wait3A_412 : memref<1x8x64xi32, #tpu.memory_space<vmem>> -> memref<8x64xi32, #tpu.memory_space<vmem>>
        %dma_wait3A_414 = arith.constant 0 : i32
        %dma_wait3A_415 = arith.constant 0 : i32
        %dma_wait3A_416 = tpu.memref_slice %arg4[%add3A, %dma_wait3A_414, %dma_wait3A_415] : memref<32x160x64xi32, #tpu.memory_space<hbm>> -> memref<1x8x64xi32, #tpu.memory_space<hbm>>
        %dma_wait3A_417 = tpu.memref_squeeze %dma_wait3A_416 : memref<1x8x64xi32, #tpu.memory_space<hbm>> -> memref<8x64xi32, #tpu.memory_space<hbm>>
        %dma_wait3A_418 = arith.constant 0 : i32
        %dma_wait3A_419 = arith.constant 0 : i32
        %dma_wait3A_420 = tpu.memref_slice %arg10[%dma_wait3A_409, %dma_wait3A_418, %dma_wait3A_419] : memref<2x8x64xi32, #tpu.memory_space<vmem>> -> memref<1x8x64xi32, #tpu.memory_space<vmem>>
        %dma_wait3A_421 = tpu.memref_squeeze %dma_wait3A_420 : memref<1x8x64xi32, #tpu.memory_space<vmem>> -> memref<8x64xi32, #tpu.memory_space<vmem>>
        %dma_wait3A_422 = arith.constant 0 : i32
        %dma_wait3A_423 = arith.constant 0 : i32
        %dma_wait3A_424 = tpu.memref_slice %arg4[%add3A, %dma_wait3A_422, %dma_wait3A_423] : memref<32x160x64xi32, #tpu.memory_space<hbm>> -> memref<1x8x64xi32, #tpu.memory_space<hbm>>
        %dma_wait3A_425 = tpu.memref_squeeze %dma_wait3A_424 : memref<1x8x64xi32, #tpu.memory_space<hbm>> -> memref<8x64xi32, #tpu.memory_space<hbm>>
        tpu.wait_dma2 semaphore(%arg16 : memref<!tpu.dma_semaphore, #tpu.memory_space<semaphore_mem>>) src(%dma_wait3A_425 : memref<8x64xi32, #tpu.memory_space<hbm>>) dst(%dma_wait3A_421 : memref<8x64xi32, #tpu.memory_space<vmem>>)
        %dma_wait3A_426 = arith.constant 0 : i32
        %dma_wait3A_427 = arith.constant 0 : i32
        %dma_wait3A_428 = arith.constant 0 : i32
        %dma_wait3A_429 = tpu.memref_slice %arg10[%dma_wait3A_426, %dma_wait3A_427, %dma_wait3A_428] : memref<2x8x64xi32, #tpu.memory_space<vmem>> -> memref<1x1x64xi32, #tpu.memory_space<vmem>>
        %dma_wait3A_430 = tpu.memref_squeeze %dma_wait3A_429 : memref<1x1x64xi32, #tpu.memory_space<vmem>> -> memref<64xi32, #tpu.memory_space<vmem>>
        %dma_wait3A_431 = arith.constant 0 : i32
        %dma_wait3A_432 = arith.constant 0 : i32
        %dma_wait3A_433 = tpu.memref_slice %arg15[%dma_wait3A_431, %dma_wait3A_432] : memref<10008x128xf32, #tpu.memory_space<vmem_shared>> -> memref<10008x128xf32, #tpu.memory_space<vmem_shared>>
        tpu.wait_indirect_dma semaphore(%arg21 : memref<!tpu.dma_semaphore, #tpu.memory_space<semaphore_mem>>) src(%arg11 : memref<64x128xf32, #tpu.memory_space<vmem>>) dst(%dma_wait3A_433 : memref<10008x128xf32, #tpu.memory_space<vmem_shared>>)
        %sub3A = arith.constant 1 : i32
        %sub3A_434 = arith.subi %sub3A, %select_n3A_154 : i32
        %dma_start3A_435 = arith.constant 0 : i32
        %dma_start3A_436 = arith.constant 0 : i32
        %dma_start3A_437 = tpu.memref_slice %arg9[%sub3A_434, %dma_start3A_435, %dma_start3A_436] : memref<2x8x64xi32, #tpu.memory_space<vmem>> -> memref<1x1x64xi32, #tpu.memory_space<vmem>>
        %dma_start3A_438 = tpu.memref_squeeze %dma_start3A_437 : memref<1x1x64xi32, #tpu.memory_space<vmem>> -> memref<64xi32, #tpu.memory_space<vmem>>
        %dma_start3A_439 = arith.constant 0 : i32
        %dma_start3A_440 = arith.constant 0 : i32
        %dma_start3A_441 = tpu.memref_slice %arg2[%dma_start3A_439, %dma_start3A_440] : memref<10000x128xf32, #tpu.memory_space<hbm>> -> memref<10000x128xf32, #tpu.memory_space<hbm>>
        tpu.enqueue_indirect_dma source(%dma_start3A_441 : memref<10000x128xf32, #tpu.memory_space<hbm>>) target(%arg11 : memref<64x128xf32, #tpu.memory_space<vmem>>) offsets(%dma_start3A_438 : memref<64xi32, #tpu.memory_space<vmem>>) semaphore(%arg17 : memref<!tpu.dma_semaphore, #tpu.memory_space<semaphore_mem>>)
      } else {
      }
      %mul3A_338 = arith.constant 8 : i32
      %mul3A_339 = arith.muli %scan3A_144, %mul3A_338 : i32
      %add3A_340 = arith.constant 6 : i32
      %add3A_341 = arith.addi %mul3A_339, %add3A_340 : i32
      %dma_wait3A_342 = arith.constant 0 : i32
      %dma_wait3A_343 = arith.constant 0 : i32
      %dma_wait3A_344 = arith.constant 0 : i32
      %dma_wait3A_345 = tpu.memref_slice %arg9[%dma_wait3A_342, %dma_wait3A_343, %dma_wait3A_344] : memref<2x8x64xi32, #tpu.memory_space<vmem>> -> memref<1x1x64xi32, #tpu.memory_space<vmem>>
      %dma_wait3A_346 = tpu.memref_squeeze %dma_wait3A_345 : memref<1x1x64xi32, #tpu.memory_space<vmem>> -> memref<64xi32, #tpu.memory_space<vmem>>
      %dma_wait3A_347 = arith.constant 0 : i32
      %dma_wait3A_348 = arith.constant 0 : i32
      %dma_wait3A_349 = tpu.memref_slice %arg2[%dma_wait3A_347, %dma_wait3A_348] : memref<10000x128xf32, #tpu.memory_space<hbm>> -> memref<10000x128xf32, #tpu.memory_space<hbm>>
      tpu.wait_indirect_dma semaphore(%arg19 : memref<!tpu.dma_semaphore, #tpu.memory_space<semaphore_mem>>) src(%dma_wait3A_349 : memref<10000x128xf32, #tpu.memory_space<hbm>>) dst(%arg13 : memref<64x128xf32, #tpu.memory_space<vmem>>)
      %dma_start3A_350 = arith.constant 6 : i32
      %dma_start3A_351 = arith.constant 0 : i32
      %dma_start3A_352 = tpu.memref_slice %arg10[%select_n3A_154, %dma_start3A_350, %dma_start3A_351] : memref<2x8x64xi32, #tpu.memory_space<vmem>> -> memref<1x1x64xi32, #tpu.memory_space<vmem>>
      %dma_start3A_353 = tpu.memref_squeeze %dma_start3A_352 : memref<1x1x64xi32, #tpu.memory_space<vmem>> -> memref<64xi32, #tpu.memory_space<vmem>>
      %dma_start3A_354 = arith.constant 0 : i32
      %dma_start3A_355 = arith.constant 0 : i32
      %dma_start3A_356 = tpu.memref_slice %arg15[%dma_start3A_354, %dma_start3A_355] : memref<10008x128xf32, #tpu.memory_space<vmem_shared>> -> memref<10008x128xf32, #tpu.memory_space<vmem_shared>>
      tpu.enqueue_indirect_dma source(%arg13 : memref<64x128xf32, #tpu.memory_space<vmem>>) target(%dma_start3A_356 : memref<10008x128xf32, #tpu.memory_space<vmem_shared>>) offsets(%dma_start3A_353 : memref<64xi32, #tpu.memory_space<vmem>>) semaphore(%arg23 : memref<!tpu.dma_semaphore, #tpu.memory_space<semaphore_mem>>) {add = true}
      %lt3A_357 = arith.constant 19 : i32
      %lt3A_358 = arith.cmpi slt, %scan3A_144, %lt3A_357 : i32
      %convert_element_type3A_359 = arith.extui %lt3A_358 : i1 to i32
      %cond3A_360 = arith.constant 0 : i32
      %cond3A_361 = arith.cmpi ne, %convert_element_type3A_359, %cond3A_360 : i32
      scf.if %cond3A_361 {
        %dma_wait3A_392 = arith.constant 0 : i32
        %dma_wait3A_393 = arith.constant 0 : i32
        %dma_wait3A_394 = arith.constant 0 : i32
        %dma_wait3A_395 = tpu.memref_slice %arg10[%dma_wait3A_392, %dma_wait3A_393, %dma_wait3A_394] : memref<2x8x64xi32, #tpu.memory_space<vmem>> -> memref<1x1x64xi32, #tpu.memory_space<vmem>>
        %dma_wait3A_396 = tpu.memref_squeeze %dma_wait3A_395 : memref<1x1x64xi32, #tpu.memory_space<vmem>> -> memref<64xi32, #tpu.memory_space<vmem>>
        %dma_wait3A_397 = arith.constant 0 : i32
        %dma_wait3A_398 = arith.constant 0 : i32
        %dma_wait3A_399 = tpu.memref_slice %arg15[%dma_wait3A_397, %dma_wait3A_398] : memref<10008x128xf32, #tpu.memory_space<vmem_shared>> -> memref<10008x128xf32, #tpu.memory_space<vmem_shared>>
        tpu.wait_indirect_dma semaphore(%arg22 : memref<!tpu.dma_semaphore, #tpu.memory_space<semaphore_mem>>) src(%arg12 : memref<64x128xf32, #tpu.memory_space<vmem>>) dst(%dma_wait3A_399 : memref<10008x128xf32, #tpu.memory_space<vmem_shared>>)
        %sub3A = arith.constant 1 : i32
        %sub3A_400 = arith.subi %sub3A, %select_n3A_154 : i32
        %dma_start3A_401 = arith.constant 1 : i32
        %dma_start3A_402 = arith.constant 0 : i32
        %dma_start3A_403 = tpu.memref_slice %arg9[%sub3A_400, %dma_start3A_401, %dma_start3A_402] : memref<2x8x64xi32, #tpu.memory_space<vmem>> -> memref<1x1x64xi32, #tpu.memory_space<vmem>>
        %dma_start3A_404 = tpu.memref_squeeze %dma_start3A_403 : memref<1x1x64xi32, #tpu.memory_space<vmem>> -> memref<64xi32, #tpu.memory_space<vmem>>
        %dma_start3A_405 = arith.constant 0 : i32
        %dma_start3A_406 = arith.constant 0 : i32
        %dma_start3A_407 = tpu.memref_slice %arg2[%dma_start3A_405, %dma_start3A_406] : memref<10000x128xf32, #tpu.memory_space<hbm>> -> memref<10000x128xf32, #tpu.memory_space<hbm>>
        tpu.enqueue_indirect_dma source(%dma_start3A_407 : memref<10000x128xf32, #tpu.memory_space<hbm>>) target(%arg12 : memref<64x128xf32, #tpu.memory_space<vmem>>) offsets(%dma_start3A_404 : memref<64xi32, #tpu.memory_space<vmem>>) semaphore(%arg18 : memref<!tpu.dma_semaphore, #tpu.memory_space<semaphore_mem>>)
      } else {
      }
      %mul3A_362 = arith.constant 8 : i32
      %mul3A_363 = arith.muli %scan3A_144, %mul3A_362 : i32
      %add3A_364 = arith.constant 7 : i32
      %add3A_365 = arith.addi %mul3A_363, %add3A_364 : i32
      %dma_wait3A_366 = arith.constant 0 : i32
      %dma_wait3A_367 = arith.constant 0 : i32
      %dma_wait3A_368 = arith.constant 0 : i32
      %dma_wait3A_369 = tpu.memref_slice %arg9[%dma_wait3A_366, %dma_wait3A_367, %dma_wait3A_368] : memref<2x8x64xi32, #tpu.memory_space<vmem>> -> memref<1x1x64xi32, #tpu.memory_space<vmem>>
      %dma_wait3A_370 = tpu.memref_squeeze %dma_wait3A_369 : memref<1x1x64xi32, #tpu.memory_space<vmem>> -> memref<64xi32, #tpu.memory_space<vmem>>
      %dma_wait3A_371 = arith.constant 0 : i32
      %dma_wait3A_372 = arith.constant 0 : i32
      %dma_wait3A_373 = tpu.memref_slice %arg2[%dma_wait3A_371, %dma_wait3A_372] : memref<10000x128xf32, #tpu.memory_space<hbm>> -> memref<10000x128xf32, #tpu.memory_space<hbm>>
      tpu.wait_indirect_dma semaphore(%arg20 : memref<!tpu.dma_semaphore, #tpu.memory_space<semaphore_mem>>) src(%dma_wait3A_373 : memref<10000x128xf32, #tpu.memory_space<hbm>>) dst(%arg14 : memref<64x128xf32, #tpu.memory_space<vmem>>)
      %dma_start3A_374 = arith.constant 7 : i32
      %dma_start3A_375 = arith.constant 0 : i32
      %dma_start3A_376 = tpu.memref_slice %arg10[%select_n3A_154, %dma_start3A_374, %dma_start3A_375] : memref<2x8x64xi32, #tpu.memory_space<vmem>> -> memref<1x1x64xi32, #tpu.memory_space<vmem>>
      %dma_start3A_377 = tpu.memref_squeeze %dma_start3A_376 : memref<1x1x64xi32, #tpu.memory_space<vmem>> -> memref<64xi32, #tpu.memory_space<vmem>>
      %dma_start3A_378 = arith.constant 0 : i32
      %dma_start3A_379 = arith.constant 0 : i32
      %dma_start3A_380 = tpu.memref_slice %arg15[%dma_start3A_378, %dma_start3A_379] : memref<10008x128xf32, #tpu.memory_space<vmem_shared>> -> memref<10008x128xf32, #tpu.memory_space<vmem_shared>>
      tpu.enqueue_indirect_dma source(%arg14 : memref<64x128xf32, #tpu.memory_space<vmem>>) target(%dma_start3A_380 : memref<10008x128xf32, #tpu.memory_space<vmem_shared>>) offsets(%dma_start3A_377 : memref<64xi32, #tpu.memory_space<vmem>>) semaphore(%arg24 : memref<!tpu.dma_semaphore, #tpu.memory_space<semaphore_mem>>) {add = true}
      %lt3A_381 = arith.constant 19 : i32
      %lt3A_382 = arith.cmpi slt, %scan3A_144, %lt3A_381 : i32
      %convert_element_type3A_383 = arith.extui %lt3A_382 : i1 to i32
      %cond3A_384 = arith.constant 0 : i32
      %cond3A_385 = arith.cmpi ne, %convert_element_type3A_383, %cond3A_384 : i32
      scf.if %cond3A_385 {
        %dma_wait3A_392 = arith.constant 0 : i32
        %dma_wait3A_393 = arith.constant 0 : i32
        %dma_wait3A_394 = arith.constant 0 : i32
        %dma_wait3A_395 = tpu.memref_slice %arg10[%dma_wait3A_392, %dma_wait3A_393, %dma_wait3A_394] : memref<2x8x64xi32, #tpu.memory_space<vmem>> -> memref<1x1x64xi32, #tpu.memory_space<vmem>>
        %dma_wait3A_396 = tpu.memref_squeeze %dma_wait3A_395 : memref<1x1x64xi32, #tpu.memory_space<vmem>> -> memref<64xi32, #tpu.memory_space<vmem>>
        %dma_wait3A_397 = arith.constant 0 : i32
        %dma_wait3A_398 = arith.constant 0 : i32
        %dma_wait3A_399 = tpu.memref_slice %arg15[%dma_wait3A_397, %dma_wait3A_398] : memref<10008x128xf32, #tpu.memory_space<vmem_shared>> -> memref<10008x128xf32, #tpu.memory_space<vmem_shared>>
        tpu.wait_indirect_dma semaphore(%arg23 : memref<!tpu.dma_semaphore, #tpu.memory_space<semaphore_mem>>) src(%arg13 : memref<64x128xf32, #tpu.memory_space<vmem>>) dst(%dma_wait3A_399 : memref<10008x128xf32, #tpu.memory_space<vmem_shared>>)
        %sub3A = arith.constant 1 : i32
        %sub3A_400 = arith.subi %sub3A, %select_n3A_154 : i32
        %dma_start3A_401 = arith.constant 2 : i32
        %dma_start3A_402 = arith.constant 0 : i32
        %dma_start3A_403 = tpu.memref_slice %arg9[%sub3A_400, %dma_start3A_401, %dma_start3A_402] : memref<2x8x64xi32, #tpu.memory_space<vmem>> -> memref<1x1x64xi32, #tpu.memory_space<vmem>>
        %dma_start3A_404 = tpu.memref_squeeze %dma_start3A_403 : memref<1x1x64xi32, #tpu.memory_space<vmem>> -> memref<64xi32, #tpu.memory_space<vmem>>
        %dma_start3A_405 = arith.constant 0 : i32
        %dma_start3A_406 = arith.constant 0 : i32
        %dma_start3A_407 = tpu.memref_slice %arg2[%dma_start3A_405, %dma_start3A_406] : memref<10000x128xf32, #tpu.memory_space<hbm>> -> memref<10000x128xf32, #tpu.memory_space<hbm>>
        tpu.enqueue_indirect_dma source(%dma_start3A_407 : memref<10000x128xf32, #tpu.memory_space<hbm>>) target(%arg13 : memref<64x128xf32, #tpu.memory_space<vmem>>) offsets(%dma_start3A_404 : memref<64xi32, #tpu.memory_space<vmem>>) semaphore(%arg19 : memref<!tpu.dma_semaphore, #tpu.memory_space<semaphore_mem>>)
      } else {
      }
      %scan3A_386 = arith.constant 0 : i32
      %scan3A_387 = arith.constant 0 : i32
      %scan3A_388 = arith.constant 32 : i32
      %scan3A_389 = arith.addi %scan3A_387, %scan3A_388 : i32
      %scan3A_390 = arith.constant 1 : i32
      scf.for %scan3A_392 = %scan3A_387 to %scan3A_389 step %scan3A_390  : i32 {
        %jit3A_393 = arith.constant 4 : i32
        %div3A = arith.divsi %scan3A_392, %jit3A_393 : i32
        %sign3A = arith.constant 0 : i32
        %sign3A_394 = arith.cmpi sgt, %scan3A_392, %sign3A : i32
        %sign3A_395 = arith.extui %sign3A_394 : i1 to i32
        %sign3A_396 = arith.constant 0 : i32
        %sign3A_397 = arith.cmpi slt, %scan3A_392, %sign3A_396 : i32
        %sign3A_398 = arith.extui %sign3A_397 : i1 to i32
        %sign3A_399 = arith.subi %sign3A_395, %sign3A_398 : i32
        %sign3A_400 = arith.constant 0 : i32
        %sign3A_401 = arith.cmpi sgt, %jit3A_393, %sign3A_400 : i32
        %sign3A_402 = arith.extui %sign3A_401 : i1 to i32
        %sign3A_403 = arith.constant 0 : i32
        %sign3A_404 = arith.cmpi slt, %jit3A_393, %sign3A_403 : i32
        %sign3A_405 = arith.extui %sign3A_404 : i1 to i32
        %sign3A_406 = arith.subi %sign3A_402, %sign3A_405 : i32
        %ne3A_407 = arith.cmpi ne, %sign3A_399, %sign3A_406 : i32
        %rem3A_408 = arith.remsi %scan3A_392, %jit3A_393 : i32
        %ne3A_409 = arith.constant 0 : i32
        %ne3A_410 = arith.cmpi ne, %rem3A_408, %ne3A_409 : i32
        %and3A_411 = arith.andi %ne3A_407, %ne3A_410 : i1
        %sub3A = arith.constant 1 : i32
        %sub3A_412 = arith.subi %div3A, %sub3A : i32
        %select_n3A_413 = arith.select %and3A_411, %sub3A_412, %div3A : i32
        %jit3A_414 = arith.constant 4 : i32
        %eq3A_415 = arith.constant 0 : i32
        %eq3A_416 = arith.cmpi eq, %jit3A_414, %eq3A_415 : i32
        %jit3A_417 = arith.constant 1 : i32
        %select_n3A_418 = arith.select %eq3A_416, %jit3A_417, %jit3A_414 : i32
        %rem3A_419 = arith.remsi %scan3A_392, %select_n3A_418 : i32
        %ne3A_420 = arith.constant 0 : i32
        %ne3A_421 = arith.cmpi ne, %rem3A_419, %ne3A_420 : i32
        %lt3A_422 = arith.constant 0 : i32
        %lt3A_423 = arith.cmpi slt, %rem3A_419, %lt3A_422 : i32
        %lt3A_424 = arith.constant 0 : i32
        %lt3A_425 = arith.cmpi slt, %select_n3A_418, %lt3A_424 : i32
        %ne3A_426 = arith.xori %lt3A_423, %lt3A_425 : i1
        %and3A_427 = arith.andi %ne3A_426, %ne3A_421 : i1
        %add3A_428 = arith.addi %rem3A_419, %select_n3A_418 : i32
        %select_n3A_429 = arith.select %and3A_427, %add3A_428, %rem3A_419 : i32
        %mul3A_430 = arith.constant 16 : i32
        %mul3A_431 = arith.muli %select_n3A_429, %mul3A_430 : i32
        %get3A = arith.index_cast %select_n3A_154 : i32 to index
        %get3A_432 = arith.index_cast %select_n3A_413 : i32 to index
        %get3A_433 = arith.index_cast %mul3A_431 : i32 to index
        %get3A_434 = tpu.vector_load %arg10[%get3A, %get3A_432, %get3A_433] {strides = array<i32>} : memref<2x8x64xi32, #tpu.memory_space<vmem>>, vector<16xi32>,
        %swap3A = arith.constant 0 : index
        %swap3A_435 = tpu.vector_load %arg26[%swap3A] {strides = array<i32>} : memref<16xi32, #tpu.memory_space<vmem>>, vector<16xi32>,
        tpu.vector_store %arg26[%swap3A], %get3A_434 {strides = array<i32>} : memref<16xi32, #tpu.memory_space<vmem>>, vector<16xi32>,
        %iota3A = tpu.iota {dimensions = array<i32: 0>} : vector<16xi32>
        %broadcast_in_dim3A = arith.constant 1 : i32
        %broadcast_in_dim3A_436 = vector.broadcast %broadcast_in_dim3A : i32 to vector<16xi32>
        %broadcast_in_dim3A_437 = arith.constant 0 : i32
        %broadcast_in_dim3A_438 = vector.broadcast %broadcast_in_dim3A_437 : i32 to vector<16xi32>
        %ne3A_439 = arith.cmpi ne, %get3A_434, %get3A_434 : vector<16xi32>
        %add3A_440 = arith.constant 1 : i32
        %add3A_441 = vector.broadcast %add3A_440 : i32 to vector<16xi32>
        %add3A_442 = arith.addi %iota3A, %add3A_441 : vector<16xi32>
        %and3A_443 = arith.constant 15 : i32
        %and3A_444 = vector.broadcast %and3A_443 : i32 to vector<16xi32>
        %and3A_445 = arith.andi %add3A_442, %and3A_444 : vector<16xi32>
        %gather3A = tpu.vector_load_idx %arg26[%and3A_445] : memref<16xi32, #tpu.memory_space<vmem>>[vector<16xi32>], vector<16xi32>,
        %eq3A_446 = arith.cmpi eq, %get3A_434, %gather3A : vector<16xi32>
        %lt3A_447 = arith.constant 15 : i32
        %lt3A_448 = vector.broadcast %lt3A_447 : i32 to vector<16xi32>
        %lt3A_449 = arith.cmpi slt, %iota3A, %lt3A_448 : vector<16xi32>
        %and3A_450 = arith.andi %eq3A_446, %lt3A_449 : vector<16xi1>
        %or3A = arith.ori %ne3A_439, %and3A_450 : vector<16xi1>
        %ge3A_451 = arith.constant 15 : i32
        %ge3A_452 = vector.broadcast %ge3A_451 : i32 to vector<16xi32>
        %ge3A_453 = arith.cmpi sge, %iota3A, %ge3A_452 : vector<16xi32>
        %and3A_454 = arith.andi %eq3A_446, %ge3A_453 : vector<16xi1>
        %select_n3A_455 = arith.select %and3A_454, %broadcast_in_dim3A_436, %broadcast_in_dim3A_438 : vector<16xi1>, vector<16xi32>
        %add3A_456 = arith.addi %broadcast_in_dim3A_438, %select_n3A_455 : vector<16xi32>
        %add3A_457 = arith.constant 2 : i32
        %add3A_458 = vector.broadcast %add3A_457 : i32 to vector<16xi32>
        %add3A_459 = arith.addi %iota3A, %add3A_458 : vector<16xi32>
        %and3A_460 = arith.constant 15 : i32
        %and3A_461 = vector.broadcast %and3A_460 : i32 to vector<16xi32>
        %and3A_462 = arith.andi %add3A_459, %and3A_461 : vector<16xi32>
        %gather3A_463 = tpu.vector_load_idx %arg26[%and3A_462] : memref<16xi32, #tpu.memory_space<vmem>>[vector<16xi32>], vector<16xi32>,
        %eq3A_464 = arith.cmpi eq, %get3A_434, %gather3A_463 : vector<16xi32>
        %lt3A_465 = arith.constant 14 : i32
        %lt3A_466 = vector.broadcast %lt3A_465 : i32 to vector<16xi32>
        %lt3A_467 = arith.cmpi slt, %iota3A, %lt3A_466 : vector<16xi32>
        %and3A_468 = arith.andi %eq3A_464, %lt3A_467 : vector<16xi1>
        %or3A_469 = arith.ori %or3A, %and3A_468 : vector<16xi1>
        %ge3A_470 = arith.constant 14 : i32
        %ge3A_471 = vector.broadcast %ge3A_470 : i32 to vector<16xi32>
        %ge3A_472 = arith.cmpi sge, %iota3A, %ge3A_471 : vector<16xi32>
        %and3A_473 = arith.andi %eq3A_464, %ge3A_472 : vector<16xi1>
        %select_n3A_474 = arith.select %and3A_473, %broadcast_in_dim3A_436, %broadcast_in_dim3A_438 : vector<16xi1>, vector<16xi32>
        %add3A_475 = arith.addi %add3A_456, %select_n3A_474 : vector<16xi32>
        %add3A_476 = arith.constant 3 : i32
        %add3A_477 = vector.broadcast %add3A_476 : i32 to vector<16xi32>
        %add3A_478 = arith.addi %iota3A, %add3A_477 : vector<16xi32>
        %and3A_479 = arith.constant 15 : i32
        %and3A_480 = vector.broadcast %and3A_479 : i32 to vector<16xi32>
        %and3A_481 = arith.andi %add3A_478, %and3A_480 : vector<16xi32>
        %gather3A_482 = tpu.vector_load_idx %arg26[%and3A_481] : memref<16xi32, #tpu.memory_space<vmem>>[vector<16xi32>], vector<16xi32>,
        %eq3A_483 = arith.cmpi eq, %get3A_434, %gather3A_482 : vector<16xi32>
        %lt3A_484 = arith.constant 13 : i32
        %lt3A_485 = vector.broadcast %lt3A_484 : i32 to vector<16xi32>
        %lt3A_486 = arith.cmpi slt, %iota3A, %lt3A_485 : vector<16xi32>
        %and3A_487 = arith.andi %eq3A_483, %lt3A_486 : vector<16xi1>
        %or3A_488 = arith.ori %or3A_469, %and3A_487 : vector<16xi1>
        %ge3A_489 = arith.constant 13 : i32
        %ge3A_490 = vector.broadcast %ge3A_489 : i32 to vector<16xi32>
        %ge3A_491 = arith.cmpi sge, %iota3A, %ge3A_490 : vector<16xi32>
        %and3A_492 = arith.andi %eq3A_483, %ge3A_491 : vector<16xi1>
        %select_n3A_493 = arith.select %and3A_492, %broadcast_in_dim3A_436, %broadcast_in_dim3A_438 : vector<16xi1>, vector<16xi32>
        %add3A_494 = arith.addi %add3A_475, %select_n3A_493 : vector<16xi32>
        %add3A_495 = arith.constant 4 : i32
        %add3A_496 = vector.broadcast %add3A_495 : i32 to vector<16xi32>
        %add3A_497 = arith.addi %iota3A, %add3A_496 : vector<16xi32>
        %and3A_498 = arith.constant 15 : i32
        %and3A_499 = vector.broadcast %and3A_498 : i32 to vector<16xi32>
        %and3A_500 = arith.andi %add3A_497, %and3A_499 : vector<16xi32>
        %gather3A_501 = tpu.vector_load_idx %arg26[%and3A_500] : memref<16xi32, #tpu.memory_space<vmem>>[vector<16xi32>], vector<16xi32>,
        %eq3A_502 = arith.cmpi eq, %get3A_434, %gather3A_501 : vector<16xi32>
        %lt3A_503 = arith.constant 12 : i32
        %lt3A_504 = vector.broadcast %lt3A_503 : i32 to vector<16xi32>
        %lt3A_505 = arith.cmpi slt, %iota3A, %lt3A_504 : vector<16xi32>
        %and3A_506 = arith.andi %eq3A_502, %lt3A_505 : vector<16xi1>
        %or3A_507 = arith.ori %or3A_488, %and3A_506 : vector<16xi1>
        %ge3A_508 = arith.constant 12 : i32
        %ge3A_509 = vector.broadcast %ge3A_508 : i32 to vector<16xi32>
        %ge3A_510 = arith.cmpi sge, %iota3A, %ge3A_509 : vector<16xi32>
        %and3A_511 = arith.andi %eq3A_502, %ge3A_510 : vector<16xi1>
        %select_n3A_512 = arith.select %and3A_511, %broadcast_in_dim3A_436, %broadcast_in_dim3A_438 : vector<16xi1>, vector<16xi32>
        %add3A_513 = arith.addi %add3A_494, %select_n3A_512 : vector<16xi32>
        %add3A_514 = arith.constant 5 : i32
        %add3A_515 = vector.broadcast %add3A_514 : i32 to vector<16xi32>
        %add3A_516 = arith.addi %iota3A, %add3A_515 : vector<16xi32>
        %and3A_517 = arith.constant 15 : i32
        %and3A_518 = vector.broadcast %and3A_517 : i32 to vector<16xi32>
        %and3A_519 = arith.andi %add3A_516, %and3A_518 : vector<16xi32>
        %gather3A_520 = tpu.vector_load_idx %arg26[%and3A_519] : memref<16xi32, #tpu.memory_space<vmem>>[vector<16xi32>], vector<16xi32>,
        %eq3A_521 = arith.cmpi eq, %get3A_434, %gather3A_520 : vector<16xi32>
        %lt3A_522 = arith.constant 11 : i32
        %lt3A_523 = vector.broadcast %lt3A_522 : i32 to vector<16xi32>
        %lt3A_524 = arith.cmpi slt, %iota3A, %lt3A_523 : vector<16xi32>
        %and3A_525 = arith.andi %eq3A_521, %lt3A_524 : vector<16xi1>
        %or3A_526 = arith.ori %or3A_507, %and3A_525 : vector<16xi1>
        %ge3A_527 = arith.constant 11 : i32
        %ge3A_528 = vector.broadcast %ge3A_527 : i32 to vector<16xi32>
        %ge3A_529 = arith.cmpi sge, %iota3A, %ge3A_528 : vector<16xi32>
        %and3A_530 = arith.andi %eq3A_521, %ge3A_529 : vector<16xi1>
        %select_n3A_531 = arith.select %and3A_530, %broadcast_in_dim3A_436, %broadcast_in_dim3A_438 : vector<16xi1>, vector<16xi32>
        %add3A_532 = arith.addi %add3A_513, %select_n3A_531 : vector<16xi32>
        %add3A_533 = arith.constant 6 : i32
        %add3A_534 = vector.broadcast %add3A_533 : i32 to vector<16xi32>
        %add3A_535 = arith.addi %iota3A, %add3A_534 : vector<16xi32>
        %and3A_536 = arith.constant 15 : i32
        %and3A_537 = vector.broadcast %and3A_536 : i32 to vector<16xi32>
        %and3A_538 = arith.andi %add3A_535, %and3A_537 : vector<16xi32>
        %gather3A_539 = tpu.vector_load_idx %arg26[%and3A_538] : memref<16xi32, #tpu.memory_space<vmem>>[vector<16xi32>], vector<16xi32>,
        %eq3A_540 = arith.cmpi eq, %get3A_434, %gather3A_539 : vector<16xi32>
        %lt3A_541 = arith.constant 10 : i32
        %lt3A_542 = vector.broadcast %lt3A_541 : i32 to vector<16xi32>
        %lt3A_543 = arith.cmpi slt, %iota3A, %lt3A_542 : vector<16xi32>
        %and3A_544 = arith.andi %eq3A_540, %lt3A_543 : vector<16xi1>
        %or3A_545 = arith.ori %or3A_526, %and3A_544 : vector<16xi1>
        %ge3A_546 = arith.constant 10 : i32
        %ge3A_547 = vector.broadcast %ge3A_546 : i32 to vector<16xi32>
        %ge3A_548 = arith.cmpi sge, %iota3A, %ge3A_547 : vector<16xi32>
        %and3A_549 = arith.andi %eq3A_540, %ge3A_548 : vector<16xi1>
        %select_n3A_550 = arith.select %and3A_549, %broadcast_in_dim3A_436, %broadcast_in_dim3A_438 : vector<16xi1>, vector<16xi32>
        %add3A_551 = arith.addi %add3A_532, %select_n3A_550 : vector<16xi32>
        %add3A_552 = arith.constant 7 : i32
        %add3A_553 = vector.broadcast %add3A_552 : i32 to vector<16xi32>
        %add3A_554 = arith.addi %iota3A, %add3A_553 : vector<16xi32>
        %and3A_555 = arith.constant 15 : i32
        %and3A_556 = vector.broadcast %and3A_555 : i32 to vector<16xi32>
        %and3A_557 = arith.andi %add3A_554, %and3A_556 : vector<16xi32>
        %gather3A_558 = tpu.vector_load_idx %arg26[%and3A_557] : memref<16xi32, #tpu.memory_space<vmem>>[vector<16xi32>], vector<16xi32>,
        %eq3A_559 = arith.cmpi eq, %get3A_434, %gather3A_558 : vector<16xi32>
        %lt3A_560 = arith.constant 9 : i32
        %lt3A_561 = vector.broadcast %lt3A_560 : i32 to vector<16xi32>
        %lt3A_562 = arith.cmpi slt, %iota3A, %lt3A_561 : vector<16xi32>
        %and3A_563 = arith.andi %eq3A_559, %lt3A_562 : vector<16xi1>
        %or3A_564 = arith.ori %or3A_545, %and3A_563 : vector<16xi1>
        %ge3A_565 = arith.constant 9 : i32
        %ge3A_566 = vector.broadcast %ge3A_565 : i32 to vector<16xi32>
        %ge3A_567 = arith.cmpi sge, %iota3A, %ge3A_566 : vector<16xi32>
        %and3A_568 = arith.andi %eq3A_559, %ge3A_567 : vector<16xi1>
        %select_n3A_569 = arith.select %and3A_568, %broadcast_in_dim3A_436, %broadcast_in_dim3A_438 : vector<16xi1>, vector<16xi32>
        %add3A_570 = arith.addi %add3A_551, %select_n3A_569 : vector<16xi32>
        %add3A_571 = arith.constant 8 : i32
        %add3A_572 = vector.broadcast %add3A_571 : i32 to vector<16xi32>
        %add3A_573 = arith.addi %iota3A, %add3A_572 : vector<16xi32>
        %and3A_574 = arith.constant 15 : i32
        %and3A_575 = vector.broadcast %and3A_574 : i32 to vector<16xi32>
        %and3A_576 = arith.andi %add3A_573, %and3A_575 : vector<16xi32>
        %gather3A_577 = tpu.vector_load_idx %arg26[%and3A_576] : memref<16xi32, #tpu.memory_space<vmem>>[vector<16xi32>], vector<16xi32>,
        %eq3A_578 = arith.cmpi eq, %get3A_434, %gather3A_577 : vector<16xi32>
        %lt3A_579 = arith.constant 8 : i32
        %lt3A_580 = vector.broadcast %lt3A_579 : i32 to vector<16xi32>
        %lt3A_581 = arith.cmpi slt, %iota3A, %lt3A_580 : vector<16xi32>
        %and3A_582 = arith.andi %eq3A_578, %lt3A_581 : vector<16xi1>
        %or3A_583 = arith.ori %or3A_564, %and3A_582 : vector<16xi1>
        %ge3A_584 = arith.constant 8 : i32
        %ge3A_585 = vector.broadcast %ge3A_584 : i32 to vector<16xi32>
        %ge3A_586 = arith.cmpi sge, %iota3A, %ge3A_585 : vector<16xi32>
        %and3A_587 = arith.andi %eq3A_578, %ge3A_586 : vector<16xi1>
        %select_n3A_588 = arith.select %and3A_587, %broadcast_in_dim3A_436, %broadcast_in_dim3A_438 : vector<16xi1>, vector<16xi32>
        %add3A_589 = arith.addi %add3A_570, %select_n3A_588 : vector<16xi32>
        %add3A_590 = arith.constant 9 : i32
        %add3A_591 = vector.broadcast %add3A_590 : i32 to vector<16xi32>
        %add3A_592 = arith.addi %iota3A, %add3A_591 : vector<16xi32>
        %and3A_593 = arith.constant 15 : i32
        %and3A_594 = vector.broadcast %and3A_593 : i32 to vector<16xi32>
        %and3A_595 = arith.andi %add3A_592, %and3A_594 : vector<16xi32>
        %gather3A_596 = tpu.vector_load_idx %arg26[%and3A_595] : memref<16xi32, #tpu.memory_space<vmem>>[vector<16xi32>], vector<16xi32>,
        %eq3A_597 = arith.cmpi eq, %get3A_434, %gather3A_596 : vector<16xi32>
        %lt3A_598 = arith.constant 7 : i32
        %lt3A_599 = vector.broadcast %lt3A_598 : i32 to vector<16xi32>
        %lt3A_600 = arith.cmpi slt, %iota3A, %lt3A_599 : vector<16xi32>
        %and3A_601 = arith.andi %eq3A_597, %lt3A_600 : vector<16xi1>
        %or3A_602 = arith.ori %or3A_583, %and3A_601 : vector<16xi1>
        %ge3A_603 = arith.constant 7 : i32
        %ge3A_604 = vector.broadcast %ge3A_603 : i32 to vector<16xi32>
        %ge3A_605 = arith.cmpi sge, %iota3A, %ge3A_604 : vector<16xi32>
        %and3A_606 = arith.andi %eq3A_597, %ge3A_605 : vector<16xi1>
        %select_n3A_607 = arith.select %and3A_606, %broadcast_in_dim3A_436, %broadcast_in_dim3A_438 : vector<16xi1>, vector<16xi32>
        %add3A_608 = arith.addi %add3A_589, %select_n3A_607 : vector<16xi32>
        %add3A_609 = arith.constant 10 : i32
        %add3A_610 = vector.broadcast %add3A_609 : i32 to vector<16xi32>
        %add3A_611 = arith.addi %iota3A, %add3A_610 : vector<16xi32>
        %and3A_612 = arith.constant 15 : i32
        %and3A_613 = vector.broadcast %and3A_612 : i32 to vector<16xi32>
        %and3A_614 = arith.andi %add3A_611, %and3A_613 : vector<16xi32>
        %gather3A_615 = tpu.vector_load_idx %arg26[%and3A_614] : memref<16xi32, #tpu.memory_space<vmem>>[vector<16xi32>], vector<16xi32>,
        %eq3A_616 = arith.cmpi eq, %get3A_434, %gather3A_615 : vector<16xi32>
        %lt3A_617 = arith.constant 6 : i32
        %lt3A_618 = vector.broadcast %lt3A_617 : i32 to vector<16xi32>
        %lt3A_619 = arith.cmpi slt, %iota3A, %lt3A_618 : vector<16xi32>
        %and3A_620 = arith.andi %eq3A_616, %lt3A_619 : vector<16xi1>
        %or3A_621 = arith.ori %or3A_602, %and3A_620 : vector<16xi1>
        %ge3A_622 = arith.constant 6 : i32
        %ge3A_623 = vector.broadcast %ge3A_622 : i32 to vector<16xi32>
        %ge3A_624 = arith.cmpi sge, %iota3A, %ge3A_623 : vector<16xi32>
        %and3A_625 = arith.andi %eq3A_616, %ge3A_624 : vector<16xi1>
        %select_n3A_626 = arith.select %and3A_625, %broadcast_in_dim3A_436, %broadcast_in_dim3A_438 : vector<16xi1>, vector<16xi32>
        %add3A_627 = arith.addi %add3A_608, %select_n3A_626 : vector<16xi32>
        %add3A_628 = arith.constant 11 : i32
        %add3A_629 = vector.broadcast %add3A_628 : i32 to vector<16xi32>
        %add3A_630 = arith.addi %iota3A, %add3A_629 : vector<16xi32>
        %and3A_631 = arith.constant 15 : i32
        %and3A_632 = vector.broadcast %and3A_631 : i32 to vector<16xi32>
        %and3A_633 = arith.andi %add3A_630, %and3A_632 : vector<16xi32>
        %gather3A_634 = tpu.vector_load_idx %arg26[%and3A_633] : memref<16xi32, #tpu.memory_space<vmem>>[vector<16xi32>], vector<16xi32>,
        %eq3A_635 = arith.cmpi eq, %get3A_434, %gather3A_634 : vector<16xi32>
        %lt3A_636 = arith.constant 5 : i32
        %lt3A_637 = vector.broadcast %lt3A_636 : i32 to vector<16xi32>
        %lt3A_638 = arith.cmpi slt, %iota3A, %lt3A_637 : vector<16xi32>
        %and3A_639 = arith.andi %eq3A_635, %lt3A_638 : vector<16xi1>
        %or3A_640 = arith.ori %or3A_621, %and3A_639 : vector<16xi1>
        %ge3A_641 = arith.constant 5 : i32
        %ge3A_642 = vector.broadcast %ge3A_641 : i32 to vector<16xi32>
        %ge3A_643 = arith.cmpi sge, %iota3A, %ge3A_642 : vector<16xi32>
        %and3A_644 = arith.andi %eq3A_635, %ge3A_643 : vector<16xi1>
        %select_n3A_645 = arith.select %and3A_644, %broadcast_in_dim3A_436, %broadcast_in_dim3A_438 : vector<16xi1>, vector<16xi32>
        %add3A_646 = arith.addi %add3A_627, %select_n3A_645 : vector<16xi32>
        %add3A_647 = arith.constant 12 : i32
        %add3A_648 = vector.broadcast %add3A_647 : i32 to vector<16xi32>
        %add3A_649 = arith.addi %iota3A, %add3A_648 : vector<16xi32>
        %and3A_650 = arith.constant 15 : i32
        %and3A_651 = vector.broadcast %and3A_650 : i32 to vector<16xi32>
        %and3A_652 = arith.andi %add3A_649, %and3A_651 : vector<16xi32>
        %gather3A_653 = tpu.vector_load_idx %arg26[%and3A_652] : memref<16xi32, #tpu.memory_space<vmem>>[vector<16xi32>], vector<16xi32>,
        %eq3A_654 = arith.cmpi eq, %get3A_434, %gather3A_653 : vector<16xi32>
        %lt3A_655 = arith.constant 4 : i32
        %lt3A_656 = vector.broadcast %lt3A_655 : i32 to vector<16xi32>
        %lt3A_657 = arith.cmpi slt, %iota3A, %lt3A_656 : vector<16xi32>
        %and3A_658 = arith.andi %eq3A_654, %lt3A_657 : vector<16xi1>
        %or3A_659 = arith.ori %or3A_640, %and3A_658 : vector<16xi1>
        %ge3A_660 = arith.constant 4 : i32
        %ge3A_661 = vector.broadcast %ge3A_660 : i32 to vector<16xi32>
        %ge3A_662 = arith.cmpi sge, %iota3A, %ge3A_661 : vector<16xi32>
        %and3A_663 = arith.andi %eq3A_654, %ge3A_662 : vector<16xi1>
        %select_n3A_664 = arith.select %and3A_663, %broadcast_in_dim3A_436, %broadcast_in_dim3A_438 : vector<16xi1>, vector<16xi32>
        %add3A_665 = arith.addi %add3A_646, %select_n3A_664 : vector<16xi32>
        %add3A_666 = arith.constant 13 : i32
        %add3A_667 = vector.broadcast %add3A_666 : i32 to vector<16xi32>
        %add3A_668 = arith.addi %iota3A, %add3A_667 : vector<16xi32>
        %and3A_669 = arith.constant 15 : i32
        %and3A_670 = vector.broadcast %and3A_669 : i32 to vector<16xi32>
        %and3A_671 = arith.andi %add3A_668, %and3A_670 : vector<16xi32>
        %gather3A_672 = tpu.vector_load_idx %arg26[%and3A_671] : memref<16xi32, #tpu.memory_space<vmem>>[vector<16xi32>], vector<16xi32>,
        %eq3A_673 = arith.cmpi eq, %get3A_434, %gather3A_672 : vector<16xi32>
        %lt3A_674 = arith.constant 3 : i32
        %lt3A_675 = vector.broadcast %lt3A_674 : i32 to vector<16xi32>
        %lt3A_676 = arith.cmpi slt, %iota3A, %lt3A_675 : vector<16xi32>
        %and3A_677 = arith.andi %eq3A_673, %lt3A_676 : vector<16xi1>
        %or3A_678 = arith.ori %or3A_659, %and3A_677 : vector<16xi1>
        %ge3A_679 = arith.constant 3 : i32
        %ge3A_680 = vector.broadcast %ge3A_679 : i32 to vector<16xi32>
        %ge3A_681 = arith.cmpi sge, %iota3A, %ge3A_680 : vector<16xi32>
        %and3A_682 = arith.andi %eq3A_673, %ge3A_681 : vector<16xi1>
        %select_n3A_683 = arith.select %and3A_682, %broadcast_in_dim3A_436, %broadcast_in_dim3A_438 : vector<16xi1>, vector<16xi32>
        %add3A_684 = arith.addi %add3A_665, %select_n3A_683 : vector<16xi32>
        %add3A_685 = arith.constant 14 : i32
        %add3A_686 = vector.broadcast %add3A_685 : i32 to vector<16xi32>
        %add3A_687 = arith.addi %iota3A, %add3A_686 : vector<16xi32>
        %and3A_688 = arith.constant 15 : i32
        %and3A_689 = vector.broadcast %and3A_688 : i32 to vector<16xi32>
        %and3A_690 = arith.andi %add3A_687, %and3A_689 : vector<16xi32>
        %gather3A_691 = tpu.vector_load_idx %arg26[%and3A_690] : memref<16xi32, #tpu.memory_space<vmem>>[vector<16xi32>], vector<16xi32>,
        %eq3A_692 = arith.cmpi eq, %get3A_434, %gather3A_691 : vector<16xi32>
        %lt3A_693 = arith.constant 2 : i32
        %lt3A_694 = vector.broadcast %lt3A_693 : i32 to vector<16xi32>
        %lt3A_695 = arith.cmpi slt, %iota3A, %lt3A_694 : vector<16xi32>
        %and3A_696 = arith.andi %eq3A_692, %lt3A_695 : vector<16xi1>
        %or3A_697 = arith.ori %or3A_678, %and3A_696 : vector<16xi1>
        %ge3A_698 = arith.constant 2 : i32
        %ge3A_699 = vector.broadcast %ge3A_698 : i32 to vector<16xi32>
        %ge3A_700 = arith.cmpi sge, %iota3A, %ge3A_699 : vector<16xi32>
        %and3A_701 = arith.andi %eq3A_692, %ge3A_700 : vector<16xi1>
        %select_n3A_702 = arith.select %and3A_701, %broadcast_in_dim3A_436, %broadcast_in_dim3A_438 : vector<16xi1>, vector<16xi32>
        %add3A_703 = arith.addi %add3A_684, %select_n3A_702 : vector<16xi32>
        %add3A_704 = arith.constant 15 : i32
        %add3A_705 = vector.broadcast %add3A_704 : i32 to vector<16xi32>
        %add3A_706 = arith.addi %iota3A, %add3A_705 : vector<16xi32>
        %and3A_707 = arith.constant 15 : i32
        %and3A_708 = vector.broadcast %and3A_707 : i32 to vector<16xi32>
        %and3A_709 = arith.andi %add3A_706, %and3A_708 : vector<16xi32>
        %gather3A_710 = tpu.vector_load_idx %arg26[%and3A_709] : memref<16xi32, #tpu.memory_space<vmem>>[vector<16xi32>], vector<16xi32>,
        %eq3A_711 = arith.cmpi eq, %get3A_434, %gather3A_710 : vector<16xi32>
        %lt3A_712 = arith.constant 1 : i32
        %lt3A_713 = vector.broadcast %lt3A_712 : i32 to vector<16xi32>
        %lt3A_714 = arith.cmpi slt, %iota3A, %lt3A_713 : vector<16xi32>
        %and3A_715 = arith.andi %eq3A_711, %lt3A_714 : vector<16xi1>
        %or3A_716 = arith.ori %or3A_697, %and3A_715 : vector<16xi1>
        %ge3A_717 = arith.constant 1 : i32
        %ge3A_718 = vector.broadcast %ge3A_717 : i32 to vector<16xi32>
        %ge3A_719 = arith.cmpi sge, %iota3A, %ge3A_718 : vector<16xi32>
        %and3A_720 = arith.andi %eq3A_711, %ge3A_719 : vector<16xi1>
        %select_n3A_721 = arith.select %and3A_720, %broadcast_in_dim3A_436, %broadcast_in_dim3A_438 : vector<16xi1>, vector<16xi32>
        %add3A_722 = arith.addi %add3A_703, %select_n3A_721 : vector<16xi32>
        %add3A_723 = arith.constant 1 : i32
        %add3A_724 = vector.broadcast %add3A_723 : i32 to vector<16xi32>
        %add3A_725 = arith.addi %add3A_722, %add3A_724 : vector<16xi32>
        %convert_element_type3A_726 = arith.sitofp %add3A_725 : vector<16xi32> to vector<16xf32>
        %not3A = arith.constant dense<true> : vector<16xi1>
        %not3A_727 = arith.xori %or3A_716, %not3A : vector<16xi1>
        %lt3A_728 = arith.constant 10000 : i32
        %lt3A_729 = vector.broadcast %lt3A_728 : i32 to vector<16xi32>
        %lt3A_730 = arith.cmpi slt, %get3A_434, %lt3A_729 : vector<16xi32>
        %and3A_731 = arith.andi %not3A_727, %lt3A_730 : vector<16xi1>
        tpu.vector_store_idx %arg25[%get3A_434], %convert_element_type3A_726 masked %and3A_731 {add = true} : memref<10000xf32, #tpu.memory_space<vmem>>[vector<16xi32>], vector<16xf32>, vector<16xi1>
      }
      %scan3A_391 = arith.constant 32 : i32
    }
    %scan3A_101 = arith.constant 20 : i32
    "tpu.region"() ({
      %run_scoped3A = tpu.sem_alloc : memref<!tpu.dma_semaphore, #tpu.memory_space<semaphore_mem>>
      %dma_start3A_144 = arith.constant 0 : i32
      %dma_start3A_145 = tpu.memref_slice %arg8[%add3A, %dma_start3A_144] : memref<32x10000xf32, #tpu.memory_space<hbm>> -> memref<1x10000xf32, #tpu.memory_space<hbm>>
      %dma_start3A_146 = tpu.memref_squeeze %dma_start3A_145 : memref<1x10000xf32, #tpu.memory_space<hbm>> -> memref<10000xf32, #tpu.memory_space<hbm>>
      %dma_start3A_147 = arith.constant 0 : i32
      %dma_start3A_148 = tpu.memref_slice %arg8[%add3A, %dma_start3A_147] : memref<32x10000xf32, #tpu.memory_space<hbm>> -> memref<1x10000xf32, #tpu.memory_space<hbm>>
      %dma_start3A_149 = tpu.memref_squeeze %dma_start3A_148 : memref<1x10000xf32, #tpu.memory_space<hbm>> -> memref<10000xf32, #tpu.memory_space<hbm>>
      tpu.enqueue_dma source(%arg25 : memref<10000xf32, #tpu.memory_space<vmem>>) target(%dma_start3A_149 : memref<10000xf32, #tpu.memory_space<hbm>>) target_semaphore(%run_scoped3A : memref<!tpu.dma_semaphore, #tpu.memory_space<semaphore_mem>>)
      %dma_wait3A_150 = arith.constant 0 : i32
      %dma_wait3A_151 = tpu.memref_slice %arg8[%add3A, %dma_wait3A_150] : memref<32x10000xf32, #tpu.memory_space<hbm>> -> memref<1x10000xf32, #tpu.memory_space<hbm>>
      %dma_wait3A_152 = tpu.memref_squeeze %dma_wait3A_151 : memref<1x10000xf32, #tpu.memory_space<hbm>> -> memref<10000xf32, #tpu.memory_space<hbm>>
      %dma_wait3A_153 = arith.constant 0 : i32
      %dma_wait3A_154 = tpu.memref_slice %arg8[%add3A, %dma_wait3A_153] : memref<32x10000xf32, #tpu.memory_space<hbm>> -> memref<1x10000xf32, #tpu.memory_space<hbm>>
      %dma_wait3A_155 = tpu.memref_squeeze %dma_wait3A_154 : memref<1x10000xf32, #tpu.memory_space<hbm>> -> memref<10000xf32, #tpu.memory_space<hbm>>
      tpu.wait_dma2 semaphore(%run_scoped3A : memref<!tpu.dma_semaphore, #tpu.memory_space<semaphore_mem>>) src(%arg25 : memref<10000xf32, #tpu.memory_space<vmem>>) dst(%dma_wait3A_155 : memref<10000xf32, #tpu.memory_space<hbm>>)
      tpu.yield
    }) : () -> ()
    %dma_wait3A_102 = arith.constant 0 : i32
    %dma_wait3A_103 = arith.constant 0 : i32
    %dma_wait3A_104 = arith.constant 0 : i32
    %dma_wait3A_105 = tpu.memref_slice %arg10[%dma_wait3A_102, %dma_wait3A_103, %dma_wait3A_104] : memref<2x8x64xi32, #tpu.memory_space<vmem>> -> memref<1x1x64xi32, #tpu.memory_space<vmem>>
    %dma_wait3A_106 = tpu.memref_squeeze %dma_wait3A_105 : memref<1x1x64xi32, #tpu.memory_space<vmem>> -> memref<64xi32, #tpu.memory_space<vmem>>
    %dma_wait3A_107 = arith.constant 0 : i32
    %dma_wait3A_108 = arith.constant 0 : i32
    %dma_wait3A_109 = tpu.memref_slice %arg15[%dma_wait3A_107, %dma_wait3A_108] : memref<10008x128xf32, #tpu.memory_space<vmem_shared>> -> memref<10008x128xf32, #tpu.memory_space<vmem_shared>>
    tpu.wait_indirect_dma semaphore(%arg21 : memref<!tpu.dma_semaphore, #tpu.memory_space<semaphore_mem>>) src(%arg11 : memref<64x128xf32, #tpu.memory_space<vmem>>) dst(%dma_wait3A_109 : memref<10008x128xf32, #tpu.memory_space<vmem_shared>>)
    %dma_wait3A_110 = arith.constant 0 : i32
    %dma_wait3A_111 = arith.constant 0 : i32
    %dma_wait3A_112 = arith.constant 0 : i32
    %dma_wait3A_113 = tpu.memref_slice %arg10[%dma_wait3A_110, %dma_wait3A_111, %dma_wait3A_112] : memref<2x8x64xi32, #tpu.memory_space<vmem>> -> memref<1x1x64xi32, #tpu.memory_space<vmem>>
    %dma_wait3A_114 = tpu.memref_squeeze %dma_wait3A_113 : memref<1x1x64xi32, #tpu.memory_space<vmem>> -> memref<64xi32, #tpu.memory_space<vmem>>
    %dma_wait3A_115 = arith.constant 0 : i32
    %dma_wait3A_116 = arith.constant 0 : i32
    %dma_wait3A_117 = tpu.memref_slice %arg15[%dma_wait3A_115, %dma_wait3A_116] : memref<10008x128xf32, #tpu.memory_space<vmem_shared>> -> memref<10008x128xf32, #tpu.memory_space<vmem_shared>>
    tpu.wait_indirect_dma semaphore(%arg22 : memref<!tpu.dma_semaphore, #tpu.memory_space<semaphore_mem>>) src(%arg12 : memref<64x128xf32, #tpu.memory_space<vmem>>) dst(%dma_wait3A_117 : memref<10008x128xf32, #tpu.memory_space<vmem_shared>>)
    %dma_wait3A_118 = arith.constant 0 : i32
    %dma_wait3A_119 = arith.constant 0 : i32
    %dma_wait3A_120 = arith.constant 0 : i32
    %dma_wait3A_121 = tpu.memref_slice %arg10[%dma_wait3A_118, %dma_wait3A_119, %dma_wait3A_120] : memref<2x8x64xi32, #tpu.memory_space<vmem>> -> memref<1x1x64xi32, #tpu.memory_space<vmem>>
    %dma_wait3A_122 = tpu.memref_squeeze %dma_wait3A_121 : memref<1x1x64xi32, #tpu.memory_space<vmem>> -> memref<64xi32, #tpu.memory_space<vmem>>
    %dma_wait3A_123 = arith.constant 0 : i32
    %dma_wait3A_124 = arith.constant 0 : i32
    %dma_wait3A_125 = tpu.memref_slice %arg15[%dma_wait3A_123, %dma_wait3A_124] : memref<10008x128xf32, #tpu.memory_space<vmem_shared>> -> memref<10008x128xf32, #tpu.memory_space<vmem_shared>>
    tpu.wait_indirect_dma semaphore(%arg23 : memref<!tpu.dma_semaphore, #tpu.memory_space<semaphore_mem>>) src(%arg13 : memref<64x128xf32, #tpu.memory_space<vmem>>) dst(%dma_wait3A_125 : memref<10008x128xf32, #tpu.memory_space<vmem_shared>>)
    %dma_wait3A_126 = arith.constant 0 : i32
    %dma_wait3A_127 = arith.constant 0 : i32
    %dma_wait3A_128 = arith.constant 0 : i32
    %dma_wait3A_129 = tpu.memref_slice %arg10[%dma_wait3A_126, %dma_wait3A_127, %dma_wait3A_128] : memref<2x8x64xi32, #tpu.memory_space<vmem>> -> memref<1x1x64xi32, #tpu.memory_space<vmem>>
    %dma_wait3A_130 = tpu.memref_squeeze %dma_wait3A_129 : memref<1x1x64xi32, #tpu.memory_space<vmem>> -> memref<64xi32, #tpu.memory_space<vmem>>
    %dma_wait3A_131 = arith.constant 0 : i32
    %dma_wait3A_132 = arith.constant 0 : i32
    %dma_wait3A_133 = tpu.memref_slice %arg15[%dma_wait3A_131, %dma_wait3A_132] : memref<10008x128xf32, #tpu.memory_space<vmem_shared>> -> memref<10008x128xf32, #tpu.memory_space<vmem_shared>>
    tpu.wait_indirect_dma semaphore(%arg24 : memref<!tpu.dma_semaphore, #tpu.memory_space<semaphore_mem>>) src(%arg14 : memref<64x128xf32, #tpu.memory_space<vmem>>) dst(%dma_wait3A_133 : memref<10008x128xf32, #tpu.memory_space<vmem_shared>>)
    %barrier3A_134 = arith.constant 0 : index
    tpu.barrier barrier_id(%barrier3A_134)
    %mul3A_135 = arith.constant 624 : i32
    %mul3A_136 = arith.muli %arg1, %mul3A_135 : i32
    %mul3A_137 = arith.constant 624 : i32
    %mul3A_138 = arith.muli %arg1, %mul3A_137 : i32
    "tpu.region"() ({
      %run_scoped3A = tpu.sem_alloc : memref<!tpu.dma_semaphore, #tpu.memory_space<semaphore_mem>>
      %dma_start3A_144 = arith.constant 0 : i32
      %dma_start3A_145 = tpu.memref_slice %arg7[%arg0, %mul3A_138, %dma_start3A_144] : memref<2x10008x128xf32, #tpu.memory_space<hbm>> -> memref<1x624x128xf32, #tpu.memory_space<hbm>>
      %dma_start3A_146 = tpu.memref_squeeze %dma_start3A_145 : memref<1x624x128xf32, #tpu.memory_space<hbm>> -> memref<624x128xf32, #tpu.memory_space<hbm>>
      %dma_start3A_147 = arith.constant 0 : i32
      %dma_start3A_148 = tpu.memref_slice %arg15[%mul3A_136, %dma_start3A_147] : memref<10008x128xf32, #tpu.memory_space<vmem_shared>> -> memref<624x128xf32, #tpu.memory_space<vmem_shared>>
      tpu.enqueue_dma source(%dma_start3A_148 : memref<624x128xf32, #tpu.memory_space<vmem_shared>>) target(%dma_start3A_146 : memref<624x128xf32, #tpu.memory_space<hbm>>) target_semaphore(%run_scoped3A : memref<!tpu.dma_semaphore, #tpu.memory_space<semaphore_mem>>)
      %dma_wait3A_149 = arith.constant 0 : i32
      %dma_wait3A_150 = tpu.memref_slice %arg7[%arg0, %mul3A_138, %dma_wait3A_149] : memref<2x10008x128xf32, #tpu.memory_space<hbm>> -> memref<1x624x128xf32, #tpu.memory_space<hbm>>
      %dma_wait3A_151 = tpu.memref_squeeze %dma_wait3A_150 : memref<1x624x128xf32, #tpu.memory_space<hbm>> -> memref<624x128xf32, #tpu.memory_space<hbm>>
      %dma_wait3A_152 = arith.constant 0 : i32
      %dma_wait3A_153 = tpu.memref_slice %arg15[%mul3A_136, %dma_wait3A_152] : memref<10008x128xf32, #tpu.memory_space<vmem_shared>> -> memref<624x128xf32, #tpu.memory_space<vmem_shared>>
      tpu.wait_dma2 semaphore(%run_scoped3A : memref<!tpu.dma_semaphore, #tpu.memory_space<semaphore_mem>>) src(%dma_wait3A_153 : memref<624x128xf32, #tpu.memory_space<vmem_shared>>) dst(%dma_wait3A_151 : memref<624x128xf32, #tpu.memory_space<hbm>>)
      tpu.yield
    }) : () -> ()
    %eq3A_139 = arith.constant 15 : i32
    %eq3A_140 = arith.cmpi eq, %arg1, %eq3A_139 : i32
    %convert_element_type3A_141 = arith.extui %eq3A_140 : i1 to i32
    %cond3A_142 = arith.constant 0 : i32
    %cond3A_143 = arith.cmpi ne, %convert_element_type3A_141, %cond3A_142 : i32
    scf.if %cond3A_143 {
      "tpu.region"() ({
        %run_scoped3A = tpu.sem_alloc : memref<!tpu.dma_semaphore, #tpu.memory_space<semaphore_mem>>
        %dma_start3A_144 = arith.constant 9984 : i32
        %dma_start3A_145 = arith.constant 0 : i32
        %dma_start3A_146 = tpu.memref_slice %arg7[%arg0, %dma_start3A_144, %dma_start3A_145] : memref<2x10008x128xf32, #tpu.memory_space<hbm>> -> memref<1x24x128xf32, #tpu.memory_space<hbm>>
        %dma_start3A_147 = tpu.memref_squeeze %dma_start3A_146 : memref<1x24x128xf32, #tpu.memory_space<hbm>> -> memref<24x128xf32, #tpu.memory_space<hbm>>
        %dma_start3A_148 = arith.constant 9984 : i32
        %dma_start3A_149 = arith.constant 0 : i32
        %dma_start3A_150 = tpu.memref_slice %arg15[%dma_start3A_148, %dma_start3A_149] : memref<10008x128xf32, #tpu.memory_space<vmem_shared>> -> memref<24x128xf32, #tpu.memory_space<vmem_shared>>
        tpu.enqueue_dma source(%dma_start3A_150 : memref<24x128xf32, #tpu.memory_space<vmem_shared>>) target(%dma_start3A_147 : memref<24x128xf32, #tpu.memory_space<hbm>>) target_semaphore(%run_scoped3A : memref<!tpu.dma_semaphore, #tpu.memory_space<semaphore_mem>>)
        %dma_wait3A_151 = arith.constant 9984 : i32
        %dma_wait3A_152 = arith.constant 0 : i32
        %dma_wait3A_153 = tpu.memref_slice %arg7[%arg0, %dma_wait3A_151, %dma_wait3A_152] : memref<2x10008x128xf32, #tpu.memory_space<hbm>> -> memref<1x24x128xf32, #tpu.memory_space<hbm>>
        %dma_wait3A_154 = tpu.memref_squeeze %dma_wait3A_153 : memref<1x24x128xf32, #tpu.memory_space<hbm>> -> memref<24x128xf32, #tpu.memory_space<hbm>>
        %dma_wait3A_155 = arith.constant 9984 : i32
        %dma_wait3A_156 = arith.constant 0 : i32
        %dma_wait3A_157 = tpu.memref_slice %arg15[%dma_wait3A_155, %dma_wait3A_156] : memref<10008x128xf32, #tpu.memory_space<vmem_shared>> -> memref<24x128xf32, #tpu.memory_space<vmem_shared>>
        tpu.wait_dma2 semaphore(%run_scoped3A : memref<!tpu.dma_semaphore, #tpu.memory_space<semaphore_mem>>) src(%dma_wait3A_157 : memref<24x128xf32, #tpu.memory_space<vmem_shared>>) dst(%dma_wait3A_154 : memref<24x128xf32, #tpu.memory_space<hbm>>)
        tpu.yield
      }) : () -> ()
    } else {
    }
    return
  }
}

module attributes {stable_mosaic.version = 14 : i64} {
  func.func @_tc1_body(%arg0: memref<10000x128xf32, #tpu.memory_space<vmem>>, %arg1: memref<128x128xf32, #tpu.memory_space<vmem>>, %arg2: memref<128x128xf32, #tpu.memory_space<vmem>>, %arg3: memref<1x128xf32, #tpu.memory_space<vmem>>, %arg4: memref<10000x128xf32, #tpu.memory_space<vmem>>, %arg5: memref<10000x128xf32, #tpu.memory_space<vmem>>) attributes {dimension_semantics = [], scalar_prefetch = 0 : i64, scratch_operands = 0 : i64, tpu.core_type = #tpu.core_type<tc>} {
    %get3A = arith.constant 0 : index
    %get3A_0 = arith.constant 0 : index
    %get3A_1 = vector.load %arg0[%get3A, %get3A_0] : memref<10000x128xf32, #tpu.memory_space<vmem>>, vector<10000x128xf32>
    %get3A_2 = arith.constant 0 : index
    %get3A_3 = arith.constant 0 : index
    %get3A_4 = vector.load %arg1[%get3A_2, %get3A_3] : memref<128x128xf32, #tpu.memory_space<vmem>>, vector<128x128xf32>
    %dot_general3A = arith.constant dense<0.000000e+00> : vector<10000x128xf32>
    %dot_general3A_5 = tpu.matmul %get3A_1, %get3A_4, %dot_general3A {dimension_numbers = #tpu.dot_dimension_numbers<[1], [0], [0], [1], [0, 0, 1, 1], [], []>, transpose_lhs_hint = false} : vector<10000x128xf32>, vector<128x128xf32>, vector<10000x128xf32> -> vector<10000x128xf32>
    %swap3A = arith.constant 0 : index
    %swap3A_6 = arith.constant 0 : index
    %swap3A_7 = vector.load %arg4[%swap3A, %swap3A_6] : memref<10000x128xf32, #tpu.memory_space<vmem>>, vector<10000x128xf32>
    tpu.vector_store %arg4[%swap3A, %swap3A_6], %dot_general3A_5 {strides = array<i32>} : memref<10000x128xf32, #tpu.memory_space<vmem>>, vector<10000x128xf32>,
    %get3A_8 = arith.constant 0 : index
    %get3A_9 = arith.constant 0 : index
    %get3A_10 = vector.load %arg2[%get3A_8, %get3A_9] : memref<128x128xf32, #tpu.memory_space<vmem>>, vector<128x128xf32>
    %dot_general3A_11 = arith.constant dense<0.000000e+00> : vector<10000x128xf32>
    %dot_general3A_12 = tpu.matmul %get3A_1, %get3A_10, %dot_general3A_11 {dimension_numbers = #tpu.dot_dimension_numbers<[1], [0], [0], [1], [0, 0, 1, 1], [], []>, transpose_lhs_hint = false} : vector<10000x128xf32>, vector<128x128xf32>, vector<10000x128xf32> -> vector<10000x128xf32>
    %get3A_13 = arith.constant 0 : index
    %get3A_14 = arith.constant 0 : index
    %get3A_15 = vector.load %arg3[%get3A_13, %get3A_14] : memref<1x128xf32, #tpu.memory_space<vmem>>, vector<1x128xf32>
    %add3A = vector.broadcast %get3A_15 : vector<1x128xf32> to vector<10000x128xf32>
    %add3A_16 = arith.addf %dot_general3A_12, %add3A : vector<10000x128xf32>
    %swap3A_17 = arith.constant 0 : index
    %swap3A_18 = arith.constant 0 : index
    %swap3A_19 = vector.load %arg5[%swap3A_17, %swap3A_18] : memref<10000x128xf32, #tpu.memory_space<vmem>>, vector<10000x128xf32>
    tpu.vector_store %arg5[%swap3A_17, %swap3A_18], %add3A_16 {strides = array<i32>} : memref<10000x128xf32, #tpu.memory_space<vmem>>, vector<10000x128xf32>,
    return
  }
}

module attributes {stable_mosaic.version = 14 : i64} {
  func.func @_tc2_body(%arg0: memref<2x10008x128xf32, #tpu.memory_space<vmem>>, %arg1: memref<32x10000xf32, #tpu.memory_space<vmem>>, %arg2: memref<10000x128xf32, #tpu.memory_space<vmem>>, %arg3: memref<128x128xf32, #tpu.memory_space<vmem>>, %arg4: memref<128x128xf32, #tpu.memory_space<vmem>>, %arg5: memref<1x128xf32, #tpu.memory_space<vmem>>, %arg6: memref<10000x128xf32, #tpu.memory_space<vmem>>, %arg7: memref<10000x128xf32, #tpu.memory_space<vmem>>, %arg8: memref<10000x1xf32, #tpu.memory_space<vmem>>) attributes {dimension_semantics = [], scalar_prefetch = 0 : i64, scratch_operands = 0 : i64, tpu.core_type = #tpu.core_type<tc>} {
    %get3A = arith.constant 0 : index
    %get3A_0 = arith.constant 0 : index
    %get3A_1 = arith.constant 0 : index
    %get3A_2 = vector.load %arg0[%get3A, %get3A_0, %get3A_1] : memref<2x10008x128xf32, #tpu.memory_space<vmem>>, vector<1x10000x128xf32>
    %get3A_3 = vector.shape_cast %get3A_2 : vector<1x10000x128xf32> to vector<10000x128xf32>
    %get3A_4 = arith.constant 1 : index
    %get3A_5 = arith.constant 0 : index
    %get3A_6 = arith.constant 0 : index
    %get3A_7 = vector.load %arg0[%get3A_4, %get3A_5, %get3A_6] : memref<2x10008x128xf32, #tpu.memory_space<vmem>>, vector<1x10000x128xf32>
    %get3A_8 = vector.shape_cast %get3A_7 : vector<1x10000x128xf32> to vector<10000x128xf32>
    %add3A = arith.addf %get3A_3, %get3A_8 : vector<10000x128xf32>
    %get3A_9 = arith.constant 0 : index
    %get3A_10 = arith.constant 0 : index
    %get3A_11 = vector.load %arg1[%get3A_9, %get3A_10] : memref<32x10000xf32, #tpu.memory_space<vmem>>, vector<32x10000xf32>
    %transpose3A = tpu.transpose %get3A_11, [1, 0] : vector<32x10000xf32> -> vector<10000x32xf32>
    %reduce_sum3A = arith.constant dense<0.000000e+00> : vector<10000xf32>
    %reduce_sum3A_12 = vector.multi_reduction <add>, %transpose3A, %reduce_sum3A [1] : vector<10000x32xf32> to vector<10000xf32>
    %broadcast_in_dim3A = vector.shape_cast %reduce_sum3A_12 : vector<10000xf32> to vector<10000x1xf32>
    %max3A = arith.constant 1.000000e+00 : f32
    %max3A_13 = vector.broadcast %max3A : f32 to vector<10000x1xf32>
    %max3A_14 = arith.maximumf %broadcast_in_dim3A, %max3A_13 : vector<10000x1xf32>
    %div3A = vector.broadcast %max3A_14 : vector<10000x1xf32> to vector<10000x128xf32>
    %div3A_15 = arith.divf %add3A, %div3A : vector<10000x128xf32>
    %get3A_16 = arith.constant 0 : index
    %get3A_17 = arith.constant 0 : index
    %get3A_18 = vector.load %arg2[%get3A_16, %get3A_17] : memref<10000x128xf32, #tpu.memory_space<vmem>>, vector<10000x128xf32>
    %add3A_19 = arith.addf %div3A_15, %get3A_18 : vector<10000x128xf32>
    %max3A_20 = arith.constant 0.000000e+00 : f32
    %max3A_21 = vector.broadcast %max3A_20 : f32 to vector<10000x128xf32>
    %max3A_22 = arith.maximumf %add3A_19, %max3A_21 : vector<10000x128xf32>
    %get3A_23 = arith.constant 0 : index
    %get3A_24 = arith.constant 0 : index
    %get3A_25 = vector.load %arg3[%get3A_23, %get3A_24] : memref<128x128xf32, #tpu.memory_space<vmem>>, vector<128x128xf32>
    %dot_general3A = arith.constant dense<0.000000e+00> : vector<10000x128xf32>
    %dot_general3A_26 = tpu.matmul %max3A_22, %get3A_25, %dot_general3A {dimension_numbers = #tpu.dot_dimension_numbers<[1], [0], [0], [1], [0, 0, 1, 1], [], []>, transpose_lhs_hint = false} : vector<10000x128xf32>, vector<128x128xf32>, vector<10000x128xf32> -> vector<10000x128xf32>
    %swap3A = arith.constant 0 : index
    %swap3A_27 = arith.constant 0 : index
    %swap3A_28 = vector.load %arg6[%swap3A, %swap3A_27] : memref<10000x128xf32, #tpu.memory_space<vmem>>, vector<10000x128xf32>
    tpu.vector_store %arg6[%swap3A, %swap3A_27], %dot_general3A_26 {strides = array<i32>} : memref<10000x128xf32, #tpu.memory_space<vmem>>, vector<10000x128xf32>,
    %get3A_29 = arith.constant 0 : index
    %get3A_30 = arith.constant 0 : index
    %get3A_31 = vector.load %arg4[%get3A_29, %get3A_30] : memref<128x128xf32, #tpu.memory_space<vmem>>, vector<128x128xf32>
    %dot_general3A_32 = arith.constant dense<0.000000e+00> : vector<10000x128xf32>
    %dot_general3A_33 = tpu.matmul %max3A_22, %get3A_31, %dot_general3A_32 {dimension_numbers = #tpu.dot_dimension_numbers<[1], [0], [0], [1], [0, 0, 1, 1], [], []>, transpose_lhs_hint = false} : vector<10000x128xf32>, vector<128x128xf32>, vector<10000x128xf32> -> vector<10000x128xf32>
    %get3A_34 = arith.constant 0 : index
    %get3A_35 = arith.constant 0 : index
    %get3A_36 = vector.load %arg5[%get3A_34, %get3A_35] : memref<1x128xf32, #tpu.memory_space<vmem>>, vector<1x128xf32>
    %add3A_37 = vector.broadcast %get3A_36 : vector<1x128xf32> to vector<10000x128xf32>
    %add3A_38 = arith.addf %dot_general3A_33, %add3A_37 : vector<10000x128xf32>
    %swap3A_39 = arith.constant 0 : index
    %swap3A_40 = arith.constant 0 : index
    %swap3A_41 = vector.load %arg7[%swap3A_39, %swap3A_40] : memref<10000x128xf32, #tpu.memory_space<vmem>>, vector<10000x128xf32>
    tpu.vector_store %arg7[%swap3A_39, %swap3A_40], %add3A_38 {strides = array<i32>} : memref<10000x128xf32, #tpu.memory_space<vmem>>, vector<10000x128xf32>,
    %swap3A_42 = arith.constant 0 : index
    %swap3A_43 = arith.constant 0 : index
    %swap3A_44 = vector.load %arg8[%swap3A_42, %swap3A_43] : memref<10000x1xf32, #tpu.memory_space<vmem>>, vector<10000x1xf32>
    tpu.vector_store %arg8[%swap3A_42, %swap3A_43], %max3A_14 {strides = array<i32>} : memref<10000x1xf32, #tpu.memory_space<vmem>>, vector<10000x1xf32>,
    return
  }
}

module attributes {stable_mosaic.version = 14 : i64} {
  func.func @_tc3_body(%arg0: memref<2x10008x128xf32, #tpu.memory_space<vmem>>, %arg1: memref<10000x1xf32, #tpu.memory_space<vmem>>, %arg2: memref<10000x128xf32, #tpu.memory_space<vmem>>, %arg3: memref<128x128xf32, #tpu.memory_space<vmem>>, %arg4: memref<1x128xf32, #tpu.memory_space<vmem>>, %arg5: memref<10000x128xf32, #tpu.memory_space<vmem>>) attributes {dimension_semantics = [], scalar_prefetch = 0 : i64, scratch_operands = 0 : i64, tpu.core_type = #tpu.core_type<tc>} {
    %get3A = arith.constant 0 : index
    %get3A_0 = arith.constant 0 : index
    %get3A_1 = arith.constant 0 : index
    %get3A_2 = vector.load %arg0[%get3A, %get3A_0, %get3A_1] : memref<2x10008x128xf32, #tpu.memory_space<vmem>>, vector<1x10000x128xf32>
    %get3A_3 = vector.shape_cast %get3A_2 : vector<1x10000x128xf32> to vector<10000x128xf32>
    %get3A_4 = arith.constant 1 : index
    %get3A_5 = arith.constant 0 : index
    %get3A_6 = arith.constant 0 : index
    %get3A_7 = vector.load %arg0[%get3A_4, %get3A_5, %get3A_6] : memref<2x10008x128xf32, #tpu.memory_space<vmem>>, vector<1x10000x128xf32>
    %get3A_8 = vector.shape_cast %get3A_7 : vector<1x10000x128xf32> to vector<10000x128xf32>
    %add3A = arith.addf %get3A_3, %get3A_8 : vector<10000x128xf32>
    %get3A_9 = arith.constant 0 : index
    %get3A_10 = arith.constant 0 : index
    %get3A_11 = vector.load %arg1[%get3A_9, %get3A_10] : memref<10000x1xf32, #tpu.memory_space<vmem>>, vector<10000x1xf32>
    %div3A = vector.broadcast %get3A_11 : vector<10000x1xf32> to vector<10000x128xf32>
    %div3A_12 = arith.divf %add3A, %div3A : vector<10000x128xf32>
    %get3A_13 = arith.constant 0 : index
    %get3A_14 = arith.constant 0 : index
    %get3A_15 = vector.load %arg2[%get3A_13, %get3A_14] : memref<10000x128xf32, #tpu.memory_space<vmem>>, vector<10000x128xf32>
    %add3A_16 = arith.addf %div3A_12, %get3A_15 : vector<10000x128xf32>
    %max3A = arith.constant 0.000000e+00 : f32
    %max3A_17 = vector.broadcast %max3A : f32 to vector<10000x128xf32>
    %max3A_18 = arith.maximumf %add3A_16, %max3A_17 : vector<10000x128xf32>
    %get3A_19 = arith.constant 0 : index
    %get3A_20 = arith.constant 0 : index
    %get3A_21 = vector.load %arg3[%get3A_19, %get3A_20] : memref<128x128xf32, #tpu.memory_space<vmem>>, vector<128x128xf32>
    %dot_general3A = arith.constant dense<0.000000e+00> : vector<10000x128xf32>
    %dot_general3A_22 = tpu.matmul %max3A_18, %get3A_21, %dot_general3A {dimension_numbers = #tpu.dot_dimension_numbers<[1], [0], [0], [1], [0, 0, 1, 1], [], []>, transpose_lhs_hint = false} : vector<10000x128xf32>, vector<128x128xf32>, vector<10000x128xf32> -> vector<10000x128xf32>
    %get3A_23 = arith.constant 0 : index
    %get3A_24 = arith.constant 0 : index
    %get3A_25 = vector.load %arg4[%get3A_23, %get3A_24] : memref<1x128xf32, #tpu.memory_space<vmem>>, vector<1x128xf32>
    %add3A_26 = vector.broadcast %get3A_25 : vector<1x128xf32> to vector<10000x128xf32>
    %add3A_27 = arith.addf %dot_general3A_22, %add3A_26 : vector<10000x128xf32>
    %logistic3A = arith.negf %add3A_27 : vector<10000x128xf32>
    %logistic3A_28 = math.exp %logistic3A : vector<10000x128xf32>
    %logistic3A_29 = arith.constant 1.000000e+00 : f32
    %logistic3A_30 = vector.broadcast %logistic3A_29 : f32 to vector<10000x128xf32>
    %logistic3A_31 = arith.addf %logistic3A_30, %logistic3A_28 : vector<10000x128xf32>
    %logistic3A_32 = arith.divf %logistic3A_30, %logistic3A_31 : vector<10000x128xf32>
    %swap3A = arith.constant 0 : index
    %swap3A_33 = arith.constant 0 : index
    %swap3A_34 = vector.load %arg5[%swap3A, %swap3A_33] : memref<10000x128xf32, #tpu.memory_space<vmem>>, vector<10000x128xf32>
    tpu.vector_store %arg5[%swap3A, %swap3A_33], %logistic3A_32 {strides = array<i32>} : memref<10000x128xf32, #tpu.memory_space<vmem>>, vector<10000x128xf32>,
    return
  }
}

</mosaic_0001>

<sc_bundles>
// kernel: kernel.10.cloned.1.call-start
scs
__scs_entry_jumppad:
0x0: {  	(pc) =	sbr.rel $0x88, $3  }
0x1: {  	(tag) =	ssettag $0x0;
	lr =	simm.s32 $0x1  }
0x2: {  	[smem:$0x3F97] =	sst lr;
	_ =	strace $0xD0000000  }
0x3: {  	_ = 	snop  }
0x4: {  	_ = 	snop  }
0x5: {  	_ = 	snop  }
0x6: {  	_ = 	snop  }
0x7: {  	_ = 	snop  }
__scs_overlays_trampoline_lowered:
0x8: {  	[smem:$0x3FA6] =	sst s0  }
0x9: {  	[smem:$0x3FA7] =	sst s1  }
0xa: {  	[smem:$0x3FA8] =	sst s2  }
0xb: {  	[smem:$0x3FA9] =	sst s3  }
0xc: {  	[smem:$0x3FAA] =	sst s4  }
0xd: {  	[smem:$0x3FAB] =	sst s5  }
0xe: {  	[smem:$0x3FAC] =	sst s6  }
0xf: {  	[smem:$0x3FAD] =	sst s7  }
0x10: {  	[smem:$0x3FAE] =	sst s8  }
0x11: {  	[smem:$0x3FAF] =	sst s9;
	s0 =	simm.s32 @!p0 $0x0  }
0x12: {  	s1 =	sld [smem:$0x3F95];
	s0 =	simm.s32 @p0 $0x1  }
0x13: {  	[smem:$0x3FB0] =	sst s0;
	s0 =	simm.s32 @!p1 $0x0  }
0x14: {  	s2 =	sld [smem:$0x3F94];
	s0 =	simm.s32 @p1 $0x1  }
0x15: {  	[smem:$0x3FB1] =	sst s0;
	s0 =	simm.s32 @!p2 $0x0  }
0x16: {  	s3 =	sld [smem:$0x3FDB];
	s0 =	simm.s32 @p2 $0x1  }
0x17: {  	s4 =	simm.s32 $0x1BF5;
	[smem:$0x3FB3] =	sst s0  }
0x18: {  	s0 =	sld [smem:$0x3F96];
	_ =	swait.ge [sflag:s4], $0x0  }
0x19: {  	s7 =	sld [smem:$0x3F97]  }
0x1a: {  	s8 =	sadd.s32 $0xFFFFE003, lr  }
0x1b: {  	s9 =	sadd.s32 $0xFFFFFEF7, lr;
	s5 =	simm.s32 $0xFFFFFFFF;
	p2 =	slt.u32 s8, $0xFFFFF086  }
0x1c: {  	p1 =	slt.u32 s9, $0xF7A;
	s5 =	simm.s32 @!p2 $0x0  }
0x1d: {  	s5 =	simm.s32 @p1 $0x1;
	p0 =	seq.s32 s7, s2  }
0x1e: {  	s7 =	smul.u32 @!p0 $0xF7A, s2;
	p2 =	seq.s32 @!p0 s5, $0x0  }
0x1f: {  	s9 =	smul.u32 $0xF7A, s1;
	s8 =	simm.s32 @!p0 $0x1BF5;
	p2 =	por !p2, p0  }
0x20: {  	[sflag:s8] =	ssyncset.s32 @!p0 $0xFFFFF086;
	s6 =	sadd.s32 @!p0 s3, s7;
	s7 =	simm.s32 @!p0 $0x108  }
0x21: {  	s3 =	sadd.s32 s3, s9;
	s6 =	sadd.s32 @!p0 $0x88, s6;
	s7 =	simm.s32 @p2 $0x1082  }
0x22: {  	[simem:s7], [sflag:s8] =	dma.local @!p0 [hbm:s6], $0xF7A  }
0x23: {  	s9 =	sor.u32 $0xD0000000, s2;
	s6 =	simm.s32 $0x108;
	_ =	swait.ge @!p0 [sflag:s8], $0x0  }
0x24: {  	s3 =	sadd.s32 $0x88, s3;
	s6 =	simm.s32 @!p1 $0x1082;
	[sflag:s4] =	ssyncset.s32 $0xFFFFF086  }
0x25: {  	[simem:s6], [sflag:s4] =	dma.local [hbm:s3], $0xF7A  }
0x26: {  	[smem:$0x3F97] =	sst s1;
	(tag) =	ssettag s2;
	_ =	strace s9  }
0x27: {  	s1 =	sld [smem:$0x3FA7]  }
0x28: {  	s2 =	sld [smem:$0x3FA8]  }
0x29: {  	s4 =	sld [smem:$0x3FAA]  }
0x2a: {  	p0 =	seq.s32 s5, $0x0;
	s5 =	sld [smem:$0x3FAB]  }
0x2b: {  	s6 =	sld [smem:$0x3FAC]  }
0x2c: {  	s7 =	sld [smem:$0x3FAD]  }
0x2d: {  	s3 =	simm.s32 $0x108;
	s8 =	sld [smem:$0x3FAE]  }
0x2e: {  	s3 =	simm.s32 @!p0 $0x1082;
	s9 =	sld [smem:$0x3FAF]  }
0x2f: {  	lr =	sadd.s32 s0, s3;
	s0 =	sld [smem:$0x3FA6]  }
0x30: {  	s3 =	sld [smem:$0x3FA9]  }
0x31: {  	[smem:$0x3FB2] =	sst s10  }
0x32: {  	s10 =	sld [smem:$0x3FB0];
	_ =	sdelay $0x3  }
0x33: {  	p0 =	seq.s32 s10, $0x1;
	s10 =	sld [smem:$0x3FB2];
	_ =	sdelay $0x3  }
0x34: {  	[smem:$0x3FB2] =	sst s10  }
0x35: {  	s10 =	sld [smem:$0x3FB1];
	_ =	sdelay $0x3  }
0x36: {  	p1 =	seq.s32 s10, $0x1;
	s10 =	sld [smem:$0x3FB2];
	_ =	sdelay $0x3  }
0x37: {  	[smem:$0x3FB2] =	sst s10  }
0x38: {  	s10 =	sld [smem:$0x3FB3]  }
0x39: {  	_ = 	snop;
	(pc) =	sbr.ind lr, $3  }
0x3a: {  	_ = 	snop  }
0x3b: {  	_ = 	snop  }
0x3c: {  	p2 =	seq.s32 s10, $0x1;
	s10 =	sld [smem:$0x3FB2]  }
0x3d: {  	_ =	shalt  }
0x3e: {  	_ =	shalt  }
0x3f: {  	_ =	shalt  }
0x40: {  	_ =	shalt  }
0x41: {  	_ =	shalt  }
0x42: {  	_ =	shalt  }
0x43: {  	_ =	shalt  }
0x44: {  	_ =	shalt  }
0x45: {  	_ =	shalt  }
0x46: {  	_ =	shalt  }
0x47: {  	_ =	shalt  }
0x48: {  	_ =	shalt  }
0x49: {  	_ =	shalt  }
0x4a: {  	_ =	shalt  }
0x4b: {  	_ =	shalt  }
0x4c: {  	_ =	shalt  }
0x4d: {  	_ =	shalt  }
0x4e: {  	_ =	shalt  }
0x4f: {  	_ =	shalt  }
0x50: {  	_ =	shalt  }
0x51: {  	_ =	shalt  }
0x52: {  	_ =	shalt  }
0x53: {  	_ =	shalt  }
0x54: {  	_ =	shalt  }
0x55: {  	_ =	shalt  }
0x56: {  	_ =	shalt  }
0x57: {  	_ =	shalt  }
0x58: {  	_ =	shalt  }
0x59: {  	_ =	shalt  }
0x5a: {  	_ =	shalt  }
0x5b: {  	_ =	shalt  }
0x5c: {  	_ =	shalt  }
0x5d: {  	_ =	shalt  }
0x5e: {  	_ =	shalt  }
0x5f: {  	_ =	shalt  }
0x60: {  	_ =	shalt  }
0x61: {  	_ =	shalt  }
0x62: {  	_ =	shalt  }
0x63: {  	_ =	shalt  }
0x64: {  	_ =	shalt  }
0x65: {  	_ =	shalt  }
0x66: {  	_ =	shalt  }
0x67: {  	_ =	shalt  }
0x68: {  	_ =	shalt  }
0x69: {  	_ =	shalt  }
0x6a: {  	_ =	shalt  }
0x6b: {  	_ =	shalt  }
0x6c: {  	_ =	shalt  }
0x6d: {  	_ =	shalt  }
0x6e: {  	_ =	shalt  }
0x6f: {  	_ =	shalt  }
0x70: {  	_ =	shalt  }
0x71: {  	_ =	shalt  }
0x72: {  	_ =	shalt  }
0x73: {  	_ =	shalt  }
0x74: {  	_ =	shalt  }
0x75: {  	_ =	shalt  }
0x76: {  	_ =	shalt  }
0x77: {  	_ =	shalt  }
0x78: {  	_ =	shalt  }
0x79: {  	_ =	shalt  }
0x7a: {  	_ =	shalt  }
0x7b: {  	_ =	shalt  }
0x7c: {  	_ =	shalt  }
0x7d: {  	_ =	shalt  }
0x7e: {  	_ =	shalt  }
0x7f: {  	_ =	shalt  }
0x80: {  	_ =	shalt  }
0x81: {  	_ =	shalt  }
0x82: {  	_ =	shalt  }
0x83: {  	_ =	shalt  }
0x84: {  	_ =	shalt  }
0x85: {  	_ =	shalt  }
0x86: {  	_ =	shalt  }
0x87: {  	_ =	shalt  }
.Lfunc_end0:
.L_simem_size_0:
called_computation.1_lowered:
.L_overlay_start_0:
0x88: {  	s2 =	sld [smem:$0x3FD9]  }
0x89: {  	s3 =	sld [smem:$0x3FFE];
	_ =	sdelay $0x1  }
0x8a: {  	s1 =	srdreg.scid  }
0x8b: {  	s0 =	sand.u32 $0x1, s1  }
0x8c: {  	s17 =	sshll.u32 s0, $0xA;
	s2 =	sadd.s32 s3, s2  }
0x8d: {  	s2 =	sadd.s32 s2, s17  }
0x8e: {  	[smem:$0x3FBE] =	sst s2  }
0x8f: {  	_ = 	snop  }
0x90: {  	s2 =	sld [smem:$0x3FD0];
	(tm) =	ssettm $0x1  }
0x91: {  	s18 =	sld [smem:$0x3FFB];
	_ =	sdelay $0x3  }
0x92: {  	_ =	strace s18  }
0x93: {  	s3 =	sld [smem:$0x3FFC];
	_ =	sdelay $0x3  }
0x94: {  	_ =	strace s3  }
0x95: {  	s3 =	sld [smem:$0x3FFD];
	_ =	sdelay $0x3  }
0x96: {  	_ =	strace s3  }
0x97: {  	_ =	strace $0x8FFFFFFF  }
0x98: {  	s19 =	sld [smem:$0x3FDB];
	_ =	sdelay $0x1  }
0x99: {  	s4 =	simm.s32 $_scs_section_size  }
0x9a: {  	s5 =	simm.s32 $_size__tile_overlayer_lowered;
	s6 =	simm.s32 $_tile_overlayer_lowered  }
0x9b: {  	s22 =	simm.s32 $0x1BFF;
	s21 =	sshll.u32 s6, $0x1;
	s3 =	sadd.s32 s4, s19  }
0x9c: {  	s7 =	simm.s32 $0x0;
	s20 =	sshll.u32 s5, $0x1;
	s5 =	sadd.s32 s21, s3  }
0x9d: {  	[timem:s7], [sflag:s22] =	dma.local [hbm:s5], s20  }
0x9e: {  	_ =	swait.ge [sflag:s22], s20  }
0x9f: {  	s4 =	ssub.s32 $0x0, s20;
	[sflag:s22] =	ssyncset.done $0x0  }
0xa0: {  	[sflag:s22] =	ssyncadd.s32 s4;
	_ =	sdelay $0x1  }
0xa1: {  	s23 =	simm.s32 $0x1B8B  }
0xa2: {  	_ =	swait.ge [sflag:s23], $0x1  }
0xa3: {  	[sflag:s23] =	ssyncset.done $0x0  }
0xa4: {  	s25 =	simm.s32 $0x1B8E;
	s24 =	sld [smem:$0x3FFE];
	[sflag:s23] =	ssyncadd.s32 $0xFFFFFFFF  }
0xa5: {  	s26 =	simm.s32 $execute0_lowered;
	[smem:$0x3FD2] =	sst s25  }
0xa6: {  	s5 =	sshll.u32 s26, $0x1;
	_ =	strace $0x80000049;
	[dreg:$0x1] =	wrdreg $0xFFFFFFFF  }
0xa7: {  	s28 =	simm.s32 $_size_execute0_lowered;
	s3 =	sadd.s32 s3, s5;
	[dreg:$0x0] =	wrdreg $0x0  }
0xa8: {  	s5 =	sshll.u32 s28, $0x1;
	[dreg:$0x2] =	wrdreg s3  }
0xa9: {  	[dreg:$0x3] =	wrdreg s5  }
0xaa: {  	[dreg:$0x4] =	wrdreg $0xC0  }
0xab: {  	_ =	task [dreg:s7], $0x5FFFF  }
0xac: {  	[dreg:$0x1] =	wrdreg $0xFFFFFFFF  }
0xad: {  	[dreg:$0x0] =	wrdreg $0x60  }
0xae: {  	[dreg:$0x2] =	wrdreg s2  }
0xaf: {  	[dreg:$0x3] =	wrdreg s24  }
0xb0: {  	[dreg:$0x4] =	wrdreg $0x90000  }
0xb1: {  	[dreg:$0x5] =	wrdreg $0x9  }
0xb2: {  	_ =	task.clear_ibuf [dreg:s7], $0x6FFFF;
	_ =	strace $0x90000049  }
0xb3: {  	s29 =	simm.s32 $0x9;
	_ =	strace $0x8000004B  }
0xb4: {  	_ =	swait.ge [sflag:s29], $0x1  }
0xb5: {  	[sflag:s29] =	ssyncadd.s32 $0xFFFFFFFF  }
0xb6: {  	_ =	strace $0x9000004B  }
0xb7: {  	_ =	sfence  }
0xb8: {  	s30 =	sld [smem:$0x0];
	_ =	sdelay $0x2  }
0xb9: {  	s31 =	sshll.u32 s1, $0xD;
	s1 =	sshrl.u32 s1, $0x2  }
0xba: {  	s3 =	sand.u32 $0x4000, s31;
	s1 =	sadd.s32 s1, s30  }
0xbb: {  	s0 =	sor.u32 s3, s0;
	s1 =	sshll.u32 s1, $0x11  }
0xbc: {  	s0 =	sor.u32 s1, s0  }
0xbd: {  	s0 =	sadd.s32 $0x8F2B, s0  }
0xbe: {  	[sflag:s0] =	ssyncadd.remote.s32 $0x1  }
0xbf: {  	_ =	sfence.sel $0xFFFF  }
0xc0: {  	[dreg:$0x0] =	wrdreg $0xFFFFFFFF;
	(pc) =	sbr.abs _section_cstart, $3  }
0xc1: {  	[dreg:$0x1] =	wrdreg $0xFFFFFFFF  }
0xc2: {  	_ =	task.clear_ibuf [dreg:s7], $0x2FFFF;
	_ =	strace $0x9FFFFFFF  }
0xc3: {  	(tm) =	ssettm $0x7FFFFFFF  }
tec
execute0_lowered:
.L_overlay_start_1:
0x0: {  	(tag) =	ssettag $0x1  }
0x1: {  	s1 =	rddreg [dreg:$0x0]  }
0x2: {  	s0 =	rddreg [dreg:$0x1]  }
0x3: {  	s3 =	rddreg [dreg:$0x2];
	s2 =	srdreg.scid  }
0x4: {  	s5 =	simm.s32 $0x0;
	s4 =	stileid.u32;
	s28 =	simm.s32 $0x7000  }
0x5: {  	s29 =	simm.s32 $0x3;
	s30 =	simm.s32 $0x6;
	s31 =	simm.s32 $0x4  }
0x6: {  	s2 =	sand.u32 $0x1, s2;
	[smem:$0x7FF] =	sst s5;
	s16 =	smul.u32 $0x13800, s4  }
0x7: {  	s7 =	sadd.s32 $0x2800, s0;
	s9 =	sadd.s32 $0x16800, s0;
	s12 =	smul.u32 $0x4E000, s4  }
0x8: {  	s13 =	sadd.s32 $0x52000, s0;
	s20 =	sshll.u32 s4, $0x6;
	s21 =	smul.u32 $0x5000, s4  }
0x9: {  	s15 =	sadd.s32 $0x138000, s3;
	p0 =	sne.s32 s4, $0xF;
	s6 =	sshll.u32 s2, $0x4  }
0xa: {  	_ =	strace $0x8000004A;
	s10 =	ssub.s32 $0x2, s2;
	s19 =	smul.u32 $0x138C00, s2  }
0xb: {  	s2 =	smul.u32 $0x50000, s2;
	s6 =	sor.u32 s4, s6;
	s8 =	sshrl.u32 s16, $0x3  }
0xc: {  	s11 =	sshrl.u32 s10, $0x1;
	s18 =	sshrl.u32 s12, $0x2;
	s6 =	smul.u32 $0x5000, s6  }
0xd: {  	s8 =	sadd.s32 s8, s0;
	s10 =	ssub.s32 s10, s11;
	s14 =	sadd.s32 s18, s3  }
0xe: {  	s0 =	sadd.s32 $0x51E00, s0;
	s22 =	sadd.s32 s16, s19;
	s23 =	sshrl.u32 s19, $0x3  }
0xf: {  	s2 =	sadd.s32 s21, s2;
	s18 =	sshrl.u32 @!p0 s15, $0x3;
	s19 =	simm.s32 $0x1  }
0x10: {  	s21 =	simm.s32 $0x1000;
	s15 =	simm.s32 $0x8;
	s8 =	sadd.s32 $0x2AE00, s8  }
0x11: {  	[dreg:$0x7] =	wrdreg s0;
	s0 =	sshrl.u32 s22, $0x3;
	s24 =	sadd.s32 s13, s23  }
0x12: {  	s2 =	sor.u32 $0x400, s2;
	s25 =	smax.u32 s10, $0x1;
	s16 =	sshrl.u32 s14, $0x3  }
0x13: {  	s23 =	simm.s32 $0x3000;
	s22 =	simm.s32 $0x9;
	[dreg:$0x6] =	wrdreg s8  }
0x14: {  	s6 =	sshrl.u32 s6, $0x3;
	s0 =	sadd.s32 s13, s0;
	[dreg:$0xa] =	wrdreg s25  }
0x15: {  	s8 =	sor.u32 $0x1C0A, s20;
	s17 =	sadd.s32 s7, s6;
	[dreg:$0x8] =	wrdreg s0  }
0x16: {  	s26 =	sshrl.u32 s2, $0x3;
	s6 =	sadd.s32 s9, s6;
	[dreg:$0x4] =	wrdreg s17  }
.Ltmp0:
0x17: {  	s0 =	sadd.s32 $0x27000, s24;
	[dreg:$0x5] =	wrdreg s6;
	(pc) =	sbr.rel .LBB2_1-.Ltmp0, $4  }
0x18: {  	s20 =	simm.s32 $0x40;
	s2 =	sadd.s32 s26, s9;
	[dreg:$0x9] =	wrdreg s0  }
0x19: {  	s25 =	simm.s32 $0x5000;
	s24 =	simm.s32 $0x0;
	[dreg:$0xb] =	wrdreg s2  }
0x1a: {  	s0 =	sadd.s32 s26, s7;
	s17 =	simm.s32 $0xA;
	s26 =	simm.s32 $0x2  }
0x1b: {  	s2 =	simm.s32 $0x5;
	[dreg:$0xc] =	wrdreg s0;
	s0 =	simm.s32 $0x7  }
.LBB2_4:
0x1c: {  	_ =	swait.ge [sflag:s30], $0x2000  }
0x1d: {  	[sflag:s30] =	ssyncset.done $0x0  }
0x1e: {  	[sflag:s30] =	ssyncadd.s32 $0xFFFFE000  }
0x1f: {  	_ =	swait.ge [sflag:s0], $0x2000  }
0x20: {  	[sflag:s0] =	ssyncset.done $0x0  }
0x21: {  	[sflag:s0] =	ssyncadd.s32 $0xFFFFE000  }
0x22: {  	_ =	swait.ge [sflag:s15], $0x2000  }
0x23: {  	[sflag:s15] =	ssyncset.done $0x0  }
0x24: {  	[sflag:s15] =	ssyncadd.s32 $0xFFFFE000  }
0x25: {  	_ =	swait.ge [sflag:s22], $0x2000  }
0x26: {  	[sflag:s22] =	ssyncset.done $0x0  }
0x27: {  	[sflag:s22] =	ssyncadd.s32 $0xFFFFE000  }
0x28: {  	[bflag:$0x0] =	sbarrier.arrive $0xFFFF  }
0x29: {  	s4 =	rddreg [dreg:$0x8]  }
0x2a: {  	[hbm:s4], [sflag:s8] =	dma.local [spmem:s16], $0x2700  }
0x2b: {  	_ =	swait.ge [sflag:s17], $0x2700  }
0x2c: {  	[sflag:s17] =	ssyncset.done $0x0  }
0x2d: {  	s4 =	rddreg [dreg:$0x9];
	[sflag:s17] =	ssyncadd.s32 $0xFFFFD900  }
0x2e: {  	[hbm:s4], [sflag:s8] =	dma.local @!p0 [spmem:s18], $0x180  }
0x2f: {  	s4 =	simm.s32 @!p0 $0xA  }
0x30: {  	_ =	swait.ge @!p0 [sflag:s4], $0x180  }
0x31: {  	s24 =	sadd.s32 $0x1, s24;
	s5 =	rddreg [dreg:$0xa]  }
0x32: {  	p1 =	sne.s32 s24, s5  }
.Ltmp1:
0x33: {  	_ = 	snop;
	(pc) =	sbr.rel @!p1 .LBB2_5-.Ltmp1, $3  }
0x34: {  	_ =	sdelay $0x1  }
0x35: {  	[sflag:s4] =	ssyncset.done @!p0 $0x0  }
0x36: {  	[sflag:s4] =	ssyncadd.s32 @!p0 $0xFFFFFE80  }
.LBB2_1:
0x37: {  	s5 =	rddreg [dreg:$0x4]  }
0x38: {  	s4 =	simm.s32 $0x0;
	s11 =	rddreg [dreg:$0x5]  }
0x39: {  	[tilespmem:s4], [sflag:$0x1] =	stream.linear.gather [hbm4b:s5+s4], $0x400, $0x38;
	[tilespmem:$0x1C8C0] =	vst v63  }
0x3a: {  	s6 =	simm.s32 $0x800;
	s12 =	rddreg [dreg:$0x6]  }
0x3b: {  	[tilespmem:s6], [sflag:$0x1] =	stream.linear.gather [hbm4b:s11+s4], $0x400, $0x38;
	[tilespmem:$0x1C8C0] =	vst v63  }
0x3c: {  	[spmem:s16], [sflag:s8] =	dma.local [hbm:s12], $0x2700  }
0x3d: {  	_ =	swait.ge [sflag:s17], $0x2700  }
0x3e: {  	[sflag:s17] =	ssyncset.done $0x0  }
0x3f: {  	s7 =	simm.s32 @!p0 $0xA;
	s5 =	rddreg [dreg:$0x7];
	[sflag:s17] =	ssyncadd.s32 $0xFFFFD900  }
0x40: {  	[spmem:s18], [sflag:s8] =	dma.local @!p0 [hbm:s5], $0x180  }
0x41: {  	_ =	swait.ge @!p0 [sflag:s7], $0x180  }
0x42: {  	[sflag:s7] =	ssyncset.done @!p0 $0x0  }
0x43: {  	[sflag:s7] =	ssyncadd.s32 @!p0 $0xFFFFFE80  }
0x44: {  	_ =	swait.ge [sflag:s19], $0x400  }
0x45: {  	[sflag:s19] =	ssyncset.done $0x0  }
0x46: {  	[sflag:s19] =	ssyncadd.s32 $0xFFFFFC00  }
0x47: {  	_ =	swait.ge [sflag:s19], $0x400  }
0x48: {  	[sflag:s19] =	ssyncset.done $0x0  }
0x49: {  	[sflag:s19] =	ssyncadd.s32 $0xFFFFFC00  }
0x4a: {  	[tilespmem:s21], [sflag:$0x2] =	stream.indirect.gather [hbm4b:s1+s20], $0x80, s4, s20, $0xb8;
	[tilespmem:$0x1C8C0] =	vst v63  }
0x4b: {  	s13 =	simm.s32 $0x80  }
0x4c: {  	[tilespmem:s23], [sflag:$0x3] =	stream.indirect.gather [hbm4b:s1+s20], $0x80, s13, s20, $0xb8;
	[tilespmem:$0x1C8C0] =	vst v63  }
0x4d: {  	s14 =	simm.s32 $0x100  }
0x4e: {  	[tilespmem:s25], [sflag:$0x4] =	stream.indirect.gather [hbm4b:s1+s20], $0x80, s14, s20, $0xb8;
	[tilespmem:$0x1C8C0] =	vst v63  }
0x4f: {  	[bflag:$0x0] =	sbarrier.arrive $0xFFFF  }
0x50: {  	s14 =	rddreg [dreg:$0xc]  }
0x51: {  	s7 =	simm.s32 $0x0;
	s13 =	rddreg [dreg:$0xb]  }
.LBB2_2:
0x52: {  	_ =	swait.ge [sflag:s26], $0x2000  }
0x53: {  	s9 =	sand.u32 $0x400, s7;
	[sflag:s26] =	ssyncset.done $0x0  }
0x54: {  	p1 =	seq.s32 s7, $0x0;
	s10 =	sor.u32 $0x800, s9;
	[sflag:s26] =	ssyncadd.s32 $0xFFFFE000  }
0x55: {  	[spmem:s3] =	stream.indirect.scatter.add.f32 [tilespmem:s21], [sflag:$0x6], $0x80, s10, s20, $0xb8;
	[tilespmem:$0x1C8C0] =	vst v63  }
0x56: {  	s10 =	simm.s32 @!p1 $0x9  }
0x57: {  	_ =	swait.ge @!p1 [sflag:s10], $0x2000  }
0x58: {  	[sflag:s10] =	ssyncset.done @!p1 $0x0  }
0x59: {  	s11 =	sor.u32 $0x180, s9;
	[sflag:s10] =	ssyncadd.s32 @!p1 $0xFFFFE000  }
0x5a: {  	[tilespmem:s28], [sflag:$0x5] =	stream.indirect.gather [hbm4b:s1+s20], $0x80, s11, s20, $0xb8;
	[tilespmem:$0x1C8C0] =	vst v63  }
0x5b: {  	_ =	swait.ge [sflag:s29], $0x2000  }
0x5c: {  	[sflag:s29] =	ssyncset.done $0x0  }
0x5d: {  	s6 =	sadd.s32 $0x880, s9;
	p1 =	seq.s32 s7, $0x4C00;
	[sflag:s29] =	ssyncadd.s32 $0xFFFFE000  }
0x5e: {  	[spmem:s3] =	stream.indirect.scatter.add.f32 [tilespmem:s23], [sflag:$0x7], $0x80, s6, s20, $0xb8;
	[tilespmem:$0x1C8C0] =	vst v63  }
0x5f: {  	s10 =	sxor.u32 @!p1 $0x400, s9;
	s12 =	simm.s32 @!p1 $0x0  }
0x60: {  	[tilespmem:s10], [sflag:$0x1] =	stream.linear.gather @!p1 [hbm4b:s14+s12], $0x400, $0x38;
	[tilespmem:$0x1C8C0] =	vst v63  }
0x61: {  	s6 =	sor.u32 @!p1 $0x800, s10  }
0x62: {  	[tilespmem:s6], [sflag:$0x1] =	stream.linear.gather @!p1 [hbm4b:s13+s12], $0x400, $0x38;
	[tilespmem:$0x1C8C0] =	vst v63  }
0x63: {  	_ =	swait.ge [sflag:s30], $0x2000  }
0x64: {  	[sflag:s30] =	ssyncset.done $0x0  }
0x65: {  	s12 =	sor.u32 $0x200, s9;
	[sflag:s30] =	ssyncadd.s32 $0xFFFFE000  }
0x66: {  	[tilespmem:s21], [sflag:$0x2] =	stream.indirect.gather [hbm4b:s1+s20], $0x80, s12, s20, $0xb8;
	[tilespmem:$0x1C8C0] =	vst v63  }
0x67: {  	_ =	swait.ge [sflag:s31], $0x2000  }
0x68: {  	[sflag:s31] =	ssyncset.done $0x0  }
0x69: {  	s4 =	sadd.s32 $0x900, s9;
	[sflag:s31] =	ssyncadd.s32 $0xFFFFE000  }
0x6a: {  	[spmem:s3] =	stream.indirect.scatter.add.f32 [tilespmem:s25], [sflag:$0x8], $0x80, s4, s20, $0xb8;
	[tilespmem:$0x1C8C0] =	vst v63  }
0x6b: {  	_ =	swait.ge [sflag:s0], $0x2000  }
0x6c: {  	[sflag:s0] =	ssyncset.done $0x0  }
0x6d: {  	s5 =	sor.u32 $0x280, s9;
	[sflag:s0] =	ssyncadd.s32 $0xFFFFE000  }
0x6e: {  	[tilespmem:s23], [sflag:$0x3] =	stream.indirect.gather [hbm4b:s1+s20], $0x80, s5, s20, $0xb8;
	[tilespmem:$0x1C8C0] =	vst v63  }
0x6f: {  	_ =	swait.ge [sflag:s2], $0x2000  }
0x70: {  	[sflag:s2] =	ssyncset.done $0x0  }
0x71: {  	s12 =	sor.u32 $0x800, s11;
	[sflag:s2] =	ssyncadd.s32 $0xFFFFE000  }
0x72: {  	[spmem:s3] =	stream.indirect.scatter.add.f32 [tilespmem:s28], [sflag:$0x9], $0x80, s12, s20, $0xb8;
	[tilespmem:$0x1C8C0] =	vst v63  }
0x73: {  	_ =	swait.ge [sflag:s15], $0x2000  }
0x74: {  	[sflag:s15] =	ssyncset.done $0x0  }
0x75: {  	s6 =	sor.u32 $0x300, s9;
	[sflag:s15] =	ssyncadd.s32 $0xFFFFE000  }
0x76: {  	[tilespmem:s25], [sflag:$0x4] =	stream.indirect.gather [hbm4b:s1+s20], $0x80, s6, s20, $0xb8;
	[tilespmem:$0x1C8C0] =	vst v63  }
0x77: {  	_ =	swait.ge [sflag:s26], $0x2000  }
0x78: {  	[sflag:s26] =	ssyncset.done $0x0  }
0x79: {  	s4 =	sor.u32 $0xA00, s9;
	[sflag:s26] =	ssyncadd.s32 $0xFFFFE000  }
0x7a: {  	[spmem:s3] =	stream.indirect.scatter.add.f32 [tilespmem:s21], [sflag:$0x6], $0x80, s4, s20, $0xb8;
	[tilespmem:$0x1C8C0] =	vst v63  }
0x7b: {  	_ =	swait.ge [sflag:s22], $0x2000  }
0x7c: {  	[sflag:s22] =	ssyncset.done $0x0  }
0x7d: {  	s11 =	sor.u32 $0x380, s9;
	[sflag:s22] =	ssyncadd.s32 $0xFFFFE000  }
0x7e: {  	[tilespmem:s28], [sflag:$0x5] =	stream.indirect.gather [hbm4b:s1+s20], $0x80, s11, s20, $0xb8;
	[tilespmem:$0x1C8C0] =	vst v63  }
0x7f: {  	_ =	swait.ge [sflag:s29], $0x2000  }
0x80: {  	[sflag:s29] =	ssyncset.done $0x0  }
0x81: {  	s5 =	sor.u32 $0xA80, s9;
	s12 =	simm.s32 @p1 $0x4;
	[sflag:s29] =	ssyncadd.s32 $0xFFFFE000  }
0x82: {  	[spmem:s3] =	stream.indirect.scatter.add.f32 [tilespmem:s23], [sflag:$0x7], $0x80, s5, s20, $0xb8;
	[tilespmem:$0x1C8C0] =	vst v63  }
0x83: {  	_ =	swait.ge @p1 [sflag:s12], $0x2000  }
0x84: {  	s4 =	simm.s32 @p1 $0x5000;
	[sflag:s12] =	ssyncset.done @p1 $0x0  }
0x85: {  	s5 =	simm.s32 @p1 $0x40;
	[sflag:s12] =	ssyncadd.s32 @p1 $0xFFFFE000;
	s12 =	sor.u32 @p1 $0x800, s6  }
0x86: {  	[spmem:s3] =	stream.indirect.scatter.add.f32 @p1 [tilespmem:s4], [sflag:$0x8], $0x80, s12, s5, $0xb8;
	[tilespmem:$0x1C8C0] =	vst v63  }
0x87: {  	s4 =	simm.s32 @!p1 $0x1  }
0x88: {  	_ =	swait.ge @!p1 [sflag:s4], $0x400  }
0x89: {  	[sflag:s4] =	ssyncset.done @!p1 $0x0  }
0x8a: {  	[sflag:s4] =	ssyncadd.s32 @!p1 $0xFFFFFC00  }
0x8b: {  	_ =	swait.ge @!p1 [sflag:s4], $0x400  }
0x8c: {  	[sflag:s4] =	ssyncset.done @!p1 $0x0  }
0x8d: {  	[sflag:s4] =	ssyncadd.s32 @!p1 $0xFFFFFC00;
	s4 =	simm.s32 @!p1 $0x6  }
0x8e: {  	_ =	swait.ge @!p1 [sflag:s4], $0x2000  }
0x8f: {  	[sflag:s4] =	ssyncset.done @!p1 $0x0  }
0x90: {  	s5 =	simm.s32 @!p1 $0x1000;
	[sflag:s4] =	ssyncadd.s32 @!p1 $0xFFFFE000;
	s4 =	simm.s32 @!p1 $0x40  }
0x91: {  	[tilespmem:s5], [sflag:$0x2] =	stream.indirect.gather @!p1 [hbm4b:s1+s4], $0x80, s10, s4, $0xb8;
	[tilespmem:$0x1C8C0] =	vst v63  }
0x92: {  	s5 =	simm.s32 @!p1 $0x4  }
0x93: {  	_ =	swait.ge @!p1 [sflag:s5], $0x2000  }
0x94: {  	[sflag:s5] =	ssyncset.done @!p1 $0x0  }
0x95: {  	[sflag:s5] =	ssyncadd.s32 @!p1 $0xFFFFE000;
	s5 =	sor.u32 @!p1 $0x800, s6;
	s6 =	simm.s32 @!p1 $0x5000  }
0x96: {  	[spmem:s3] =	stream.indirect.scatter.add.f32 @!p1 [tilespmem:s6], [sflag:$0x8], $0x80, s5, s4, $0xb8;
	[tilespmem:$0x1C8C0] =	vst v63  }
0x97: {  	s5 =	simm.s32 @!p1 $0x7  }
0x98: {  	_ =	swait.ge @!p1 [sflag:s5], $0x2000  }
0x99: {  	[sflag:s5] =	ssyncset.done @!p1 $0x0  }
0x9a: {  	s6 =	simm.s32 @!p1 $0x3000;
	[sflag:s5] =	ssyncadd.s32 @!p1 $0xFFFFE000;
	s5 =	ssub.s32 @!p1 $0x480, s9  }
0x9b: {  	[tilespmem:s6], [sflag:$0x3] =	stream.indirect.gather @!p1 [hbm4b:s1+s4], $0x80, s5, s4, $0xb8;
	[tilespmem:$0x1C8C0] =	vst v63  }
.Ltmp2:
0x9c: {  	_ = 	snop;
	(pc) =	sbr.rel @p1 .LBB2_4-.Ltmp2, $4  }
0x9d: {  	_ =	swait.ge [sflag:s2], $0x2000  }
0x9e: {  	[sflag:s2] =	ssyncset.done $0x0  }
0x9f: {  	s12 =	sor.u32 $0x800, s11;
	[sflag:s2] =	ssyncadd.s32 $0xFFFFE000  }
0xa0: {  	[spmem:s3] =	stream.indirect.scatter.add.f32 [tilespmem:s28], [sflag:$0x9], $0x80, s12, s20, $0xb8;
	[tilespmem:$0x1C8C0] =	vst v63  }
.Ltmp3:
0xa1: {  	(pc) =	sbr.rel .LBB2_2-.Ltmp3, $4  }
0xa2: {  	_ =	swait.ge [sflag:s15], $0x2000  }
0xa3: {  	s4 =	ssub.s32 $0x500, s9;
	s7 =	sadd.s32 $0x400, s7;
	[sflag:s15] =	ssyncset.done $0x0  }
0xa4: {  	s13 =	sadd.s32 $0x80, s13;
	s14 =	sadd.s32 $0x80, s14;
	[sflag:s15] =	ssyncadd.s32 $0xFFFFE000  }
0xa5: {  	[tilespmem:s25], [sflag:$0x4] =	stream.indirect.gather [hbm4b:s1+s20], $0x80, s4, s20, $0xb8;
	[tilespmem:$0x1C8C0] =	vst v63  }
.LBB2_5:
0xa6: {  	_ =	sfence.sel $0x180000  }
0xa7: {  	[bflag:$0x0] =	sbarrier.arrive $0xFFFF  }
0xa8: {  	_ =	strace $0x9000004A  }
0xa9: {  	s0 =	stileid.u32;
	[bflag:$0x2] =	sbarrier.arrive $0xFFFF  }
0xaa: {  	p0 =	sne.s32 s0, $0x0;
	s0 =	rddreg [dreg:$0x3]  }
0xab: {  	s0 =	sadd.s32 @!p0 $0x100000, s0  }
0xac: {  	[sflag:s0] =	ssyncadd.tile.s32 @!p0 $0x1;
	_ =	shalt  }
.Lfunc_end2:
_tile_overlayer_lowered:
.L_overlay_start_2:
0xad: {  	(tag) =	ssettag $0x2  }
0xae: {  	s0 =	rddreg [dreg:$0x0];
	s2 =	stileid.u32  }
0xaf: {  	s1 =	rddreg [dreg:$0x1];
	p0 =	sne.s32 s2, $0x0  }
0xb0: {  	s3 =	rddreg [dreg:$0x2];
	[bflag:$0x3] =	sbarrier.arrive $0xFFFF;
	s2 =	simm.s32 @!p0 $0x1C0A  }
0xb1: {  	[timem:s3], [sflag:s2] =	dma.local @!p0 [hbm:s0], s1  }
0xb2: {  	s0 =	simm.s32 @!p0 $0xA  }
0xb3: {  	_ =	swait.ge @!p0 [sflag:s0], s1  }
0xb4: {  	s1 =	ssub.s32 @!p0 $0x0, s1;
	[sflag:s0] =	ssyncset.done @!p0 $0x0  }
0xb5: {  	[sflag:s0] =	ssyncadd.s32 @!p0 s1  }
0xb6: {  	[bflag:$0x3] =	sbarrier.arrive $0xFFFF  }
0xb7: {  	_ =	shalt  }

// kernel: kernel.7.cloned.1.call-start
scs
__scs_entry_jumppad:
0x0: {  	(pc) =	sbr.rel $0x88, $3  }
0x1: {  	(tag) =	ssettag $0x0;
	lr =	simm.s32 $0x1  }
0x2: {  	[smem:$0x3F97] =	sst lr;
	_ =	strace $0xD0000000  }
0x3: {  	_ = 	snop  }
0x4: {  	_ = 	snop  }
0x5: {  	_ = 	snop  }
0x6: {  	_ = 	snop  }
0x7: {  	_ = 	snop  }
__scs_overlays_trampoline_lowered:
0x8: {  	[smem:$0x3FA6] =	sst s0  }
0x9: {  	[smem:$0x3FA7] =	sst s1  }
0xa: {  	[smem:$0x3FA8] =	sst s2  }
0xb: {  	[smem:$0x3FA9] =	sst s3  }
0xc: {  	[smem:$0x3FAA] =	sst s4  }
0xd: {  	[smem:$0x3FAB] =	sst s5  }
0xe: {  	[smem:$0x3FAC] =	sst s6  }
0xf: {  	[smem:$0x3FAD] =	sst s7  }
0x10: {  	[smem:$0x3FAE] =	sst s8  }
0x11: {  	[smem:$0x3FAF] =	sst s9;
	s0 =	simm.s32 @!p0 $0x0  }
0x12: {  	s1 =	sld [smem:$0x3F95];
	s0 =	simm.s32 @p0 $0x1  }
0x13: {  	[smem:$0x3FB0] =	sst s0;
	s0 =	simm.s32 @!p1 $0x0  }
0x14: {  	s2 =	sld [smem:$0x3F94];
	s0 =	simm.s32 @p1 $0x1  }
0x15: {  	[smem:$0x3FB1] =	sst s0;
	s0 =	simm.s32 @!p2 $0x0  }
0x16: {  	s3 =	sld [smem:$0x3FDB];
	s0 =	simm.s32 @p2 $0x1  }
0x17: {  	s4 =	simm.s32 $0x1BF5;
	[smem:$0x3FB3] =	sst s0  }
0x18: {  	s0 =	sld [smem:$0x3F96];
	_ =	swait.ge [sflag:s4], $0x0  }
0x19: {  	s7 =	sld [smem:$0x3F97]  }
0x1a: {  	s8 =	sadd.s32 $0xFFFFE003, lr  }
0x1b: {  	s9 =	sadd.s32 $0xFFFFFEF7, lr;
	s5 =	simm.s32 $0xFFFFFFFF;
	p2 =	slt.u32 s8, $0xFFFFF086  }
0x1c: {  	p1 =	slt.u32 s9, $0xF7A;
	s5 =	simm.s32 @!p2 $0x0  }
0x1d: {  	s5 =	simm.s32 @p1 $0x1;
	p0 =	seq.s32 s7, s2  }
0x1e: {  	s7 =	smul.u32 @!p0 $0xF7A, s2;
	p2 =	seq.s32 @!p0 s5, $0x0  }
0x1f: {  	s9 =	smul.u32 $0xF7A, s1;
	s8 =	simm.s32 @!p0 $0x1BF5;
	p2 =	por !p2, p0  }
0x20: {  	[sflag:s8] =	ssyncset.s32 @!p0 $0xFFFFF086;
	s6 =	sadd.s32 @!p0 s3, s7;
	s7 =	simm.s32 @!p0 $0x108  }
0x21: {  	s3 =	sadd.s32 s3, s9;
	s6 =	sadd.s32 @!p0 $0x88, s6;
	s7 =	simm.s32 @p2 $0x1082  }
0x22: {  	[simem:s7], [sflag:s8] =	dma.local @!p0 [hbm:s6], $0xF7A  }
0x23: {  	s9 =	sor.u32 $0xD0000000, s2;
	s6 =	simm.s32 $0x108;
	_ =	swait.ge @!p0 [sflag:s8], $0x0  }
0x24: {  	s3 =	sadd.s32 $0x88, s3;
	s6 =	simm.s32 @!p1 $0x1082;
	[sflag:s4] =	ssyncset.s32 $0xFFFFF086  }
0x25: {  	[simem:s6], [sflag:s4] =	dma.local [hbm:s3], $0xF7A  }
0x26: {  	[smem:$0x3F97] =	sst s1;
	(tag) =	ssettag s2;
	_ =	strace s9  }
0x27: {  	s1 =	sld [smem:$0x3FA7]  }
0x28: {  	s2 =	sld [smem:$0x3FA8]  }
0x29: {  	s4 =	sld [smem:$0x3FAA]  }
0x2a: {  	p0 =	seq.s32 s5, $0x0;
	s5 =	sld [smem:$0x3FAB]  }
0x2b: {  	s6 =	sld [smem:$0x3FAC]  }
0x2c: {  	s7 =	sld [smem:$0x3FAD]  }
0x2d: {  	s3 =	simm.s32 $0x108;
	s8 =	sld [smem:$0x3FAE]  }
0x2e: {  	s3 =	simm.s32 @!p0 $0x1082;
	s9 =	sld [smem:$0x3FAF]  }
0x2f: {  	lr =	sadd.s32 s0, s3;
	s0 =	sld [smem:$0x3FA6]  }
0x30: {  	s3 =	sld [smem:$0x3FA9]  }
0x31: {  	[smem:$0x3FB2] =	sst s10  }
0x32: {  	s10 =	sld [smem:$0x3FB0];
	_ =	sdelay $0x3  }
0x33: {  	p0 =	seq.s32 s10, $0x1;
	s10 =	sld [smem:$0x3FB2];
	_ =	sdelay $0x3  }
0x34: {  	[smem:$0x3FB2] =	sst s10  }
0x35: {  	s10 =	sld [smem:$0x3FB1];
	_ =	sdelay $0x3  }
0x36: {  	p1 =	seq.s32 s10, $0x1;
	s10 =	sld [smem:$0x3FB2];
	_ =	sdelay $0x3  }
0x37: {  	[smem:$0x3FB2] =	sst s10  }
0x38: {  	s10 =	sld [smem:$0x3FB3]  }
0x39: {  	_ = 	snop;
	(pc) =	sbr.ind lr, $3  }
0x3a: {  	_ = 	snop  }
0x3b: {  	_ = 	snop  }
0x3c: {  	p2 =	seq.s32 s10, $0x1;
	s10 =	sld [smem:$0x3FB2]  }
0x3d: {  	_ =	shalt  }
0x3e: {  	_ =	shalt  }
0x3f: {  	_ =	shalt  }
0x40: {  	_ =	shalt  }
0x41: {  	_ =	shalt  }
0x42: {  	_ =	shalt  }
0x43: {  	_ =	shalt  }
0x44: {  	_ =	shalt  }
0x45: {  	_ =	shalt  }
0x46: {  	_ =	shalt  }
0x47: {  	_ =	shalt  }
0x48: {  	_ =	shalt  }
0x49: {  	_ =	shalt  }
0x4a: {  	_ =	shalt  }
0x4b: {  	_ =	shalt  }
0x4c: {  	_ =	shalt  }
0x4d: {  	_ =	shalt  }
0x4e: {  	_ =	shalt  }
0x4f: {  	_ =	shalt  }
0x50: {  	_ =	shalt  }
0x51: {  	_ =	shalt  }
0x52: {  	_ =	shalt  }
0x53: {  	_ =	shalt  }
0x54: {  	_ =	shalt  }
0x55: {  	_ =	shalt  }
0x56: {  	_ =	shalt  }
0x57: {  	_ =	shalt  }
0x58: {  	_ =	shalt  }
0x59: {  	_ =	shalt  }
0x5a: {  	_ =	shalt  }
0x5b: {  	_ =	shalt  }
0x5c: {  	_ =	shalt  }
0x5d: {  	_ =	shalt  }
0x5e: {  	_ =	shalt  }
0x5f: {  	_ =	shalt  }
0x60: {  	_ =	shalt  }
0x61: {  	_ =	shalt  }
0x62: {  	_ =	shalt  }
0x63: {  	_ =	shalt  }
0x64: {  	_ =	shalt  }
0x65: {  	_ =	shalt  }
0x66: {  	_ =	shalt  }
0x67: {  	_ =	shalt  }
0x68: {  	_ =	shalt  }
0x69: {  	_ =	shalt  }
0x6a: {  	_ =	shalt  }
0x6b: {  	_ =	shalt  }
0x6c: {  	_ =	shalt  }
0x6d: {  	_ =	shalt  }
0x6e: {  	_ =	shalt  }
0x6f: {  	_ =	shalt  }
0x70: {  	_ =	shalt  }
0x71: {  	_ =	shalt  }
0x72: {  	_ =	shalt  }
0x73: {  	_ =	shalt  }
0x74: {  	_ =	shalt  }
0x75: {  	_ =	shalt  }
0x76: {  	_ =	shalt  }
0x77: {  	_ =	shalt  }
0x78: {  	_ =	shalt  }
0x79: {  	_ =	shalt  }
0x7a: {  	_ =	shalt  }
0x7b: {  	_ =	shalt  }
0x7c: {  	_ =	shalt  }
0x7d: {  	_ =	shalt  }
0x7e: {  	_ =	shalt  }
0x7f: {  	_ =	shalt  }
0x80: {  	_ =	shalt  }
0x81: {  	_ =	shalt  }
0x82: {  	_ =	shalt  }
0x83: {  	_ =	shalt  }
0x84: {  	_ =	shalt  }
0x85: {  	_ =	shalt  }
0x86: {  	_ =	shalt  }
0x87: {  	_ =	shalt  }
.Lfunc_end0:
.L_simem_size_0:
called_computation_lowered:
.L_overlay_start_0:
0x88: {  	s2 =	sld [smem:$0x3FD9]  }
0x89: {  	s3 =	sld [smem:$0x3FFE];
	_ =	sdelay $0x1  }
0x8a: {  	s1 =	srdreg.scid  }
0x8b: {  	s0 =	sand.u32 $0x1, s1  }
0x8c: {  	s17 =	sshll.u32 s0, $0xA;
	s2 =	sadd.s32 s3, s2  }
0x8d: {  	s2 =	sadd.s32 s2, s17  }
0x8e: {  	[smem:$0x3FBE] =	sst s2  }
0x8f: {  	_ = 	snop  }
0x90: {  	s2 =	sld [smem:$0x3FD0];
	(tm) =	ssettm $0x1  }
0x91: {  	s18 =	sld [smem:$0x3FFB];
	_ =	sdelay $0x3  }
0x92: {  	_ =	strace s18  }
0x93: {  	s3 =	sld [smem:$0x3FFC];
	_ =	sdelay $0x3  }
0x94: {  	_ =	strace s3  }
0x95: {  	s3 =	sld [smem:$0x3FFD];
	_ =	sdelay $0x3  }
0x96: {  	_ =	strace s3  }
0x97: {  	_ =	strace $0x8FFFFFFF  }
0x98: {  	s19 =	sld [smem:$0x3FDB];
	_ =	sdelay $0x1  }
0x99: {  	s4 =	simm.s32 $_scs_section_size  }
0x9a: {  	s5 =	simm.s32 $_size__tile_overlayer_lowered;
	s6 =	simm.s32 $_tile_overlayer_lowered  }
0x9b: {  	s22 =	simm.s32 $0x1BFF;
	s21 =	sshll.u32 s6, $0x1;
	s3 =	sadd.s32 s4, s19  }
0x9c: {  	s7 =	simm.s32 $0x0;
	s20 =	sshll.u32 s5, $0x1;
	s5 =	sadd.s32 s21, s3  }
0x9d: {  	[timem:s7], [sflag:s22] =	dma.local [hbm:s5], s20  }
0x9e: {  	_ =	swait.ge [sflag:s22], s20  }
0x9f: {  	s4 =	ssub.s32 $0x0, s20;
	[sflag:s22] =	ssyncset.done $0x0  }
0xa0: {  	[sflag:s22] =	ssyncadd.s32 s4;
	_ =	sdelay $0x1  }
0xa1: {  	s23 =	simm.s32 $0x1B8B  }
0xa2: {  	_ =	swait.ge [sflag:s23], $0x1  }
0xa3: {  	[sflag:s23] =	ssyncset.done $0x0  }
0xa4: {  	s25 =	simm.s32 $0x1B8E;
	s24 =	sld [smem:$0x3FFE];
	[sflag:s23] =	ssyncadd.s32 $0xFFFFFFFF  }
0xa5: {  	s26 =	simm.s32 $execute0_lowered;
	[smem:$0x3FD2] =	sst s25  }
0xa6: {  	s5 =	sshll.u32 s26, $0x1;
	_ =	strace $0x80000046;
	[dreg:$0x1] =	wrdreg $0xFFFFFFFF  }
0xa7: {  	s28 =	simm.s32 $_size_execute0_lowered;
	s3 =	sadd.s32 s3, s5;
	[dreg:$0x0] =	wrdreg $0x0  }
0xa8: {  	s5 =	sshll.u32 s28, $0x1;
	[dreg:$0x2] =	wrdreg s3  }
0xa9: {  	[dreg:$0x3] =	wrdreg s5  }
0xaa: {  	[dreg:$0x4] =	wrdreg $0xC0  }
0xab: {  	_ =	task [dreg:s7], $0x5FFFF  }
0xac: {  	[dreg:$0x1] =	wrdreg $0xFFFFFFFF  }
0xad: {  	[dreg:$0x0] =	wrdreg $0x60  }
0xae: {  	[dreg:$0x2] =	wrdreg s2  }
0xaf: {  	[dreg:$0x3] =	wrdreg s24  }
0xb0: {  	[dreg:$0x4] =	wrdreg $0x90000  }
0xb1: {  	[dreg:$0x5] =	wrdreg $0x9  }
0xb2: {  	_ =	task.clear_ibuf [dreg:s7], $0x6FFFF;
	_ =	strace $0x90000046  }
0xb3: {  	s29 =	simm.s32 $0x9;
	_ =	strace $0x80000048  }
0xb4: {  	_ =	swait.ge [sflag:s29], $0x1  }
0xb5: {  	[sflag:s29] =	ssyncadd.s32 $0xFFFFFFFF  }
0xb6: {  	_ =	strace $0x90000048  }
0xb7: {  	_ =	sfence  }
0xb8: {  	s30 =	sld [smem:$0x0];
	_ =	sdelay $0x2  }
0xb9: {  	s31 =	sshll.u32 s1, $0xD;
	s1 =	sshrl.u32 s1, $0x2  }
0xba: {  	s3 =	sand.u32 $0x4000, s31;
	s1 =	sadd.s32 s1, s30  }
0xbb: {  	s0 =	sor.u32 s3, s0;
	s1 =	sshll.u32 s1, $0x11  }
0xbc: {  	s0 =	sor.u32 s1, s0  }
0xbd: {  	s0 =	sadd.s32 $0x8F2B, s0  }
0xbe: {  	[sflag:s0] =	ssyncadd.remote.s32 $0x1  }
0xbf: {  	_ =	sfence.sel $0xFFFF  }
0xc0: {  	[dreg:$0x0] =	wrdreg $0xFFFFFFFF;
	(pc) =	sbr.abs _section_cstart, $3  }
0xc1: {  	[dreg:$0x1] =	wrdreg $0xFFFFFFFF  }
0xc2: {  	_ =	task.clear_ibuf [dreg:s7], $0x2FFFF;
	_ =	strace $0x9FFFFFFF  }
0xc3: {  	(tm) =	ssettm $0x7FFFFFFF  }
tec
execute0_lowered:
.L_overlay_start_1:
0x0: {  	(tag) =	ssettag $0x1  }
0x1: {  	v2 =	vimm.s32 $0x10FEDCBA  }
0x2: {  	v3 =	vimm.s32 $0x98765432;
	v2 =	vunpack.c.l.s4.s8 v2  }
0x3: {  	v3 =	vunpack.c.l.s4.s8 v3  }
0x4: {  	v10 =	vunpack.c.0.s8.s32 v2  }
0x5: {  	v11 =	vunpack.c.0.s8.s32 v3;
	v2 =	vimm.s32 $0x210FEDCB;
	v3 =	vimm.s32 $0xA9876543  }
0x6: {  	v2 =	vunpack.c.l.s4.s8 v2;
	v3 =	vunpack.c.l.s4.s8 v3  }
0x7: {  	v4 =	vimm.s32 $0xBA987654  }
0x8: {  	v12 =	vunpack.c.0.s8.s32 v2;
	v2 =	vimm.s32 $0x3210FEDC;
	v13 =	vunpack.c.0.s8.s32 v3  }
0x9: {  	v4 =	vunpack.c.l.s4.s8 v4;
	v3 =	vunpack.c.l.s4.s8 v2  }
0xa: {  	v6 =	vimm.s32 $0xCBA98765;
	v5 =	vcombine.low v13, v12  }
0xb: {  	v15 =	vunpack.c.0.s8.s32 v4;
	v14 =	vunpack.c.0.s8.s32 v3;
	v3 =	vimm.s32 $0x43210FED  }
0xc: {  	v4 =	vunpack.c.l.s4.s8 v3;
	v3 =	vand.u32 $0xF, v5;
	v5 =	vunpack.c.l.s4.s8 v6  }
0xd: {  	v0 =	vimm.s32 $0xFEDCBA9;
	v7 =	vimm.s32 $0xDCBA9876;
	v6 =	vcombine.low v15, v14  }
0xe: {  	v16 =	vunpack.c.0.s8.s32 v4;
	v4 =	vimm.s32 $0x543210FE;
	v17 =	vunpack.c.0.s8.s32 v5  }
0xf: {  	v5 =	vunpack.c.l.s4.s8 v4;
	v4 =	vand.u32 $0xF, v6;
	v6 =	vunpack.c.l.s4.s8 v7  }
0x10: {  	v1 =	vimm.s32 $0x87654321;
	v22 =	vimm.s32 $0x76543210;
	vm0 =	vmmov $0x3ff  }
0x11: {  	v24 =	vimm.s32 $0x0;
	v19 =	vunpack.c.0.s8.s32 v6;
	v6 =	vimm.s32 $0xEDCBA987  }
0x12: {  	v61 =	vimm.s32 $0x0;
	v62 =	vimm.s32 $0x0;
	v6 =	vunpack.c.l.s4.s8 v6  }
0x13: {  	s0 =	rddreg [dreg:$0x0];
	v0 =	vunpack.c.l.s4.s8 v0;
	v1 =	vunpack.c.l.s4.s8 v1;
	v24 =	vsel vm0, $0xFFFFFFFF, v24  }
0x14: {  	s1 =	rddreg [dreg:$0x1];
	s25 =	simm.s32 $0x0;
	vm0 =	vmmov $0x1ff;
	v21 =	vunpack.c.0.s8.s32 v6;
	v6 =	vimm.s32 $0xFEDCBA98  }
0x15: {  	[smem:$0x7FF] =	sst s25;
	v8 =	vunpack.c.0.s8.s32 v0;
	v9 =	vunpack.c.0.s8.s32 v1;
	v23 =	vunpack.c.l.s4.s8 v6  }
0x16: {  	s2 =	rddreg [dreg:$0x2];
	s3 =	srdreg.scid;
	v63 =	vimm.s32 $0x2;
	v22 =	vunpack.c.l.s4.s8 v22;
	_ =	strace $0x80000047;
	[tilespmem:$0x1FF30] =	vst v24;
	v24 =	vsel vm0, $0xFFFFFFFF, v61  }
0x17: {  	s4 =	stileid.u32;
	s28 =	simm.s32 $0x3000;
	s30 =	simm.s32 $0x5000;
	vm0 =	vmmov $0xff;
	v0 =	vcombine.low v9, v8;
	v23 =	vunpack.c.0.s8.s32 v23  }
0x18: {  	s31 =	simm.s32 $0x2;
	s29 =	simm.s32 $0x4;
	s7 =	sand.u32 $0x1, s3;
	v22 =	vunpack.c.0.s8.s32 v22;
	v1 =	vcombine.low v11, v10;
	v9 =	vcombine.low v8, v9  }
0x19: {  	s26 =	smul.u32 $0x13800, s4;
	s11 =	sshll.u32 s4, $0x7;
	s12 =	sadd.s32 $0x2A800, s1;
	v11 =	vcombine.low v10, v11;
	v12 =	vcombine.low v12, v13;
	v23 =	vand.u32 $0xF, v23  }
0x1a: {  	s17 =	smul.u32 $0x4E000, s4;
	s13 =	sadd.s32 $0x5BE00, s1;
	s20 =	sshll.u32 s4, $0x6;
	v8 =	vcombine.low v23, v22;
	v22 =	vsel vm0, $0xFFFFFFFF, v62;
	vm0 =	vcmask $0x3B00  }
0x1b: {  	s21 =	sadd.s32 $0x138000, s2;
	p0 =	sne.s32 s4, $0xF;
	s5 =	sshll.u32 s7, $0x4;
	v13 =	vimm.s32 $0x0;
	v10 =	vsel vm0, $0x1, v63;
	vm0 =	vmmov $0x7f  }
0x1c: {  	s11 =	sand.u32 $0x380, s11;
	[dreg:$0x4] =	wrdreg s12;
	s16 =	ssub.s32 $0x2, s7;
	v7 =	vcombine.low v17, v16;
	v13 =	vsel vm0, $0xFFFFFFFF, v13;
	vm0 =	vmmov $0x3f  }
0x1d: {  	s7 =	smul.u32 $0x138C00, s7;
	[dreg:$0x9] =	wrdreg s21;
	s21 =	simm.s32 $0xA;
	[tilespmem:$0x1FF60] =	vst v13;
	v13 =	vcombine.low v14, v15;
	v14 =	vcombine.low v16, v17;
	v17 =	vimm.s32 $0x0  }
0x1e: {  	vm8 =	vmmov $0x7fff;
	s8 =	sor.u32 s4, s5;
	s5 =	sadd.s32 $0x2800, s1;
	s9 =	sshrl.u32 s26, $0x3;
	v17 =	vsel vm0, $0xFFFFFFFF, v17  }
0x1f: {  	vm2 =	vmmov $0x3fff;
	s14 =	sshrl.u32 s16, $0x1;
	s12 =	sshrl.u32 s17, $0x2;
	s6 =	sshrl.u32 s8, $0x3;
	vm0 =	vmmov $0x1f;
	[tilespmem:$0x1FF70] =	vst v17;
	v17 =	vimm.s32 $0x0  }
0x20: {  	vm12 =	vcmask $0x3F38;
	vm6 =	vmmov $0x1fff;
	s9 =	sadd.s32 s9, s1;
	s8 =	smul.u32 $0x5000, s8;
	s15 =	ssub.s32 s16, s14;
	v17 =	vsel vm0, $0xFFFFFFFF, v17  }
0x21: {  	vm4 =	vcmask $0x3F34;
	s12 =	sadd.s32 s12, s2;
	s16 =	sor.u32 $0x1C0A, s20;
	s22 =	sadd.s32 s26, s7;
	vm0 =	vmmov $0xf;
	[tilespmem:$0x1FF80] =	vst v17;
	v17 =	vimm.s32 $0x0  }
0x22: {  	vm13 =	vmmov $0xfff;
	vm15 =	vcmask $0x3F30;
	s23 =	sshrl.u32 s7, $0x3;
	s7 =	simm.s32 $0x7;
	s10 =	smul.u32 $0x13C00, s6;
	v17 =	vsel vm0, $0xFFFFFFFF, v17  }
0x23: {  	vm10 =	vmmov $0x7ff;
	vm1 =	vmmov $0x7;
	s6 =	sadd.s32 $0x16800, s1;
	s9 =	sadd.s32 $0x2AE00, s9;
	s3 =	sadd.s32 s13, s23;
	[tilespmem:$0x1FF90] =	vst v17;
	v17 =	vimm.s32 $0x0  }
0x24: {  	vm11 =	vcmask $0x3F2C;
	vm5 =	vmmov $0x3;
	s26 =	smax.u32 s15, $0x1;
	s17 =	sshrl.u32 s12, $0x3;
	[dreg:$0x8] =	wrdreg s16;
	v17 =	vsel vm1, $0xFFFFFFFF, v17  }
0x25: {  	s12 =	simm.s32 $0x1F040;
	s18 =	sshrl.u32 s8, $0x3;
	[dreg:$0x7] =	wrdreg s9;
	v18 =	vunpack.c.0.s8.s32 v5;
	v5 =	vimm.s32 $0x6543210F;
	[tilespmem:$0x1FFA0] =	vst v17;
	v17 =	vimm.s32 $0x0  }
0x26: {  	vm3 =	vmmov $0x1;
	s14 =	sor.u32 $0x400, s8;
	s25 =	sadd.s32 $0x27000, s3;
	[dreg:$0xe] =	wrdreg s26;
	v20 =	vunpack.c.l.s4.s8 v5;
	v17 =	vsel vm8, $0xFFFFFFFF, v17  }
0x27: {  	s3 =	simm.s32 $0x3;
	s8 =	simm.s32 $0x5;
	s9 =	simm.s32 $0x8;
	v0 =	vand.u32 $0xF, v0;
	v5 =	vand.u32 $0xF, v7;
	[tilespmem:$0x1FFB0] =	vst v17;
	v17 =	vimm.s32 $0x0  }
0x28: {  	[dreg:$0xf] =	wrdreg s17;
	s10 =	sor.u32 s11, s10;
	s19 =	sadd.s32 s5, s18;
	v7 =	vcombine.low v19, v18;
	v20 =	vunpack.c.0.s8.s32 v20;
	v17 =	vsel vm3, $0xFFFFFFFF, v17  }
0x29: {  	v1 =	vand.u32 $0xF, v1;
	v2 =	vimm.s32 $0x0;
	s11 =	sadd.s32 s6, s18;
	[dreg:$0xd] =	wrdreg s25;
	s25 =	simm.s32 $0x1000;
	[tilespmem:$0x1FFC0] =	vst v17;
	v17 =	vimm.s32 $0x0  }
0x2a: {  	s18 =	simm.s32 $0x80;
	s10 =	sshrl.u32 s10, $0x3;
	[dreg:$0x5] =	wrdreg s19;
	v6 =	vand.u32 $0xF, v7;
	v7 =	vcombine.low v21, v20;
	v17 =	vsel vm5, $0xFFFFFFFF, v17  }
0x2b: {  	v9 =	vand.u32 $0xF, v9;
	v11 =	vand.u32 $0xF, v11;
	[dreg:$0x6] =	wrdreg s11;
	s10 =	sadd.s32 s10, s1;
	s1 =	sadd.s32 $0x51E00, s1;
	[tilespmem:$0x1FFD0] =	vst v17;
	v17 =	vimm.s32 $0x0  }
0x2c: {  	[tilespmem:$0x1FF40] =	vst v24;
	s19 =	simm.s32 $0x6;
	[dreg:$0xa] =	wrdreg s1;
	s24 =	sadd.s32 $0x52000, s10;
	v12 =	vand.u32 $0xF, v12;
	v7 =	vand.u32 $0xF, v7;
	v17 =	vsel vm2, $0xFFFFFFFF, v17  }
0x2d: {  	s1 =	sshrl.u32 s22, $0x3;
	s22 =	simm.s32 $0x1C8C0;
	s10 =	simm.s32 $0x9;
	v15 =	vcombine.low v18, v19;
	v16 =	vcombine.low v20, v21;
	[tilespmem:$0x1FFE0] =	vst v17;
	v17 =	vimm.s32 $0x0  }
0x2e: {  	[dreg:$0xb] =	wrdreg s24;
	s1 =	sadd.s32 s13, s1;
	s24 =	simm.s32 $0x40;
	[tilespmem:$0x1FF50] =	vst v22;
	v13 =	vand.u32 $0xF, v13;
	v14 =	vand.u32 $0xF, v14;
	v17 =	vsel vm10, $0xFFFFFFFF, v17  }
0x2f: {  	s13 =	simm.s32 $0x0;
	[dreg:$0xc] =	wrdreg s1;
	s1 =	simm.s32 $0x7000;
	v15 =	vand.u32 $0xF, v15;
	v16 =	vand.u32 $0xF, v16;
	vm1 =	vcmask $0x3F0C;
	[tilespmem:$0x1FFF0] =	vst v17  }
.LBB2_1:
0x30: {  	s4 =	simm.s32 $0x0;
	s11 =	rddreg [dreg:$0x5]  }
0x31: {  	[tilespmem:s4], [sflag:$0x1] =	stream.linear.gather [hbm4b:s11+s4], $0x400, $0x38;
	[tilespmem:$0x1F0C0] =	vst v63  }
0x32: {  	s26 =	rddreg [dreg:$0x6];
	s15 =	simm.s32 $0x800  }
0x33: {  	[tilespmem:s15], [sflag:$0x1] =	stream.linear.gather [hbm4b:s26+s4], $0x400, $0x38;
	[tilespmem:$0x1F0C0] =	vst v63  }
0x34: {  	s15 =	rddreg [dreg:$0x7]  }
0x35: {  	[spmem:s17], [sflag:s16] =	dma.local [hbm:s15], $0x2700  }
0x36: {  	_ =	swait.ge [sflag:s21], $0x2700  }
0x37: {  	s11 =	rddreg [dreg:$0x9]  }
0x38: {  	[sflag:s21] =	ssyncset.done $0x0;
	s15 =	sshrl.u32 @!p0 s11, $0x3;
	s11 =	rddreg [dreg:$0xa]  }
0x39: {  	[sflag:s21] =	ssyncadd.s32 $0xFFFFD900;
	[dreg:$0x10] =	wrdreg s15  }
0x3a: {  	[spmem:s15], [sflag:s16] =	dma.local @!p0 [hbm:s11], $0x180  }
0x3b: {  	s16 =	simm.s32 @!p0 $0xA  }
0x3c: {  	_ =	swait.ge @!p0 [sflag:s16], $0x180  }
0x3d: {  	[sflag:s16] =	ssyncset.done @!p0 $0x0  }
0x3e: {  	s20 =	rddreg [dreg:$0x4];
	[sflag:s16] =	ssyncadd.s32 @!p0 $0xFFFFFE80  }
0x3f: {  	[tilespmem:s22], [sflag:$0xA] =	stream.linear.gather [hbm4b:s20+s4], $0x2780, $0x38;
	[tilespmem:$0x1F0C0] =	vst v63  }
0x40: {  	_ =	swait.ge [sflag:s21], $0x2780  }
0x41: {  	[sflag:s21] =	ssyncset.done $0x0  }
0x42: {  	s23 =	simm.s32 $0x1;
	[sflag:s21] =	ssyncadd.s32 $0xFFFFD880  }
0x43: {  	_ =	swait.ge [sflag:s23], $0x400  }
0x44: {  	[sflag:s23] =	ssyncset.done $0x0  }
0x45: {  	[sflag:s23] =	ssyncadd.s32 $0xFFFFFC00  }
0x46: {  	_ =	swait.ge [sflag:s23], $0x400  }
0x47: {  	[sflag:s23] =	ssyncset.done $0x0  }
0x48: {  	[sflag:s23] =	ssyncadd.s32 $0xFFFFFC00  }
0x49: {  	[tilespmem:s25], [sflag:$0x2] =	stream.indirect.gather [hbm4b:s0+s24], $0x80, s4, s24, $0xb8;
	[tilespmem:$0x1F0C0] =	vst v63  }
0x4a: {  	_ = 	snop  }
0x4b: {  	[tilespmem:s28], [sflag:$0x3] =	stream.indirect.gather [hbm4b:s0+s24], $0x80, s18, s24, $0xb8;
	[tilespmem:$0x1F0C0] =	vst v63  }
0x4c: {  	s26 =	simm.s32 $0x100  }
0x4d: {  	[tilespmem:s30], [sflag:$0x4] =	stream.indirect.gather [hbm4b:s0+s24], $0x80, s26, s24, $0xb8;
	[tilespmem:$0x1F0C0] =	vst v63  }
0x4e: {  	s16 =	simm.s32 $0x0;
	[bflag:$0x0] =	sbarrier.arrive $0xFFFF  }
.LBB2_2:
0x4f: {  	_ =	swait.ge [sflag:s31], $0x2000;
	s26 =	sshll.u32 s16, $0xA  }
0x50: {  	p1 =	seq.s32 s16, $0x0;
	[sflag:s31] =	ssyncset.done $0x0;
	s18 =	sand.u32 $0x400, s26  }
0x51: {  	s4 =	simm.s32 @!p1 $0x9;
	[sflag:s31] =	ssyncadd.s32 $0xFFFFE000;
	s17 =	sor.u32 $0x800, s18  }
0x52: {  	[spmem:s2] =	stream.indirect.scatter.add.f32 [tilespmem:s25], [sflag:$0x6], $0x80, s17, s24, $0xb8;
	[tilespmem:$0x1F0C0] =	vst v63  }
0x53: {  	_ =	swait.ge @!p1 [sflag:s4], $0x2000  }
0x54: {  	[sflag:s4] =	ssyncset.done @!p1 $0x0  }
0x55: {  	[sflag:s4] =	ssyncadd.s32 @!p1 $0xFFFFE000;
	s4 =	sor.u32 $0x180, s18  }
0x56: {  	[tilespmem:s1], [sflag:$0x5] =	stream.indirect.gather [hbm4b:s0+s24], $0x80, s4, s24, $0xb8;
	[tilespmem:$0x1F0C0] =	vst v63  }
0x57: {  	_ =	swait.ge [sflag:s3], $0x2000  }
0x58: {  	[sflag:s3] =	ssyncset.done $0x0  }
0x59: {  	s20 =	sadd.s32 $0x880, s18;
	p1 =	seq.s32 s16, $0x13;
	[sflag:s3] =	ssyncadd.s32 $0xFFFFE000  }
0x5a: {  	[spmem:s2] =	stream.indirect.scatter.add.f32 [tilespmem:s28], [sflag:$0x7], $0x80, s20, s24, $0xb8;
	[tilespmem:$0x1F0C0] =	vst v63  }
0x5b: {  	s20 =	sadd.s32 @!p1 s26, s14  }
0x5c: {  	s20 =	sshrl.u32 @!p1 s20, $0x3  }
0x5d: {  	s15 =	simm.s32 @!p1 $0x0;
	s26 =	sxor.u32 @!p1 $0x400, s18;
	s23 =	sadd.s32 @!p1 s5, s20  }
0x5e: {  	[tilespmem:s26], [sflag:$0x1] =	stream.linear.gather @!p1 [hbm4b:s23+s15], $0x400, $0x38;
	[tilespmem:$0x1F0C0] =	vst v63  }
0x5f: {  	s20 =	sadd.s32 @!p1 s6, s20;
	s23 =	sor.u32 @!p1 $0x800, s26  }
0x60: {  	[tilespmem:s23], [sflag:$0x1] =	stream.linear.gather @!p1 [hbm4b:s20+s15], $0x400, $0x38;
	[tilespmem:$0x1F0C0] =	vst v63  }
0x61: {  	_ =	swait.ge [sflag:s19], $0x2000  }
0x62: {  	[sflag:s19] =	ssyncset.done $0x0  }
0x63: {  	s23 =	sor.u32 $0x200, s18;
	[sflag:s19] =	ssyncadd.s32 $0xFFFFE000  }
0x64: {  	[tilespmem:s25], [sflag:$0x2] =	stream.indirect.gather [hbm4b:s0+s24], $0x80, s23, s24, $0xb8;
	[tilespmem:$0x1F0C0] =	vst v63  }
0x65: {  	_ =	swait.ge [sflag:s29], $0x2000  }
0x66: {  	[sflag:s29] =	ssyncset.done $0x0  }
0x67: {  	s11 =	sadd.s32 $0x900, s18;
	[sflag:s29] =	ssyncadd.s32 $0xFFFFE000  }
0x68: {  	[spmem:s2] =	stream.indirect.scatter.add.f32 [tilespmem:s30], [sflag:$0x8], $0x80, s11, s24, $0xb8;
	[tilespmem:$0x1F0C0] =	vst v63  }
0x69: {  	_ =	swait.ge [sflag:s7], $0x2000  }
0x6a: {  	[sflag:s7] =	ssyncset.done $0x0  }
0x6b: {  	s20 =	sor.u32 $0x280, s18;
	[sflag:s7] =	ssyncadd.s32 $0xFFFFE000  }
0x6c: {  	[tilespmem:s28], [sflag:$0x3] =	stream.indirect.gather [hbm4b:s0+s24], $0x80, s20, s24, $0xb8;
	[tilespmem:$0x1F0C0] =	vst v63  }
0x6d: {  	_ =	swait.ge [sflag:s8], $0x2000  }
0x6e: {  	[sflag:s8] =	ssyncset.done $0x0  }
0x6f: {  	s4 =	sor.u32 $0x800, s4;
	[sflag:s8] =	ssyncadd.s32 $0xFFFFE000  }
0x70: {  	[spmem:s2] =	stream.indirect.scatter.add.f32 [tilespmem:s1], [sflag:$0x9], $0x80, s4, s24, $0xb8;
	[tilespmem:$0x1F0C0] =	vst v63  }
0x71: {  	_ =	swait.ge [sflag:s9], $0x2000  }
0x72: {  	[sflag:s9] =	ssyncset.done $0x0  }
0x73: {  	s4 =	sor.u32 $0x300, s18;
	[sflag:s9] =	ssyncadd.s32 $0xFFFFE000  }
0x74: {  	[tilespmem:s30], [sflag:$0x4] =	stream.indirect.gather [hbm4b:s0+s24], $0x80, s4, s24, $0xb8;
	[tilespmem:$0x1F0C0] =	vst v63  }
0x75: {  	_ =	swait.ge [sflag:s31], $0x2000  }
0x76: {  	[sflag:s31] =	ssyncset.done $0x0  }
0x77: {  	s23 =	sor.u32 $0xA00, s18;
	[sflag:s31] =	ssyncadd.s32 $0xFFFFE000  }
0x78: {  	[spmem:s2] =	stream.indirect.scatter.add.f32 [tilespmem:s25], [sflag:$0x6], $0x80, s23, s24, $0xb8;
	[tilespmem:$0x1F0C0] =	vst v63  }
0x79: {  	_ =	swait.ge [sflag:s10], $0x2000  }
0x7a: {  	[sflag:s10] =	ssyncset.done $0x0  }
0x7b: {  	s15 =	sor.u32 $0x380, s18;
	[sflag:s10] =	ssyncadd.s32 $0xFFFFE000  }
0x7c: {  	[tilespmem:s1], [sflag:$0x5] =	stream.indirect.gather [hbm4b:s0+s24], $0x80, s15, s24, $0xb8;
	[tilespmem:$0x1F0C0] =	vst v63  }
0x7d: {  	_ =	swait.ge [sflag:s3], $0x2000  }
0x7e: {  	[sflag:s3] =	ssyncset.done $0x0  }
0x7f: {  	s11 =	sor.u32 $0xA80, s18;
	s20 =	simm.s32 @p1 $0x4;
	[sflag:s3] =	ssyncadd.s32 $0xFFFFE000  }
0x80: {  	[spmem:s2] =	stream.indirect.scatter.add.f32 [tilespmem:s28], [sflag:$0x7], $0x80, s11, s24, $0xb8;
	[tilespmem:$0x1F0C0] =	vst v63  }
0x81: {  	_ =	swait.ge @p1 [sflag:s20], $0x2000  }
0x82: {  	s23 =	simm.s32 @p1 $0x40;
	[sflag:s20] =	ssyncset.done @p1 $0x0  }
0x83: {  	s11 =	simm.s32 @p1 $0x5000;
	[sflag:s20] =	ssyncadd.s32 @p1 $0xFFFFE000;
	s20 =	sor.u32 @p1 $0x800, s4  }
0x84: {  	[spmem:s2] =	stream.indirect.scatter.add.f32 @p1 [tilespmem:s11], [sflag:$0x8], $0x80, s20, s23, $0xb8;
	[tilespmem:$0x1F0C0] =	vst v63  }
0x85: {  	s11 =	simm.s32 @!p1 $0x1  }
0x86: {  	_ =	swait.ge @!p1 [sflag:s11], $0x400  }
0x87: {  	[sflag:s11] =	ssyncset.done @!p1 $0x0  }
0x88: {  	[sflag:s11] =	ssyncadd.s32 @!p1 $0xFFFFFC00  }
0x89: {  	_ =	swait.ge @!p1 [sflag:s11], $0x400  }
0x8a: {  	[sflag:s11] =	ssyncset.done @!p1 $0x0  }
0x8b: {  	[sflag:s11] =	ssyncadd.s32 @!p1 $0xFFFFFC00;
	s11 =	simm.s32 @!p1 $0x6  }
0x8c: {  	_ =	swait.ge @!p1 [sflag:s11], $0x2000  }
0x8d: {  	[sflag:s11] =	ssyncset.done @!p1 $0x0  }
0x8e: {  	s20 =	simm.s32 @!p1 $0x1000;
	[sflag:s11] =	ssyncadd.s32 @!p1 $0xFFFFE000;
	s11 =	simm.s32 @!p1 $0x40  }
0x8f: {  	[tilespmem:s20], [sflag:$0x2] =	stream.indirect.gather @!p1 [hbm4b:s0+s11], $0x80, s26, s11, $0xb8;
	[tilespmem:$0x1F0C0] =	vst v63  }
0x90: {  	s20 =	simm.s32 @!p1 $0x4  }
0x91: {  	_ =	swait.ge @!p1 [sflag:s20], $0x2000  }
0x92: {  	[sflag:s20] =	ssyncset.done @!p1 $0x0  }
0x93: {  	s4 =	sor.u32 @!p1 $0x800, s4;
	[sflag:s20] =	ssyncadd.s32 @!p1 $0xFFFFE000;
	s20 =	simm.s32 @!p1 $0x5000  }
0x94: {  	[spmem:s2] =	stream.indirect.scatter.add.f32 @!p1 [tilespmem:s20], [sflag:$0x8], $0x80, s4, s11, $0xb8;
	[tilespmem:$0x1F0C0] =	vst v63  }
0x95: {  	s4 =	simm.s32 @!p1 $0x7  }
0x96: {  	_ =	swait.ge @!p1 [sflag:s4], $0x2000  }
0x97: {  	[sflag:s4] =	ssyncset.done @!p1 $0x0  }
0x98: {  	s23 =	simm.s32 @!p1 $0x3000;
	[sflag:s4] =	ssyncadd.s32 @!p1 $0xFFFFE000;
	s4 =	ssub.s32 @!p1 $0x480, s18  }
0x99: {  	[tilespmem:s23], [sflag:$0x3] =	stream.indirect.gather @!p1 [hbm4b:s0+s11], $0x80, s4, s11, $0xb8;
	[tilespmem:$0x1F0C0] =	vst v63  }
0x9a: {  	_ =	swait.ge [sflag:s8], $0x2000  }
0x9b: {  	[sflag:s8] =	ssyncset.done $0x0  }
0x9c: {  	s15 =	sor.u32 $0x800, s15;
	s4 =	simm.s32 @!p1 $0x8;
	[sflag:s8] =	ssyncadd.s32 $0xFFFFE000  }
0x9d: {  	[spmem:s2] =	stream.indirect.scatter.add.f32 [tilespmem:s1], [sflag:$0x9], $0x80, s15, s24, $0xb8;
	[tilespmem:$0x1F0C0] =	vst v63  }
0x9e: {  	_ =	swait.ge @!p1 [sflag:s4], $0x2000  }
0x9f: {  	[sflag:s4] =	ssyncset.done @!p1 $0x0  }
0xa0: {  	[sflag:s4] =	ssyncadd.s32 @!p1 $0xFFFFE000;
	s4 =	ssub.s32 @!p1 $0x500, s18;
	s18 =	simm.s32 $0x0  }
0xa1: {  	[tilespmem:s20], [sflag:$0x4] =	stream.indirect.gather @!p1 [hbm4b:s0+s11], $0x80, s4, s11, $0xb8;
	[tilespmem:$0x1F0C0] =	vst v63  }
0xa2: {  	s23 =	sand.u32 $0xE00, s18  }
0xa3: {  	s4 =	sshrl.u32 s23, $0x2  }
0xa4: {  	s26 =	sand.u32 $0x30, s18;
	s4 =	sadd.s32 s4, s17  }
0xa5: {  	s4 =	sadd.s32 s26, s4  }
0xa6: {  	v17 =	vld [tilespmem:s4+$0x0];
	_ =	sdelay $0x4  }
0xa7: {  	[tilespmem:$0x1F040] =	vst v17  }
0xa8: {  	v18 =	vld.idx.msk [tilespmem:v14+s12+$0x0], $0xffff  }
0xa9: {  	v19 =	vld.idx.msk [tilespmem:v4+s12+$0x0], $0xffff  }
0xaa: {  	v20 =	vld.idx.msk [tilespmem:v7+s12+$0x0], $0xffff  }
0xab: {  	v23 =	vld.idx.msk [tilespmem:v5+s12+$0x0], $0xffff  }
0xac: {  	v22 =	vld.idx.msk [tilespmem:v0+s12+$0x0], $0xffff;
	_ =	sdelay $0x1  }
0xad: {  	vm10 =	vmmov vm2;
	vm2 =	vmmov vm11;
	vm0 =	veq.s32 v17, v18  }
0xae: {  	v21 =	vld.idx.msk [tilespmem:v3+s12+$0x0], $0xffff;
	v18 =	vimm.s32 $0x0;
	vm11 =	veq.s32 v17, v20;
	vm5 =	veq.s32 v17, v19  }
0xaf: {  	v24 =	vld.idx.msk [tilespmem:v1+s12+$0x0], $0xffff;
	v20 =	vimm.s32 $0x0;
	vm3 =	veq.s32 v17, v23;
	v18 =	vsel vm0, $0xFFFFFFFF, v18  }
0xb0: {  	vm1 =	vmand vm0, vm1;
	vm0 =	veq.s32 v17, v22;
	[tilespmem:$0x1FF00] =	vst v18;
	v18 =	vimm.s32 $0x0  }
0xb1: {  	v20 =	vsel vm0, $0xFFFFFFFF, v20;
	vm7 =	vmand vm0, vm8;
	vm0 =	vcmask $0x3F24  }
0xb2: {  	v27 =	vld [tilespmem:$0x1FFA0];
	vm9 =	vmand vm5, vm15;
	v18 =	vsel vm11, $0xFFFFFFFF, v18;
	[tilespmem:$0x1FF20] =	vst v20;
	vm0 =	vmand vm11, vm0  }
0xb3: {  	v19 =	vld.idx.msk [tilespmem:v6+s12+$0x0], $0xffff;
	v20 =	vsel vm9, $0x1, v2;
	[tilespmem:$0x1FF10] =	vst v18;
	v18 =	vsel vm1, $0x1, v2;
	vm1 =	veq.s32 v17, v21  }
0xb4: {  	v54 =	vld [tilespmem:$0x1FF40];
	vm9 =	veq.s32 v17, v24;
	v21 =	vsel vm0, $0x1, v2;
	vm14 =	vmand vm1, vm4  }
0xb5: {  	v53 =	vld [tilespmem:$0x1FF00];
	vm0 =	vmand vm3, vm2;
	v22 =	vsel vm14, $0x1, v2;
	vm14 =	vmand vm9, vm10  }
0xb6: {  	v23 =	vsel vm0, $0x1, v2;
	v55 =	vld [tilespmem:$0x1FF10];
	vm0 =	vmor vm7, vm14;
	vm7 =	vmand vm9, vm12  }
0xb7: {  	v56 =	vld [tilespmem:$0x1FFF0];
	vm1 =	vmand vm1, vm6;
	v25 =	vsel vm7, $0x1, v2  }
0xb8: {  	v57 =	vld [tilespmem:$0x1FF30];
	vm7 =	veq.s32 v17, v19;
	vm1 =	vmor vm0, vm1;
	vm0 =	vcmask $0x3F28  }
0xb9: {  	vm5 =	vmand vm5, vm13;
	v28 =	vld [tilespmem:$0x1FF20];
	vm0 =	vmand vm7, vm0  }
0xba: {  	vm2 =	vnez.u8 v53;
	v26 =	vsel vm0, $0x1, v2;
	vm0 =	vnez.u8 v27  }
0xbb: {  	vm14 =	vmand vm2, vm0;
	vm0 =	vnez.u8 v54;
	vm2 =	vnez.u8 v55  }
0xbc: {  	v19 =	vld.idx.msk [tilespmem:v9+s12+$0x0], $0xffff;
	vm1 =	vmor vm1, vm5;
	vm5 =	vmand vm2, vm0;
	vm0 =	vnez.u8 v56  }
0xbd: {  	v59 =	vld [tilespmem:$0x1FF50];
	vm3 =	vmand vm3, vm0;
	vm0 =	vnez.u8 v57  }
0xbe: {  	v52 =	vld.idx.msk [tilespmem:v8+s12+$0x0], $0xffff;
	vm7 =	vmand vm7, vm0;
	vm0 =	vnez.u8 v28  }
0xbf: {  	v28 =	vnsel vm0, $0x1, v10  }
0xc0: {  	vm1 =	vmor vm1, vm3;
	v60 =	vadd.s32 v25, v28  }
0xc1: {  	vm1 =	vmor vm1, vm7;
	vm7 =	veq.s32 v17, v19;
	v19 =	vadd.s32 v22, v60;
	v22 =	vld [tilespmem:$0x1FF60];
	_ =	sdelay $0x1  }
0xc2: {  	v58 =	vld.idx.msk [tilespmem:v11+s12+$0x0], $0xffff;
	vm9 =	veq.s32 v17, v52;
	vm0 =	vnez.u8 v59  }
0xc3: {  	vm3 =	vmand vm9, vm0;
	vm0 =	vcmask $0x3F20;
	v19 =	vadd.s32 v20, v19;
	v20 =	vld [tilespmem:$0x1FF70]  }
0xc4: {  	vm1 =	vmor vm1, vm5;
	vm5 =	vmand vm9, vm0  }
0xc5: {  	v62 =	vsel vm5, $0x1, v2;
	vm0 =	vnez.u8 v22  }
0xc6: {  	v61 =	vld.idx.msk [tilespmem:v12+s12+$0x0], $0xffff;
	v19 =	vadd.s32 v23, v19;
	vm2 =	vmand vm7, vm0;
	vm0 =	vcmask $0x3F1C  }
0xc7: {  	v63 =	vld [tilespmem:$0x1FF90];
	vm5 =	vmand vm7, vm0;
	vm7 =	veq.s32 v17, v58;
	vm0 =	vcmask $0x3F18  }
0xc8: {  	v23 =	vsel vm5, $0x1, v2;
	vm5 =	vmand vm7, vm0;
	vm0 =	vnez.u8 v20;
	v20 =	vld [tilespmem:$0x1FF80]  }
0xc9: {  	v19 =	vadd.s32 v26, v19;
	v22 =	vld.idx.msk [tilespmem:v13+s12+$0x0], $0xffff  }
0xca: {  	vm11 =	vlt.s32 v17, $0x2710;
	v19 =	vadd.s32 v21, v19  }
0xcb: {  	vm9 =	vmor vm1, vm3;
	vm3 =	veq.s32 v17, v61;
	v24 =	vadd.s32 v62, v19  }
0xcc: {  	vm9 =	vmor vm9, vm2;
	vm1 =	vmand vm7, vm0;
	vm0 =	vcmask $0x3F14  }
0xcd: {  	v21 =	vsel vm5, $0x1, v2;
	vm7 =	vmand vm3, vm0;
	vm0 =	vnez.u8 v20  }
0xce: {  	v19 =	vld.idx.msk [tilespmem:v15+s12+$0x0], $0xffff;
	vm5 =	veq.s32 v17, v22;
	vm3 =	vmand vm3, vm0;
	vm0 =	vnez.u8 v63  }
0xcf: {  	s26 =	simm.s32 $0x80;
	v23 =	vadd.s32 v23, v24;
	v22 =	vsel vm7, $0x1, v2;
	v20 =	vld.idx.msk [tilespmem:v16+s12+$0x0], $0xffff;
	vm7 =	vmand vm5, vm0  }
.LBB2_3:
0xd0: {  	vm0 =	vcmask $0x3F10  }
0xd1: {  	v21 =	vadd.s32 v21, v23;
	vm5 =	vmand vm5, vm0  }
0xd2: {  	vm1 =	vmor vm9, vm1;
	v21 =	vadd.s32 v22, v21;
	v23 =	vsel vm5, $0x1, v2  }
0xd3: {  	vm1 =	vmor vm1, vm3;
	vm3 =	veq.s32 v17, v19;
	v19 =	vadd.s32 v23, v21;
	v21 =	vld [tilespmem:$0x1FFD0];
	_ =	sdelay $0x3  }
0xd4: {  	vm1 =	vmor vm1, vm7  }
0xd5: {  	vm0 =	vmor vm1, vm14;
	vm1 =	vnez.u8 v21  }
0xd6: {  	vm1 =	vmand vm3, vm1  }
0xd7: {  	vm0 =	vmor vm0, vm1;
	vm1 =	vcmask $0x3F08  }
0xd8: {  	vm1 =	vmand vm3, vm1;
	vm3 =	veq.s32 v17, v20;
	v20 =	vld [tilespmem:$0x1FFC0];
	_ =	sdelay $0x4  }
0xd9: {  	v18 =	vadd.s32 v18, v19;
	v19 =	vsel vm1, $0x1, v2;
	vm1 =	vnez.u8 v20  }
0xda: {  	vm1 =	vmand vm3, vm1  }
0xdb: {  	vm0 =	vmor vm0, vm1  }
0xdc: {  	vm0 =	vmneg vm0  }
0xdd: {  	vm2 =	vcmask $0x3F04;
	vm0 =	vmand vm11, vm0  }
0xde: {  	vm3 =	vmand vm3, vm2  }
0xdf: {  	s4 =	smov.u32 s26;
	v18 =	vadd.s32 v19, v18;
	v20 =	vsel vm3, $0x1, v2  }
0xe0: {  	s4 =	sand.u32 $0xE00, s4;
	v18 =	vadd.s32 v20, v18  }
0xe1: {  	s18 =	sadd.s32 $0x10, s18;
	s4 =	sshrl.u32 s4, $0x2;
	v18 =	vcvt.s32.f32 v18  }
0xe2: {  	s11 =	sand.u32 $0x30, s18;
	s4 =	sadd.s32 s4, s17  }
0xe3: {  	s4 =	sadd.s32 s11, s4;
	[tilespmem:v17+s22+$0x0] =	vst.idx.add.f32.msk vm0, v18  }
0xe4: {  	v17 =	vld [tilespmem:s4+$0x0];
	_ =	sdelay $0x4  }
0xe5: {  	[tilespmem:$0x1F040] =	vst v17  }
0xe6: {  	v18 =	vld.idx.msk [tilespmem:v14+s12+$0x0], $0xffff;
	_ =	sdelay $0x3  }
0xe7: {  	v19 =	vld.idx.msk [tilespmem:v4+s12+$0x0], $0xffff  }
0xe8: {  	vm1 =	veq.s32 v17, v18;
	v18 =	vld [tilespmem:$0x1FFA0];
	_ =	sdelay $0x1  }
0xe9: {  	v20 =	vld.idx.msk [tilespmem:v7+s12+$0x0], $0xffff  }
0xea: {  	v21 =	vld.idx.msk [tilespmem:v3+s12+$0x0], $0xffff  }
0xeb: {  	v22 =	vld.idx.msk [tilespmem:v0+s12+$0x0], $0xffff  }
0xec: {  	vm10 =	vcmask $0x3F24;
	vm11 =	veq.s32 v17, v19;
	v19 =	vld [tilespmem:$0x1FF40];
	vm0 =	vnez.u8 v18  }
0xed: {  	vm14 =	vmmov vm6;
	v18 =	vimm.s32 $0x0;
	vm0 =	vmand vm1, vm0  }
0xee: {  	v23 =	vld.idx.msk [tilespmem:v5+s12+$0x0], $0xffff;
	vm7 =	veq.s32 v17, v20;
	v18 =	vsel vm0, $0xFFFFFFFF, v18;
	vm0 =	vcmask $0x3F0C  }
0xef: {  	v20 =	vimm.s32 $0x0;
	vm1 =	vmand vm1, vm0;
	vm0 =	vlt.s32 v17, $0x2710  }
0xf0: {  	v25 =	vld.idx.msk [tilespmem:v1+s12+$0x0], $0xffff;
	vm9 =	veq.s32 v17, v21;
	vm3 =	veq.s32 v17, v22;
	v20 =	vsel vm0, $0xFFFFFFFF, v20  }
0xf1: {  	vm5 =	vmand vm11, vm13;
	vm11 =	vmand vm11, vm15;
	vm0 =	vnez.u8 v19;
	[tilespmem:$0x1FEE0] =	vst v20;
	v20 =	vld [tilespmem:$0x1FFF0]  }
0xf2: {  	v22 =	vld [tilespmem:$0x1FF30];
	v21 =	vsel vm11, $0x1, v2;
	v19 =	vimm.s32 $0x0;
	vm0 =	vmand vm7, vm0  }
0xf3: {  	v19 =	vsel vm0, $0xFFFFFFFF, v19;
	vm0 =	vmmov vm15;
	vm15 =	veq.s32 v17, v23;
	v23 =	vld [tilespmem:$0x1FFE0]  }
0xf4: {  	v24 =	vld.idx.msk [tilespmem:v6+s12+$0x0], $0xffff;
	[tilespmem:$0x1FED0] =	vst v18;
	v18 =	vsel vm1, $0x1, v2;
	vm1 =	vmmov vm13;
	vm13 =	vmand vm9, vm6  }
0xf5: {  	vm9 =	vmand vm9, vm4;
	vm4 =	vmand vm3, vm8;
	vm6 =	vmmov vm12  }
0xf6: {  	vm12 =	veq.s32 v17, v25;
	vm7 =	vmand vm7, vm10;
	vm2 =	vnez.u8 v20  }
0xf7: {  	vm10 =	vnez.u8 v22;
	v20 =	vld.idx.msk [tilespmem:v9+s12+$0x0], $0xffff;
	vm8 =	vmand vm15, vm2;
	vm2 =	vcmask $0x3F2C  }
0xf8: {  	v22 =	vsel vm7, $0x1, v2;
	vm7 =	vnez.u8 v23;
	vm15 =	vmand vm15, vm2  }
0xf9: {  	vm2 =	veq.s32 v17, v24;
	vm7 =	vmand vm12, vm7;
	v56 =	vsel vm15, $0x1, v2  }
0xfa: {  	v29 =	vld [tilespmem:$0x1FF50];
	vm15 =	vmmov vm0;
	vm4 =	vmor vm4, vm7;
	vm0 =	vcmask $0x3F28  }
0xfb: {  	[tilespmem:$0x1FEF0] =	vst v19;
	v19 =	vld.idx.msk [tilespmem:v8+s12+$0x0], $0xffff;
	vm11 =	vmand vm2, vm10;
	vm2 =	vmand vm2, vm0;
	vm4 =	vmor vm4, vm13  }
0xfc: {  	v27 =	vsel vm2, $0x1, v2;
	vm2 =	vmor vm4, vm5;
	vm5 =	veq.s32 v17, v20;
	v20 =	vld [tilespmem:$0x1FEF0];
	_ =	sdelay $0x1  }
0xfd: {  	vm7 =	vmand vm12, vm6  }
0xfe: {  	v23 =	vsel vm9, $0x1, v2;
	v58 =	vsel vm7, $0x1, v2  }
0xff: {  	v57 =	vld.idx.msk [tilespmem:v11+s12+$0x0], $0xffff;
	vm0 =	vnez.u8 v29;
	vm4 =	veq.s32 v17, v19;
	v19 =	vnsel vm3, $0x1, v10  }
0x100: {  	vm2 =	vmor vm2, vm8;
	vm3 =	vmand vm4, vm0;
	vm0 =	vnez.u8 v20;
	v20 =	vld [tilespmem:$0x1FF60]  }
0x101: {  	vm13 =	vmmov vm1;
	v19 =	vadd.s32 v58, v19;
	vm2 =	vmor vm2, vm11  }
0x102: {  	v19 =	vadd.s32 v23, v19;
	vm1 =	vmor vm2, vm0;
	vm0 =	vcmask $0x3F20  }
0x103: {  	v19 =	vadd.s32 v21, v19;
	v21 =	vld [tilespmem:$0x1FF70];
	vm2 =	vmand vm4, vm0  }
0x104: {  	v28 =	vld.idx.msk [tilespmem:v12+s12+$0x0], $0xffff;
	vm8 =	vmor vm1, vm3;
	v60 =	vsel vm2, $0x1, v2  }
0x105: {  	v62 =	vld [tilespmem:$0x1FF80];
	vm2 =	veq.s32 v17, v57;
	vm0 =	vnez.u8 v20;
	v20 =	vadd.s32 v56, v19  }
0x106: {  	v23 =	vld.idx.msk [tilespmem:v13+s12+$0x0], $0xffff;
	vm4 =	vmand vm5, vm0;
	vm0 =	vcmask $0x3F1C;
	v20 =	vadd.s32 v27, v20  }
0x107: {  	vm5 =	vmand vm5, vm0;
	vm0 =	vcmask $0x3F18;
	v22 =	vadd.s32 v22, v20  }
0x108: {  	v26 =	vld [tilespmem:$0x1FED0];
	vm7 =	vmand vm2, vm0;
	v61 =	vsel vm5, $0x1, v2;
	vm0 =	vnez.u8 v21  }
0x109: {  	v59 =	vld [tilespmem:$0x1FEE0];
	vm5 =	veq.s32 v17, v28;
	vm1 =	vmand vm2, vm0;
	vm0 =	vcmask $0x3F14  }
0x10a: {  	v63 =	vld [tilespmem:$0x1FF90];
	v22 =	vadd.s32 v60, v22;
	vm2 =	vmand vm5, vm0;
	vm0 =	vnez.u8 v62  }
0x10b: {  	p1 =	sne.s32 s26, $0xF80;
	vm3 =	vmand vm5, vm0;
	vm5 =	veq.s32 v17, v23;
	v23 =	vadd.s32 v61, v22;
	v22 =	vld [tilespmem:$0x1FFB0]  }
.Ltmp0:
0x10c: {  	_ = 	snop;
	(pc) =	sbr.rel @p1 .LBB2_3-.Ltmp0, $4  }
0x10d: {  	vm12 =	vmmov vm6;
	vm6 =	vmmov vm14  }
0x10e: {  	vm14 =	vnez.u8 v26;
	vm11 =	vnez.u8 v59;
	vm9 =	vmor vm8, vm4  }
0x10f: {  	v19 =	vld.idx.msk [tilespmem:v15+s12+$0x0], $0xffff;
	vm4 =	vcmask $0x3F34;
	v21 =	vsel vm7, $0x1, v2;
	vm0 =	vnez.u8 v63  }
0x110: {  	s26 =	sadd.s32 $0x80, s26;
	v20 =	vld.idx.msk [tilespmem:v16+s12+$0x0], $0xffff;
	vm7 =	vmand vm5, vm0;
	vm8 =	vnez.u8 v22;
	v22 =	vsel vm2, $0x1, v2  }
0x111: {  	_ =	sdelay $0x2  }
0x112: {  	vm2 =	veq.s32 v17, v19;
	v19 =	vld [tilespmem:$0x1FFD0];
	_ =	sdelay $0x2  }
0x113: {  	vm1 =	vmor vm9, vm1  }
0x114: {  	vm1 =	vmor vm1, vm3  }
0x115: {  	vm1 =	vmor vm1, vm7;
	vm7 =	vnez.u8 v19;
	v19 =	vld [tilespmem:$0x1FFC0];
	_ =	sdelay $0x1  }
0x116: {  	vm10 =	vcmask $0x3F10  }
0x117: {  	vm5 =	vmand vm5, vm10  }
0x118: {  	v62 =	vsel vm5, $0x1, v2;
	vm0 =	vmor vm1, vm14;
	vm3 =	veq.s32 v17, v20  }
0x119: {  	vm1 =	vmand vm2, vm7;
	vm9 =	vnez.u8 v19;
	v19 =	vadd.s32 v21, v23  }
0x11a: {  	vm0 =	vmor vm0, vm1;
	vm1 =	vmand vm3, vm9;
	v19 =	vadd.s32 v22, v19  }
0x11b: {  	vm0 =	vmor vm0, vm1;
	v19 =	vadd.s32 v62, v19;
	vm1 =	vcmask $0x3F08  }
0x11c: {  	vm0 =	vmneg vm0;
	vm1 =	vmand vm2, vm1;
	v18 =	vadd.s32 v18, v19  }
0x11d: {  	vm0 =	vmand vm11, vm0;
	v19 =	vsel vm1, $0x1, v2;
	vm1 =	vcmask $0x3F04  }
0x11e: {  	vm1 =	vmand vm3, vm1  }
0x11f: {  	v18 =	vadd.s32 v19, v18;
	v63 =	vsel vm1, $0x1, v2  }
0x120: {  	v18 =	vadd.s32 v63, v18  }
0x121: {  	v18 =	vcvt.s32.f32 v18;
	_ =	sdelay $0x1  }
0x122: {  	s16 =	sadd.s32 $0x1, s16;
	[tilespmem:v17+s22+$0x0] =	vst.idx.add.f32.msk vm0, v18  }
0x123: {  	p1 =	sne.s32 s16, $0x14;
	v17 =	vld [tilespmem:$0x1FFE0]  }
.Ltmp1:
0x124: {  	_ = 	snop;
	(pc) =	sbr.rel @p1 .LBB2_2-.Ltmp1, $2  }
0x125: {  	_ =	sdelay $0x2  }
0x126: {  	vm11 =	vcmask $0x3F2C;
	vm1 =	vcmask $0x3F0C;
	vm2 =	vnez.u8 v17  }
0x127: {  	s4 =	rddreg [dreg:$0xb];
	s18 =	simm.s32 $0x80;
	s11 =	simm.s32 $0x400  }
0x128: {  	[hbm4b:s4+s18] =	stream.strided.scatter [tilespmem:s22], [sflag:$0xA], $0x2780, s11, s18, $0x38;
	[tilespmem:$0x1F0C0] =	vst v63  }
0x129: {  	_ =	swait.ge [sflag:s21], $0x2780  }
0x12a: {  	[sflag:s21] =	ssyncset.done $0x0  }
0x12b: {  	[sflag:s21] =	ssyncadd.s32 $0xFFFFD880  }
0x12c: {  	_ =	swait.ge [sflag:s19], $0x2000  }
0x12d: {  	[sflag:s19] =	ssyncset.done $0x0  }
0x12e: {  	[sflag:s19] =	ssyncadd.s32 $0xFFFFE000  }
0x12f: {  	_ =	swait.ge [sflag:s7], $0x2000  }
0x130: {  	[sflag:s7] =	ssyncset.done $0x0  }
0x131: {  	[sflag:s7] =	ssyncadd.s32 $0xFFFFE000  }
0x132: {  	_ =	swait.ge [sflag:s9], $0x2000  }
0x133: {  	[sflag:s9] =	ssyncset.done $0x0  }
0x134: {  	[sflag:s9] =	ssyncadd.s32 $0xFFFFE000  }
0x135: {  	_ =	swait.ge [sflag:s10], $0x2000  }
0x136: {  	[sflag:s10] =	ssyncset.done $0x0  }
0x137: {  	[sflag:s10] =	ssyncadd.s32 $0xFFFFE000  }
0x138: {  	[bflag:$0x0] =	sbarrier.arrive $0xFFFF  }
0x139: {  	s16 =	rddreg [dreg:$0x8]  }
0x13a: {  	s23 =	rddreg [dreg:$0xc]  }
0x13b: {  	s17 =	rddreg [dreg:$0xf]  }
0x13c: {  	[hbm:s23], [sflag:s16] =	dma.local [spmem:s17], $0x2700  }
0x13d: {  	_ =	swait.ge [sflag:s21], $0x2700  }
0x13e: {  	[sflag:s21] =	ssyncset.done $0x0;
	s4 =	rddreg [dreg:$0xd]  }
0x13f: {  	s11 =	rddreg [dreg:$0x10];
	[sflag:s21] =	ssyncadd.s32 $0xFFFFD900  }
0x140: {  	[hbm:s4], [sflag:s16] =	dma.local @!p0 [spmem:s11], $0x180  }
0x141: {  	s4 =	simm.s32 @!p0 $0xA  }
0x142: {  	_ =	swait.ge @!p0 [sflag:s4], $0x180  }
0x143: {  	s13 =	sadd.s32 $0x1, s13;
	s26 =	rddreg [dreg:$0xe]  }
0x144: {  	p1 =	sne.s32 s13, s26  }
.Ltmp2:
0x145: {  	_ = 	snop;
	(pc) =	sbr.rel @p1 .LBB2_1-.Ltmp2, $3  }
0x146: {  	_ =	sdelay $0x1  }
0x147: {  	[sflag:s4] =	ssyncset.done @!p0 $0x0  }
0x148: {  	[sflag:s4] =	ssyncadd.s32 @!p0 $0xFFFFFE80  }
0x149: {  	_ =	sfence.sel $0x180000  }
0x14a: {  	[bflag:$0x0] =	sbarrier.arrive $0xFFFF  }
0x14b: {  	_ =	strace $0x90000047  }
0x14c: {  	s0 =	stileid.u32;
	[bflag:$0x2] =	sbarrier.arrive $0xFFFF  }
0x14d: {  	p0 =	sne.s32 s0, $0x0;
	s0 =	rddreg [dreg:$0x3]  }
0x14e: {  	s0 =	sadd.s32 @!p0 $0x100000, s0  }
0x14f: {  	[sflag:s0] =	ssyncadd.tile.s32 @!p0 $0x1;
	_ =	shalt  }
.Lfunc_end2:
_tile_overlayer_lowered:
.L_overlay_start_2:
0x150: {  	(tag) =	ssettag $0x2  }
0x151: {  	s0 =	rddreg [dreg:$0x0];
	s2 =	stileid.u32  }
0x152: {  	s1 =	rddreg [dreg:$0x1];
	p0 =	sne.s32 s2, $0x0  }
0x153: {  	s3 =	rddreg [dreg:$0x2];
	[bflag:$0x3] =	sbarrier.arrive $0xFFFF;
	s2 =	simm.s32 @!p0 $0x1C0A  }
0x154: {  	[timem:s3], [sflag:s2] =	dma.local @!p0 [hbm:s0], s1  }
0x155: {  	s0 =	simm.s32 @!p0 $0xA  }
0x156: {  	_ =	swait.ge @!p0 [sflag:s0], s1  }
0x157: {  	s1 =	ssub.s32 @!p0 $0x0, s1;
	[sflag:s0] =	ssyncset.done @!p0 $0x0  }
0x158: {  	[sflag:s0] =	ssyncadd.s32 @!p0 s1  }
0x159: {  	[bflag:$0x3] =	sbarrier.arrive $0xFFFF  }
0x15a: {  	_ =	shalt  }

</sc_bundles>
